<compile_context>
chip_gen: v7x
topology: tpu7x:2x2x1
jax: 0.10.2.dev20260603
libtpu: 0.0.44.dev20260713+nightly
codegen_flags: <defaults>
</compile_context>

<pallas_src>
import functools

import jax
import jax.numpy as jnp
from jax import lax
from jax.experimental import pallas as pl
from jax.experimental.pallas import tpu as pltpu
from jax.experimental.pallas import tpu_sc as plsc

S = 14
D = 14
BATCH = 1024
PLANES = S * S
NC = 2
NS = 16
NW = NC * NS
LANES = 16

BASE_PLANES = PLANES // NW
EXTRA_FROM = NW - (PLANES - BASE_PLANES * NW)
JVECS = BATCH // LANES


def _sqrt_nr(x):
    i = lax.bitcast_convert_type(x, jnp.int32)
    i = jnp.int32(0x5F3759DF) - lax.shift_right_arithmetic(i, 1)
    y = lax.bitcast_convert_type(i, jnp.float32)
    for _ in range(3):
        y = y * (1.5 - 0.5 * x * y * y)
    return x * y


def _plane_loss(bp, bt, acc0):
    @plsc.parallel_loop(0, JVECS, carry=acc0, unroll=4)
    def body(j, acc):
        b0 = j * LANES

        def gp(c):
            return bp[c, pl.ds(b0, LANES)]

        def gt(c):
            return bt[c, pl.ds(b0, LANES)]

        p0, t0 = gp(0), gt(0)
        p1, t1 = gp(1), gt(1)
        p2, t2 = gp(2), gt(2)
        p3, t3 = gp(3), gt(3)
        p4, t4 = gp(4), gt(4)
        p9, t9 = gp(9), gt(9)

        d0 = p0 - t0
        d1 = p1 - t1
        loc = d0 * d0 + d1 * d1
        loc = loc + (p2 + t2 - 2.0 * _sqrt_nr(p2 * t2))
        loc = loc + (p3 + t3 - 2.0 * _sqrt_nr(p3 * t3))

        cls = jnp.zeros((LANES,), jnp.float32)
        for c in range(10, 14):
            dc = gp(c) - gt(c)
            cls = cls + dc * dc

        d4 = p4 - t4
        d9 = p9 - t9
        zero = jnp.zeros((LANES,), jnp.float32)
        one = jnp.ones((LANES,), jnp.float32)
        coo = jnp.where(t4 > 0.0, one, zero)
        noo = jnp.where(t4 == 0.0, one, zero)

        cell = coo * (5.0 * loc + 2.0 * p4 * p4 + p9 * p9 + cls)
        cell = cell + 0.5 * noo * (d4 * d4 + d9 * d9)
        return acc + cell

    return body


def _make_sc_call():
    mesh = plsc.VectorSubcoreMesh(core_axis_name="c", subcore_axis_name="s")

    @functools.partial(
        pl.kernel,
        mesh=mesh,
        compiler_params=pltpu.CompilerParams(needs_layout_passes=False),
        out_type=jax.ShapeDtypeStruct((NW, LANES), jnp.float32),
        scratch_types=[
            pltpu.VMEM((D, BATCH), jnp.float32),
            pltpu.VMEM((D, BATCH), jnp.float32),
            pltpu.VMEM((D, BATCH), jnp.float32),
            pltpu.VMEM((D, BATCH), jnp.float32),
            pltpu.VMEM((LANES,), jnp.float32),
            pltpu.SemaphoreType.DMA,
            pltpu.SemaphoreType.DMA,
            pltpu.SemaphoreType.DMA,
            pltpu.SemaphoreType.DMA,
        ],
    )
    def sc_loss(pred_hbm, targ_hbm, out_hbm,
                bp0, bp1, bt0, bt1, acc_v, sp0, sp1, st0, st1):
        wid = lax.axis_index("s") * NC + lax.axis_index("c")
        pbase = wid * BASE_PLANES

        bps = (bp0, bp1)
        bts = (bt0, bt1)
        sps = (sp0, sp1)
        sts = (st0, st1)

        def start(plane, buf):
            pltpu.async_copy(pred_hbm.at[plane], bps[buf], sps[buf])
            pltpu.async_copy(targ_hbm.at[plane], bts[buf], sts[buf])

        def wait(buf):
            pltpu.make_async_copy(pred_hbm.at[0], bps[buf], sps[buf]).wait()
            pltpu.make_async_copy(targ_hbm.at[0], bts[buf], sts[buf]).wait()

        start(pbase, 0)
        start(pbase + 1, 1)

        npairs = BASE_PLANES // 2

        def body(s, acc):
            wait(0)
            acc = _plane_loss(bp0, bt0, acc)

            @pl.when(s < npairs - 1)
            def _():
                start(pbase + 2 * s + 2, 0)

            wait(1)
            acc = _plane_loss(bp1, bt1, acc)

            @pl.when(s < npairs - 1)
            def _():
                start(pbase + 2 * s + 3, 1)

            return acc

        acc = lax.fori_loop(0, npairs, body, jnp.zeros((LANES,), jnp.float32))

        @pl.when(wid >= EXTRA_FROM)
        def _():
            start(BASE_PLANES * NW + (wid - EXTRA_FROM), 0)
            wait(0)
            acc_v[...] = _plane_loss(bp0, bt0, jnp.zeros((LANES,), jnp.float32))

        @pl.when(wid < EXTRA_FROM)
        def _():
            acc_v[...] = jnp.zeros((LANES,), jnp.float32)

        acc_v[...] = (acc + acc_v[...]) * (1.0 / BATCH)
        pltpu.sync_copy(acc_v, out_hbm.at[wid])

    return sc_loss


_sc_loss_call = _make_sc_call()


def kernel(pred_tensor, target_tensor):
    pt = jnp.transpose(pred_tensor, (1, 2, 3, 0)).reshape(PLANES, D, BATCH)
    tt = jnp.transpose(target_tensor, (1, 2, 3, 0)).reshape(PLANES, D, BATCH)
    partials = _sc_loss_call(pt, tt)
    return jnp.sum(partials)

# --- scband reference (transcript-rebuilt; emitter-appended) ---
"""Pipeline reference for scband-yolo-loss-16604343566386 (READ-ONLY COPY).

The authoritative reference and input builder live on the scoring server;
editing this copy changes nothing except your own understanding.
"""

import jax, jax.numpy as jnp
import numpy as np

S = 14
B = 2
CLASS_NUM = 4
L_COORD = 5.0
L_NOOBJ = 0.5
BATCH = 1024
D = B * 5 + CLASS_NUM  # 14 channels


def setup_inputs(seed: int = 0) -> dict:
    key = jax.random.key(seed)
    k1, k2, k3, k4 = jax.random.split(key, 4)
    # pred in (0.05, 0.95) so sqrt(w), sqrt(h) are differentiable/finite (matches torch usage)
    pred = jax.random.uniform(k1, (BATCH, S, S, D), dtype=jnp.float32) * 0.9 + 0.05
    # structured YOLOv1-style target: ~30% of cells contain an object,
    # both B box slots carry the same gt box (standard target encoding)
    conf = (jax.random.uniform(k2, (BATCH, S, S), dtype=jnp.float32) < 0.3).astype(jnp.float32)
    box = jax.random.uniform(k3, (BATCH, S, S, 4), dtype=jnp.float32) * 0.9 + 0.05
    cls_idx = jax.random.randint(k4, (BATCH, S, S), 0, CLASS_NUM)
    cls = jax.nn.one_hot(cls_idx, CLASS_NUM, dtype=jnp.float32)
    c = conf[..., None]
    target = jnp.concatenate([box, c, box, c, cls * c], axis=-1)
    return {"pred_tensor": pred, "target_tensor": target}


def _yolo_loss(pred, target, coo_mask, noo_mask):
    N = pred.shape[0]
    pred2 = pred.reshape(-1, D)
    targ2 = target.reshape(-1, D)
    # cells with / without objects handled via fixed-shape 0/1 masks
    box_pred = pred2[:, :10].reshape(-1, 2, 5)
    box_targ = targ2[:, :10].reshape(-1, 2, 5)
    class_pred = pred2[:, 10:]
    class_targ = targ2[:, 10:]
    # no-object confidence loss (columns 4 and 9 only, sum-reduction MSE)
    nooobj_loss = jnp.sum(noo_mask * (pred2[:, 4] - targ2[:, 4]) ** 2) + jnp.sum(noo_mask * (pred2[:, 9] - targ2[:, 9]) ** 2)
    # per-cell IoU between the B predicted boxes and the gt box.
    # NOTE: faithfully reproduces the compute_iou bug in the source, where
    # rb = min(box1[:, :2], box2[:, :2]) (uses top-left instead of bottom-right),
    # so inter == 0 and iou == 0 everywhere; argmax ties resolve to index 0 (torch .max semantics).
    b1xy = box_pred[:, :, :2] / S
    b1wh = box_pred[:, :, 2:4]
    b1 = jnp.concatenate([b1xy - 0.5 * b1wh, b1xy + 0.5 * b1wh], axis=-1)  # [C,2,4]
    b2row = box_targ[:, 0, :]
    b2xy = b2row[:, :2] / S
    b2wh = b2row[:, 2:4]
    b2 = jnp.concatenate([b2xy - 0.5 * b2wh, b2xy + 0.5 * b2wh], axis=-1)  # [C,4]
    lt = jnp.maximum(b1[:, :, :2], b2[:, None, :2])
    rb = jnp.minimum(b1[:, :, :2], b2[:, None, :2])  # faithful bug: should be [:, 2:]
    wh = jnp.clip(rb - lt, 0.0, None)
    inter = wh[..., 0] * wh[..., 1]
    area1 = (b1[..., 2] - b1[..., 0]) * (b1[..., 3] - b1[..., 1])
    area2 = (b2[:, 2] - b2[:, 0]) * (b2[:, 3] - b2[:, 1])
    iou = inter / (area1 + area2[:, None] - inter)  # [C,2]
    max_index = jnp.argmax(iou, axis=1)
    max_iou = jax.lax.stop_gradient(jnp.max(iou, axis=1))  # torch used .data (detached)
    idx = max_index[:, None, None]
    box_pred_resp = jnp.take_along_axis(box_pred, idx, axis=1)[:, 0, :]
    box_targ_resp = jnp.take_along_axis(box_targ, idx, axis=1)[:, 0, :]
    box_pred_not = jnp.take_along_axis(box_pred, 1 - idx, axis=1)[:, 0, :]
    contain_loss = jnp.sum(coo_mask * (box_pred_resp[:, 4] - max_iou) ** 2)
    loc_loss = jnp.sum(coo_mask[:, None] * (box_pred_resp[:, :2] - box_targ_resp[:, :2]) ** 2) + jnp.sum(coo_mask[:, None] * (jnp.sqrt(box_pred_resp[:, 2:4]) - jnp.sqrt(box_targ_resp[:, 2:4])) ** 2)
    not_contain_loss = jnp.sum(coo_mask * box_pred_not[:, 4] ** 2)  # target confidence zeroed, as in source
    class_loss = jnp.sum(coo_mask[:, None] * (class_pred - class_targ) ** 2)
    return (L_COORD * loc_loss + 2.0 * contain_loss + not_contain_loss + L_NOOBJ * nooobj_loss + class_loss) / N


def reference(pred_tensor, target_tensor):
    conf = target_tensor[:, :, :, 4].reshape(-1)
    coo_mask = (conf > 0).astype(pred_tensor.dtype)
    noo_mask = (conf == 0).astype(pred_tensor.dtype)
    return _yolo_loss(pred_tensor, target_tensor, coo_mask, noo_mask)


if False:  # reference __main__ guard neutralized (emitter)
    out = reference(**setup_inputs())
    print(out)

if __name__ == "__main__":
    import jax
    _d = setup_inputs()
    print(jax.jit(kernel)(*tuple(_d.values())))

</pallas_src>

<mosaic_0001>
#map = affine_map<(d0, d1) -> (0, 0, 0)>
#map1 = affine_map<(d0, d1) -> (0, 0)>
module attributes {stable_mosaic.version = 14 : i64} {
  func.func @sc_loss(%arg0: i32, %arg1: i32, %arg2: memref<196x14x1024xf32, #tpu.memory_space<hbm>>, %arg3: memref<196x14x1024xf32, #tpu.memory_space<hbm>>, %arg4: memref<32x16xf32, #tpu.memory_space<hbm>>, %arg5: memref<14x1024xf32, #tpu.memory_space<vmem>>, %arg6: memref<14x1024xf32, #tpu.memory_space<vmem>>, %arg7: memref<14x1024xf32, #tpu.memory_space<vmem>>, %arg8: memref<14x1024xf32, #tpu.memory_space<vmem>>, %arg9: memref<16xf32, #tpu.memory_space<vmem>>, %arg10: memref<!tpu.dma_semaphore, #tpu.memory_space<semaphore_mem>>, %arg11: memref<!tpu.dma_semaphore, #tpu.memory_space<semaphore_mem>>, %arg12: memref<!tpu.dma_semaphore, #tpu.memory_space<semaphore_mem>>, %arg13: memref<!tpu.dma_semaphore, #tpu.memory_space<semaphore_mem>>) attributes {dimension_semantics = [#tpu.dimension_semantics<core_parallel>, #tpu.dimension_semantics<subcore_parallel>], iteration_bounds = array<i64: 2, 16>, scalar_prefetch = 0 : i64, scratch_operands = 9 : i64, tpu.core_type = #tpu.core_type<sc_vector_subcore>, window_params = [{transform_indices = #map}, {transform_indices = #map}, {transform_indices = #map1}]} {
    %mul3A = arith.constant 2 : i32
    %mul3A_0 = arith.muli %arg1, %mul3A : i32
    %add3A = arith.addi %mul3A_0, %arg0 : i32
    %mul3A_1 = arith.constant 6 : i32
    %mul3A_2 = arith.muli %add3A, %mul3A_1 : i32
    %dma_start3A = arith.constant 0 : i32
    %dma_start3A_3 = arith.constant 0 : i32
    %dma_start3A_4 = tpu.memref_slice %arg2[%mul3A_2, %dma_start3A, %dma_start3A_3] : memref<196x14x1024xf32, #tpu.memory_space<hbm>> -> memref<1x14x1024xf32, #tpu.memory_space<hbm>>
    %dma_start3A_5 = tpu.memref_squeeze %dma_start3A_4 : memref<1x14x1024xf32, #tpu.memory_space<hbm>> -> memref<14x1024xf32, #tpu.memory_space<hbm>>
    %dma_start3A_6 = arith.constant 0 : i32
    %dma_start3A_7 = arith.constant 0 : i32
    %dma_start3A_8 = tpu.memref_slice %arg2[%mul3A_2, %dma_start3A_6, %dma_start3A_7] : memref<196x14x1024xf32, #tpu.memory_space<hbm>> -> memref<1x14x1024xf32, #tpu.memory_space<hbm>>
    %dma_start3A_9 = tpu.memref_squeeze %dma_start3A_8 : memref<1x14x1024xf32, #tpu.memory_space<hbm>> -> memref<14x1024xf32, #tpu.memory_space<hbm>>
    tpu.enqueue_dma source(%dma_start3A_9 : memref<14x1024xf32, #tpu.memory_space<hbm>>) target(%arg5 : memref<14x1024xf32, #tpu.memory_space<vmem>>) target_semaphore(%arg10 : memref<!tpu.dma_semaphore, #tpu.memory_space<semaphore_mem>>)
    %dma_start3A_10 = arith.constant 0 : i32
    %dma_start3A_11 = arith.constant 0 : i32
    %dma_start3A_12 = tpu.memref_slice %arg3[%mul3A_2, %dma_start3A_10, %dma_start3A_11] : memref<196x14x1024xf32, #tpu.memory_space<hbm>> -> memref<1x14x1024xf32, #tpu.memory_space<hbm>>
    %dma_start3A_13 = tpu.memref_squeeze %dma_start3A_12 : memref<1x14x1024xf32, #tpu.memory_space<hbm>> -> memref<14x1024xf32, #tpu.memory_space<hbm>>
    %dma_start3A_14 = arith.constant 0 : i32
    %dma_start3A_15 = arith.constant 0 : i32
    %dma_start3A_16 = tpu.memref_slice %arg3[%mul3A_2, %dma_start3A_14, %dma_start3A_15] : memref<196x14x1024xf32, #tpu.memory_space<hbm>> -> memref<1x14x1024xf32, #tpu.memory_space<hbm>>
    %dma_start3A_17 = tpu.memref_squeeze %dma_start3A_16 : memref<1x14x1024xf32, #tpu.memory_space<hbm>> -> memref<14x1024xf32, #tpu.memory_space<hbm>>
    tpu.enqueue_dma source(%dma_start3A_17 : memref<14x1024xf32, #tpu.memory_space<hbm>>) target(%arg7 : memref<14x1024xf32, #tpu.memory_space<vmem>>) target_semaphore(%arg12 : memref<!tpu.dma_semaphore, #tpu.memory_space<semaphore_mem>>)
    %add3A_18 = arith.constant 1 : i32
    %add3A_19 = arith.addi %mul3A_2, %add3A_18 : i32
    %dma_start3A_20 = arith.constant 0 : i32
    %dma_start3A_21 = arith.constant 0 : i32
    %dma_start3A_22 = tpu.memref_slice %arg2[%add3A_19, %dma_start3A_20, %dma_start3A_21] : memref<196x14x1024xf32, #tpu.memory_space<hbm>> -> memref<1x14x1024xf32, #tpu.memory_space<hbm>>
    %dma_start3A_23 = tpu.memref_squeeze %dma_start3A_22 : memref<1x14x1024xf32, #tpu.memory_space<hbm>> -> memref<14x1024xf32, #tpu.memory_space<hbm>>
    %dma_start3A_24 = arith.constant 0 : i32
    %dma_start3A_25 = arith.constant 0 : i32
    %dma_start3A_26 = tpu.memref_slice %arg2[%add3A_19, %dma_start3A_24, %dma_start3A_25] : memref<196x14x1024xf32, #tpu.memory_space<hbm>> -> memref<1x14x1024xf32, #tpu.memory_space<hbm>>
    %dma_start3A_27 = tpu.memref_squeeze %dma_start3A_26 : memref<1x14x1024xf32, #tpu.memory_space<hbm>> -> memref<14x1024xf32, #tpu.memory_space<hbm>>
    tpu.enqueue_dma source(%dma_start3A_27 : memref<14x1024xf32, #tpu.memory_space<hbm>>) target(%arg6 : memref<14x1024xf32, #tpu.memory_space<vmem>>) target_semaphore(%arg11 : memref<!tpu.dma_semaphore, #tpu.memory_space<semaphore_mem>>)
    %dma_start3A_28 = arith.constant 0 : i32
    %dma_start3A_29 = arith.constant 0 : i32
    %dma_start3A_30 = tpu.memref_slice %arg3[%add3A_19, %dma_start3A_28, %dma_start3A_29] : memref<196x14x1024xf32, #tpu.memory_space<hbm>> -> memref<1x14x1024xf32, #tpu.memory_space<hbm>>
    %dma_start3A_31 = tpu.memref_squeeze %dma_start3A_30 : memref<1x14x1024xf32, #tpu.memory_space<hbm>> -> memref<14x1024xf32, #tpu.memory_space<hbm>>
    %dma_start3A_32 = arith.constant 0 : i32
    %dma_start3A_33 = arith.constant 0 : i32
    %dma_start3A_34 = tpu.memref_slice %arg3[%add3A_19, %dma_start3A_32, %dma_start3A_33] : memref<196x14x1024xf32, #tpu.memory_space<hbm>> -> memref<1x14x1024xf32, #tpu.memory_space<hbm>>
    %dma_start3A_35 = tpu.memref_squeeze %dma_start3A_34 : memref<1x14x1024xf32, #tpu.memory_space<hbm>> -> memref<14x1024xf32, #tpu.memory_space<hbm>>
    tpu.enqueue_dma source(%dma_start3A_35 : memref<14x1024xf32, #tpu.memory_space<hbm>>) target(%arg8 : memref<14x1024xf32, #tpu.memory_space<vmem>>) target_semaphore(%arg13 : memref<!tpu.dma_semaphore, #tpu.memory_space<semaphore_mem>>)
    %broadcast_in_dim3A = arith.constant 0.000000e+00 : f32
    %broadcast_in_dim3A_36 = vector.broadcast %broadcast_in_dim3A : f32 to vector<16xf32>
    %scan3A = arith.constant 0 : i32
    %scan3A_37 = arith.constant 3 : i32
    %scan3A_38 = arith.addi %scan3A, %scan3A_37 : i32
    %scan3A_39 = arith.constant 1 : i32
    %scan3A_40 = scf.for %scan3A_54 = %scan3A to %scan3A_38 step %scan3A_39 iter_args(%scan3A_55 = %broadcast_in_dim3A_36) -> (vector<16xf32>)  : i32 {
      %dma_wait3A = arith.constant 0 : i32
      %dma_wait3A_56 = arith.constant 0 : i32
      %dma_wait3A_57 = arith.constant 0 : i32
      %dma_wait3A_58 = tpu.memref_slice %arg2[%dma_wait3A, %dma_wait3A_56, %dma_wait3A_57] : memref<196x14x1024xf32, #tpu.memory_space<hbm>> -> memref<1x14x1024xf32, #tpu.memory_space<hbm>>
      %dma_wait3A_59 = tpu.memref_squeeze %dma_wait3A_58 : memref<1x14x1024xf32, #tpu.memory_space<hbm>> -> memref<14x1024xf32, #tpu.memory_space<hbm>>
      %dma_wait3A_60 = arith.constant 0 : i32
      %dma_wait3A_61 = arith.constant 0 : i32
      %dma_wait3A_62 = tpu.memref_slice %arg2[%dma_wait3A, %dma_wait3A_60, %dma_wait3A_61] : memref<196x14x1024xf32, #tpu.memory_space<hbm>> -> memref<1x14x1024xf32, #tpu.memory_space<hbm>>
      %dma_wait3A_63 = tpu.memref_squeeze %dma_wait3A_62 : memref<1x14x1024xf32, #tpu.memory_space<hbm>> -> memref<14x1024xf32, #tpu.memory_space<hbm>>
      tpu.wait_dma2 semaphore(%arg10 : memref<!tpu.dma_semaphore, #tpu.memory_space<semaphore_mem>>) src(%dma_wait3A_63 : memref<14x1024xf32, #tpu.memory_space<hbm>>) dst(%arg5 : memref<14x1024xf32, #tpu.memory_space<vmem>>)
      %dma_wait3A_64 = arith.constant 0 : i32
      %dma_wait3A_65 = arith.constant 0 : i32
      %dma_wait3A_66 = arith.constant 0 : i32
      %dma_wait3A_67 = tpu.memref_slice %arg3[%dma_wait3A_64, %dma_wait3A_65, %dma_wait3A_66] : memref<196x14x1024xf32, #tpu.memory_space<hbm>> -> memref<1x14x1024xf32, #tpu.memory_space<hbm>>
      %dma_wait3A_68 = tpu.memref_squeeze %dma_wait3A_67 : memref<1x14x1024xf32, #tpu.memory_space<hbm>> -> memref<14x1024xf32, #tpu.memory_space<hbm>>
      %dma_wait3A_69 = arith.constant 0 : i32
      %dma_wait3A_70 = arith.constant 0 : i32
      %dma_wait3A_71 = tpu.memref_slice %arg3[%dma_wait3A_64, %dma_wait3A_69, %dma_wait3A_70] : memref<196x14x1024xf32, #tpu.memory_space<hbm>> -> memref<1x14x1024xf32, #tpu.memory_space<hbm>>
      %dma_wait3A_72 = tpu.memref_squeeze %dma_wait3A_71 : memref<1x14x1024xf32, #tpu.memory_space<hbm>> -> memref<14x1024xf32, #tpu.memory_space<hbm>>
      tpu.wait_dma2 semaphore(%arg12 : memref<!tpu.dma_semaphore, #tpu.memory_space<semaphore_mem>>) src(%dma_wait3A_72 : memref<14x1024xf32, #tpu.memory_space<hbm>>) dst(%arg7 : memref<14x1024xf32, #tpu.memory_space<vmem>>)
      %parallel_loop3A = arith.constant 0 : i32
      %parallel_loop3A_73 = arith.constant 64 : i32
      %parallel_loop3A_74 = arith.constant 1 : i32
      %parallel_loop3A_75 = scf.for %parallel_loop3A_108 = %parallel_loop3A to %parallel_loop3A_73 step %parallel_loop3A_74 iter_args(%parallel_loop3A_109 = %scan3A_55) -> (vector<16xf32>)  : i32 {
        %parallel_loop3A_110 = arith.constant 16 : i32
        %parallel_loop3A_111 = arith.muli %parallel_loop3A_108, %parallel_loop3A_110 : i32
        %parallel_loop3A_112 = arith.constant 0 : i32
        %parallel_loop3A_113 = arith.index_cast %parallel_loop3A_112 : i32 to index
        %parallel_loop3A_114 = arith.index_cast %parallel_loop3A_111 : i32 to index
        %parallel_loop3A_115 = tpu.vector_load %arg5[%parallel_loop3A_113, %parallel_loop3A_114] {strides = array<i32>} : memref<14x1024xf32, #tpu.memory_space<vmem>>, vector<16xf32>,
        %parallel_loop3A_116 = arith.constant 0 : i32
        %parallel_loop3A_117 = arith.index_cast %parallel_loop3A_116 : i32 to index
        %parallel_loop3A_118 = arith.index_cast %parallel_loop3A_111 : i32 to index
        %parallel_loop3A_119 = tpu.vector_load %arg7[%parallel_loop3A_117, %parallel_loop3A_118] {strides = array<i32>} : memref<14x1024xf32, #tpu.memory_space<vmem>>, vector<16xf32>,
        %parallel_loop3A_120 = arith.constant 1 : i32
        %parallel_loop3A_121 = arith.index_cast %parallel_loop3A_120 : i32 to index
        %parallel_loop3A_122 = arith.index_cast %parallel_loop3A_111 : i32 to index
        %parallel_loop3A_123 = tpu.vector_load %arg5[%parallel_loop3A_121, %parallel_loop3A_122] {strides = array<i32>} : memref<14x1024xf32, #tpu.memory_space<vmem>>, vector<16xf32>,
        %parallel_loop3A_124 = arith.constant 1 : i32
        %parallel_loop3A_125 = arith.index_cast %parallel_loop3A_124 : i32 to index
        %parallel_loop3A_126 = arith.index_cast %parallel_loop3A_111 : i32 to index
        %parallel_loop3A_127 = tpu.vector_load %arg7[%parallel_loop3A_125, %parallel_loop3A_126] {strides = array<i32>} : memref<14x1024xf32, #tpu.memory_space<vmem>>, vector<16xf32>,
        %parallel_loop3A_128 = arith.constant 2 : i32
        %parallel_loop3A_129 = arith.index_cast %parallel_loop3A_128 : i32 to index
        %parallel_loop3A_130 = arith.index_cast %parallel_loop3A_111 : i32 to index
        %parallel_loop3A_131 = tpu.vector_load %arg5[%parallel_loop3A_129, %parallel_loop3A_130] {strides = array<i32>} : memref<14x1024xf32, #tpu.memory_space<vmem>>, vector<16xf32>,
        %parallel_loop3A_132 = arith.constant 2 : i32
        %parallel_loop3A_133 = arith.index_cast %parallel_loop3A_132 : i32 to index
        %parallel_loop3A_134 = arith.index_cast %parallel_loop3A_111 : i32 to index
        %parallel_loop3A_135 = tpu.vector_load %arg7[%parallel_loop3A_133, %parallel_loop3A_134] {strides = array<i32>} : memref<14x1024xf32, #tpu.memory_space<vmem>>, vector<16xf32>,
        %parallel_loop3A_136 = arith.constant 3 : i32
        %parallel_loop3A_137 = arith.index_cast %parallel_loop3A_136 : i32 to index
        %parallel_loop3A_138 = arith.index_cast %parallel_loop3A_111 : i32 to index
        %parallel_loop3A_139 = tpu.vector_load %arg5[%parallel_loop3A_137, %parallel_loop3A_138] {strides = array<i32>} : memref<14x1024xf32, #tpu.memory_space<vmem>>, vector<16xf32>,
        %parallel_loop3A_140 = arith.constant 3 : i32
        %parallel_loop3A_141 = arith.index_cast %parallel_loop3A_140 : i32 to index
        %parallel_loop3A_142 = arith.index_cast %parallel_loop3A_111 : i32 to index
        %parallel_loop3A_143 = tpu.vector_load %arg7[%parallel_loop3A_141, %parallel_loop3A_142] {strides = array<i32>} : memref<14x1024xf32, #tpu.memory_space<vmem>>, vector<16xf32>,
        %parallel_loop3A_144 = arith.constant 4 : i32
        %parallel_loop3A_145 = arith.index_cast %parallel_loop3A_144 : i32 to index
        %parallel_loop3A_146 = arith.index_cast %parallel_loop3A_111 : i32 to index
        %parallel_loop3A_147 = tpu.vector_load %arg5[%parallel_loop3A_145, %parallel_loop3A_146] {strides = array<i32>} : memref<14x1024xf32, #tpu.memory_space<vmem>>, vector<16xf32>,
        %parallel_loop3A_148 = arith.constant 4 : i32
        %parallel_loop3A_149 = arith.index_cast %parallel_loop3A_148 : i32 to index
        %parallel_loop3A_150 = arith.index_cast %parallel_loop3A_111 : i32 to index
        %parallel_loop3A_151 = tpu.vector_load %arg7[%parallel_loop3A_149, %parallel_loop3A_150] {strides = array<i32>} : memref<14x1024xf32, #tpu.memory_space<vmem>>, vector<16xf32>,
        %parallel_loop3A_152 = arith.constant 9 : i32
        %parallel_loop3A_153 = arith.index_cast %parallel_loop3A_152 : i32 to index
        %parallel_loop3A_154 = arith.index_cast %parallel_loop3A_111 : i32 to index
        %parallel_loop3A_155 = tpu.vector_load %arg5[%parallel_loop3A_153, %parallel_loop3A_154] {strides = array<i32>} : memref<14x1024xf32, #tpu.memory_space<vmem>>, vector<16xf32>,
        %parallel_loop3A_156 = arith.constant 9 : i32
        %parallel_loop3A_157 = arith.index_cast %parallel_loop3A_156 : i32 to index
        %parallel_loop3A_158 = arith.index_cast %parallel_loop3A_111 : i32 to index
        %parallel_loop3A_159 = tpu.vector_load %arg7[%parallel_loop3A_157, %parallel_loop3A_158] {strides = array<i32>} : memref<14x1024xf32, #tpu.memory_space<vmem>>, vector<16xf32>,
        %parallel_loop3A_160 = arith.subf %parallel_loop3A_115, %parallel_loop3A_119 : vector<16xf32>
        %parallel_loop3A_161 = arith.subf %parallel_loop3A_123, %parallel_loop3A_127 : vector<16xf32>
        %parallel_loop3A_162 = arith.mulf %parallel_loop3A_160, %parallel_loop3A_160 : vector<16xf32>
        %parallel_loop3A_163 = arith.mulf %parallel_loop3A_161, %parallel_loop3A_161 : vector<16xf32>
        %parallel_loop3A_164 = arith.addf %parallel_loop3A_162, %parallel_loop3A_163 : vector<16xf32>
        %parallel_loop3A_165 = arith.addf %parallel_loop3A_131, %parallel_loop3A_135 : vector<16xf32>
        %parallel_loop3A_166 = arith.mulf %parallel_loop3A_131, %parallel_loop3A_135 : vector<16xf32>
        %parallel_loop3A_167 = tpu.bitcast %parallel_loop3A_166 : vector<16xf32> -> vector<16xi32>
        %parallel_loop3A_168 = arith.constant 1 : i32
        %parallel_loop3A_169 = vector.broadcast %parallel_loop3A_168 : i32 to vector<16xi32>
        %parallel_loop3A_170 = arith.shrsi %parallel_loop3A_167, %parallel_loop3A_169 : vector<16xi32>
        %parallel_loop3A_171 = arith.constant 1597463007 : i32
        %parallel_loop3A_172 = vector.broadcast %parallel_loop3A_171 : i32 to vector<16xi32>
        %parallel_loop3A_173 = arith.subi %parallel_loop3A_172, %parallel_loop3A_170 : vector<16xi32>
        %parallel_loop3A_174 = tpu.bitcast %parallel_loop3A_173 : vector<16xi32> -> vector<16xf32>
        %parallel_loop3A_175 = arith.constant 5.000000e-01 : f32
        %parallel_loop3A_176 = vector.broadcast %parallel_loop3A_175 : f32 to vector<16xf32>
        %parallel_loop3A_177 = arith.mulf %parallel_loop3A_176, %parallel_loop3A_166 : vector<16xf32>
        %parallel_loop3A_178 = arith.mulf %parallel_loop3A_177, %parallel_loop3A_174 : vector<16xf32>
        %parallel_loop3A_179 = arith.mulf %parallel_loop3A_178, %parallel_loop3A_174 : vector<16xf32>
        %parallel_loop3A_180 = arith.constant 1.500000e+00 : f32
        %parallel_loop3A_181 = vector.broadcast %parallel_loop3A_180 : f32 to vector<16xf32>
        %parallel_loop3A_182 = arith.subf %parallel_loop3A_181, %parallel_loop3A_179 : vector<16xf32>
        %parallel_loop3A_183 = arith.mulf %parallel_loop3A_174, %parallel_loop3A_182 : vector<16xf32>
        %parallel_loop3A_184 = arith.constant 5.000000e-01 : f32
        %parallel_loop3A_185 = vector.broadcast %parallel_loop3A_184 : f32 to vector<16xf32>
        %parallel_loop3A_186 = arith.mulf %parallel_loop3A_185, %parallel_loop3A_166 : vector<16xf32>
        %parallel_loop3A_187 = arith.mulf %parallel_loop3A_186, %parallel_loop3A_183 : vector<16xf32>
        %parallel_loop3A_188 = arith.mulf %parallel_loop3A_187, %parallel_loop3A_183 : vector<16xf32>
        %parallel_loop3A_189 = arith.constant 1.500000e+00 : f32
        %parallel_loop3A_190 = vector.broadcast %parallel_loop3A_189 : f32 to vector<16xf32>
        %parallel_loop3A_191 = arith.subf %parallel_loop3A_190, %parallel_loop3A_188 : vector<16xf32>
        %parallel_loop3A_192 = arith.mulf %parallel_loop3A_183, %parallel_loop3A_191 : vector<16xf32>
        %parallel_loop3A_193 = arith.constant 5.000000e-01 : f32
        %parallel_loop3A_194 = vector.broadcast %parallel_loop3A_193 : f32 to vector<16xf32>
        %parallel_loop3A_195 = arith.mulf %parallel_loop3A_194, %parallel_loop3A_166 : vector<16xf32>
        %parallel_loop3A_196 = arith.mulf %parallel_loop3A_195, %parallel_loop3A_192 : vector<16xf32>
        %parallel_loop3A_197 = arith.mulf %parallel_loop3A_196, %parallel_loop3A_192 : vector<16xf32>
        %parallel_loop3A_198 = arith.constant 1.500000e+00 : f32
        %parallel_loop3A_199 = vector.broadcast %parallel_loop3A_198 : f32 to vector<16xf32>
        %parallel_loop3A_200 = arith.subf %parallel_loop3A_199, %parallel_loop3A_197 : vector<16xf32>
        %parallel_loop3A_201 = arith.mulf %parallel_loop3A_192, %parallel_loop3A_200 : vector<16xf32>
        %parallel_loop3A_202 = arith.mulf %parallel_loop3A_166, %parallel_loop3A_201 : vector<16xf32>
        %parallel_loop3A_203 = arith.constant 2.000000e+00 : f32
        %parallel_loop3A_204 = vector.broadcast %parallel_loop3A_203 : f32 to vector<16xf32>
        %parallel_loop3A_205 = arith.mulf %parallel_loop3A_204, %parallel_loop3A_202 : vector<16xf32>
        %parallel_loop3A_206 = arith.subf %parallel_loop3A_165, %parallel_loop3A_205 : vector<16xf32>
        %parallel_loop3A_207 = arith.addf %parallel_loop3A_164, %parallel_loop3A_206 : vector<16xf32>
        %parallel_loop3A_208 = arith.addf %parallel_loop3A_139, %parallel_loop3A_143 : vector<16xf32>
        %parallel_loop3A_209 = arith.mulf %parallel_loop3A_139, %parallel_loop3A_143 : vector<16xf32>
        %parallel_loop3A_210 = tpu.bitcast %parallel_loop3A_209 : vector<16xf32> -> vector<16xi32>
        %parallel_loop3A_211 = arith.constant 1 : i32
        %parallel_loop3A_212 = vector.broadcast %parallel_loop3A_211 : i32 to vector<16xi32>
        %parallel_loop3A_213 = arith.shrsi %parallel_loop3A_210, %parallel_loop3A_212 : vector<16xi32>
        %parallel_loop3A_214 = arith.constant 1597463007 : i32
        %parallel_loop3A_215 = vector.broadcast %parallel_loop3A_214 : i32 to vector<16xi32>
        %parallel_loop3A_216 = arith.subi %parallel_loop3A_215, %parallel_loop3A_213 : vector<16xi32>
        %parallel_loop3A_217 = tpu.bitcast %parallel_loop3A_216 : vector<16xi32> -> vector<16xf32>
        %parallel_loop3A_218 = arith.constant 5.000000e-01 : f32
        %parallel_loop3A_219 = vector.broadcast %parallel_loop3A_218 : f32 to vector<16xf32>
        %parallel_loop3A_220 = arith.mulf %parallel_loop3A_219, %parallel_loop3A_209 : vector<16xf32>
        %parallel_loop3A_221 = arith.mulf %parallel_loop3A_220, %parallel_loop3A_217 : vector<16xf32>
        %parallel_loop3A_222 = arith.mulf %parallel_loop3A_221, %parallel_loop3A_217 : vector<16xf32>
        %parallel_loop3A_223 = arith.constant 1.500000e+00 : f32
        %parallel_loop3A_224 = vector.broadcast %parallel_loop3A_223 : f32 to vector<16xf32>
        %parallel_loop3A_225 = arith.subf %parallel_loop3A_224, %parallel_loop3A_222 : vector<16xf32>
        %parallel_loop3A_226 = arith.mulf %parallel_loop3A_217, %parallel_loop3A_225 : vector<16xf32>
        %parallel_loop3A_227 = arith.constant 5.000000e-01 : f32
        %parallel_loop3A_228 = vector.broadcast %parallel_loop3A_227 : f32 to vector<16xf32>
        %parallel_loop3A_229 = arith.mulf %parallel_loop3A_228, %parallel_loop3A_209 : vector<16xf32>
        %parallel_loop3A_230 = arith.mulf %parallel_loop3A_229, %parallel_loop3A_226 : vector<16xf32>
        %parallel_loop3A_231 = arith.mulf %parallel_loop3A_230, %parallel_loop3A_226 : vector<16xf32>
        %parallel_loop3A_232 = arith.constant 1.500000e+00 : f32
        %parallel_loop3A_233 = vector.broadcast %parallel_loop3A_232 : f32 to vector<16xf32>
        %parallel_loop3A_234 = arith.subf %parallel_loop3A_233, %parallel_loop3A_231 : vector<16xf32>
        %parallel_loop3A_235 = arith.mulf %parallel_loop3A_226, %parallel_loop3A_234 : vector<16xf32>
        %parallel_loop3A_236 = arith.constant 5.000000e-01 : f32
        %parallel_loop3A_237 = vector.broadcast %parallel_loop3A_236 : f32 to vector<16xf32>
        %parallel_loop3A_238 = arith.mulf %parallel_loop3A_237, %parallel_loop3A_209 : vector<16xf32>
        %parallel_loop3A_239 = arith.mulf %parallel_loop3A_238, %parallel_loop3A_235 : vector<16xf32>
        %parallel_loop3A_240 = arith.mulf %parallel_loop3A_239, %parallel_loop3A_235 : vector<16xf32>
        %parallel_loop3A_241 = arith.constant 1.500000e+00 : f32
        %parallel_loop3A_242 = vector.broadcast %parallel_loop3A_241 : f32 to vector<16xf32>
        %parallel_loop3A_243 = arith.subf %parallel_loop3A_242, %parallel_loop3A_240 : vector<16xf32>
        %parallel_loop3A_244 = arith.mulf %parallel_loop3A_235, %parallel_loop3A_243 : vector<16xf32>
        %parallel_loop3A_245 = arith.mulf %parallel_loop3A_209, %parallel_loop3A_244 : vector<16xf32>
        %parallel_loop3A_246 = arith.constant 2.000000e+00 : f32
        %parallel_loop3A_247 = vector.broadcast %parallel_loop3A_246 : f32 to vector<16xf32>
        %parallel_loop3A_248 = arith.mulf %parallel_loop3A_247, %parallel_loop3A_245 : vector<16xf32>
        %parallel_loop3A_249 = arith.subf %parallel_loop3A_208, %parallel_loop3A_248 : vector<16xf32>
        %parallel_loop3A_250 = arith.addf %parallel_loop3A_207, %parallel_loop3A_249 : vector<16xf32>
        %parallel_loop3A_251 = arith.constant 0.000000e+00 : f32
        %parallel_loop3A_252 = vector.broadcast %parallel_loop3A_251 : f32 to vector<16xf32>
        %parallel_loop3A_253 = arith.constant 10 : i32
        %parallel_loop3A_254 = arith.index_cast %parallel_loop3A_253 : i32 to index
        %parallel_loop3A_255 = arith.index_cast %parallel_loop3A_111 : i32 to index
        %parallel_loop3A_256 = tpu.vector_load %arg5[%parallel_loop3A_254, %parallel_loop3A_255] {strides = array<i32>} : memref<14x1024xf32, #tpu.memory_space<vmem>>, vector<16xf32>,
        %parallel_loop3A_257 = arith.constant 10 : i32
        %parallel_loop3A_258 = arith.index_cast %parallel_loop3A_257 : i32 to index
        %parallel_loop3A_259 = arith.index_cast %parallel_loop3A_111 : i32 to index
        %parallel_loop3A_260 = tpu.vector_load %arg7[%parallel_loop3A_258, %parallel_loop3A_259] {strides = array<i32>} : memref<14x1024xf32, #tpu.memory_space<vmem>>, vector<16xf32>,
        %parallel_loop3A_261 = arith.subf %parallel_loop3A_256, %parallel_loop3A_260 : vector<16xf32>
        %parallel_loop3A_262 = arith.mulf %parallel_loop3A_261, %parallel_loop3A_261 : vector<16xf32>
        %parallel_loop3A_263 = arith.addf %parallel_loop3A_252, %parallel_loop3A_262 : vector<16xf32>
        %parallel_loop3A_264 = arith.constant 11 : i32
        %parallel_loop3A_265 = arith.index_cast %parallel_loop3A_264 : i32 to index
        %parallel_loop3A_266 = arith.index_cast %parallel_loop3A_111 : i32 to index
        %parallel_loop3A_267 = tpu.vector_load %arg5[%parallel_loop3A_265, %parallel_loop3A_266] {strides = array<i32>} : memref<14x1024xf32, #tpu.memory_space<vmem>>, vector<16xf32>,
        %parallel_loop3A_268 = arith.constant 11 : i32
        %parallel_loop3A_269 = arith.index_cast %parallel_loop3A_268 : i32 to index
        %parallel_loop3A_270 = arith.index_cast %parallel_loop3A_111 : i32 to index
        %parallel_loop3A_271 = tpu.vector_load %arg7[%parallel_loop3A_269, %parallel_loop3A_270] {strides = array<i32>} : memref<14x1024xf32, #tpu.memory_space<vmem>>, vector<16xf32>,
        %parallel_loop3A_272 = arith.subf %parallel_loop3A_267, %parallel_loop3A_271 : vector<16xf32>
        %parallel_loop3A_273 = arith.mulf %parallel_loop3A_272, %parallel_loop3A_272 : vector<16xf32>
        %parallel_loop3A_274 = arith.addf %parallel_loop3A_263, %parallel_loop3A_273 : vector<16xf32>
        %parallel_loop3A_275 = arith.constant 12 : i32
        %parallel_loop3A_276 = arith.index_cast %parallel_loop3A_275 : i32 to index
        %parallel_loop3A_277 = arith.index_cast %parallel_loop3A_111 : i32 to index
        %parallel_loop3A_278 = tpu.vector_load %arg5[%parallel_loop3A_276, %parallel_loop3A_277] {strides = array<i32>} : memref<14x1024xf32, #tpu.memory_space<vmem>>, vector<16xf32>,
        %parallel_loop3A_279 = arith.constant 12 : i32
        %parallel_loop3A_280 = arith.index_cast %parallel_loop3A_279 : i32 to index
        %parallel_loop3A_281 = arith.index_cast %parallel_loop3A_111 : i32 to index
        %parallel_loop3A_282 = tpu.vector_load %arg7[%parallel_loop3A_280, %parallel_loop3A_281] {strides = array<i32>} : memref<14x1024xf32, #tpu.memory_space<vmem>>, vector<16xf32>,
        %parallel_loop3A_283 = arith.subf %parallel_loop3A_278, %parallel_loop3A_282 : vector<16xf32>
        %parallel_loop3A_284 = arith.mulf %parallel_loop3A_283, %parallel_loop3A_283 : vector<16xf32>
        %parallel_loop3A_285 = arith.addf %parallel_loop3A_274, %parallel_loop3A_284 : vector<16xf32>
        %parallel_loop3A_286 = arith.constant 13 : i32
        %parallel_loop3A_287 = arith.index_cast %parallel_loop3A_286 : i32 to index
        %parallel_loop3A_288 = arith.index_cast %parallel_loop3A_111 : i32 to index
        %parallel_loop3A_289 = tpu.vector_load %arg5[%parallel_loop3A_287, %parallel_loop3A_288] {strides = array<i32>} : memref<14x1024xf32, #tpu.memory_space<vmem>>, vector<16xf32>,
        %parallel_loop3A_290 = arith.constant 13 : i32
        %parallel_loop3A_291 = arith.index_cast %parallel_loop3A_290 : i32 to index
        %parallel_loop3A_292 = arith.index_cast %parallel_loop3A_111 : i32 to index
        %parallel_loop3A_293 = tpu.vector_load %arg7[%parallel_loop3A_291, %parallel_loop3A_292] {strides = array<i32>} : memref<14x1024xf32, #tpu.memory_space<vmem>>, vector<16xf32>,
        %parallel_loop3A_294 = arith.subf %parallel_loop3A_289, %parallel_loop3A_293 : vector<16xf32>
        %parallel_loop3A_295 = arith.mulf %parallel_loop3A_294, %parallel_loop3A_294 : vector<16xf32>
        %parallel_loop3A_296 = arith.addf %parallel_loop3A_285, %parallel_loop3A_295 : vector<16xf32>
        %parallel_loop3A_297 = arith.subf %parallel_loop3A_147, %parallel_loop3A_151 : vector<16xf32>
        %parallel_loop3A_298 = arith.subf %parallel_loop3A_155, %parallel_loop3A_159 : vector<16xf32>
        %parallel_loop3A_299 = arith.constant 0.000000e+00 : f32
        %parallel_loop3A_300 = vector.broadcast %parallel_loop3A_299 : f32 to vector<16xf32>
        %parallel_loop3A_301 = arith.constant 1.000000e+00 : f32
        %parallel_loop3A_302 = vector.broadcast %parallel_loop3A_301 : f32 to vector<16xf32>
        %parallel_loop3A_303 = arith.constant 0.000000e+00 : f32
        %parallel_loop3A_304 = vector.broadcast %parallel_loop3A_303 : f32 to vector<16xf32>
        %parallel_loop3A_305 = arith.cmpf ogt, %parallel_loop3A_151, %parallel_loop3A_304 : vector<16xf32>
        %parallel_loop3A_306 = arith.select %parallel_loop3A_305, %parallel_loop3A_302, %parallel_loop3A_300 : vector<16xi1>, vector<16xf32>
        %parallel_loop3A_307 = arith.constant 0.000000e+00 : f32
        %parallel_loop3A_308 = vector.broadcast %parallel_loop3A_307 : f32 to vector<16xf32>
        %parallel_loop3A_309 = arith.cmpf oeq, %parallel_loop3A_151, %parallel_loop3A_308 : vector<16xf32>
        %parallel_loop3A_310 = arith.select %parallel_loop3A_309, %parallel_loop3A_302, %parallel_loop3A_300 : vector<16xi1>, vector<16xf32>
        %parallel_loop3A_311 = arith.constant 5.000000e+00 : f32
        %parallel_loop3A_312 = vector.broadcast %parallel_loop3A_311 : f32 to vector<16xf32>
        %parallel_loop3A_313 = arith.mulf %parallel_loop3A_312, %parallel_loop3A_250 : vector<16xf32>
        %parallel_loop3A_314 = arith.constant 2.000000e+00 : f32
        %parallel_loop3A_315 = vector.broadcast %parallel_loop3A_314 : f32 to vector<16xf32>
        %parallel_loop3A_316 = arith.mulf %parallel_loop3A_315, %parallel_loop3A_147 : vector<16xf32>
        %parallel_loop3A_317 = arith.mulf %parallel_loop3A_316, %parallel_loop3A_147 : vector<16xf32>
        %parallel_loop3A_318 = arith.addf %parallel_loop3A_313, %parallel_loop3A_317 : vector<16xf32>
        %parallel_loop3A_319 = arith.mulf %parallel_loop3A_155, %parallel_loop3A_155 : vector<16xf32>
        %parallel_loop3A_320 = arith.addf %parallel_loop3A_318, %parallel_loop3A_319 : vector<16xf32>
        %parallel_loop3A_321 = arith.addf %parallel_loop3A_320, %parallel_loop3A_296 : vector<16xf32>
        %parallel_loop3A_322 = arith.mulf %parallel_loop3A_306, %parallel_loop3A_321 : vector<16xf32>
        %parallel_loop3A_323 = arith.constant 5.000000e-01 : f32
        %parallel_loop3A_324 = vector.broadcast %parallel_loop3A_323 : f32 to vector<16xf32>
        %parallel_loop3A_325 = arith.mulf %parallel_loop3A_324, %parallel_loop3A_310 : vector<16xf32>
        %parallel_loop3A_326 = arith.mulf %parallel_loop3A_297, %parallel_loop3A_297 : vector<16xf32>
        %parallel_loop3A_327 = arith.mulf %parallel_loop3A_298, %parallel_loop3A_298 : vector<16xf32>
        %parallel_loop3A_328 = arith.addf %parallel_loop3A_326, %parallel_loop3A_327 : vector<16xf32>
        %parallel_loop3A_329 = arith.mulf %parallel_loop3A_325, %parallel_loop3A_328 : vector<16xf32>
        %parallel_loop3A_330 = arith.addf %parallel_loop3A_322, %parallel_loop3A_329 : vector<16xf32>
        %parallel_loop3A_331 = arith.addf %parallel_loop3A_109, %parallel_loop3A_330 : vector<16xf32>
        scf.yield %parallel_loop3A_331 : vector<16xf32>
      } {sc.loop_unroll_factor = 4 : i64, sc.parallel_access}
      %lt3A_76 = arith.constant 2 : i32
      %lt3A_77 = arith.cmpi slt, %scan3A_54, %lt3A_76 : i32
      %convert_element_type3A_78 = arith.extui %lt3A_77 : i1 to i32
      %cond3A_79 = arith.constant 0 : i32
      %cond3A_80 = arith.cmpi ne, %convert_element_type3A_78, %cond3A_79 : i32
      scf.if %cond3A_80 {
        %mul3A_108 = arith.constant 2 : i32
        %mul3A_109 = arith.muli %mul3A_108, %scan3A_54 : i32
        %add3A_110 = arith.addi %mul3A_2, %mul3A_109 : i32
        %add3A_111 = arith.constant 2 : i32
        %add3A_112 = arith.addi %add3A_110, %add3A_111 : i32
        %dma_start3A_113 = arith.constant 0 : i32
        %dma_start3A_114 = arith.constant 0 : i32
        %dma_start3A_115 = tpu.memref_slice %arg2[%add3A_112, %dma_start3A_113, %dma_start3A_114] : memref<196x14x1024xf32, #tpu.memory_space<hbm>> -> memref<1x14x1024xf32, #tpu.memory_space<hbm>>
        %dma_start3A_116 = tpu.memref_squeeze %dma_start3A_115 : memref<1x14x1024xf32, #tpu.memory_space<hbm>> -> memref<14x1024xf32, #tpu.memory_space<hbm>>
        %dma_start3A_117 = arith.constant 0 : i32
        %dma_start3A_118 = arith.constant 0 : i32
        %dma_start3A_119 = tpu.memref_slice %arg2[%add3A_112, %dma_start3A_117, %dma_start3A_118] : memref<196x14x1024xf32, #tpu.memory_space<hbm>> -> memref<1x14x1024xf32, #tpu.memory_space<hbm>>
        %dma_start3A_120 = tpu.memref_squeeze %dma_start3A_119 : memref<1x14x1024xf32, #tpu.memory_space<hbm>> -> memref<14x1024xf32, #tpu.memory_space<hbm>>
        tpu.enqueue_dma source(%dma_start3A_120 : memref<14x1024xf32, #tpu.memory_space<hbm>>) target(%arg5 : memref<14x1024xf32, #tpu.memory_space<vmem>>) target_semaphore(%arg10 : memref<!tpu.dma_semaphore, #tpu.memory_space<semaphore_mem>>)
        %dma_start3A_121 = arith.constant 0 : i32
        %dma_start3A_122 = arith.constant 0 : i32
        %dma_start3A_123 = tpu.memref_slice %arg3[%add3A_112, %dma_start3A_121, %dma_start3A_122] : memref<196x14x1024xf32, #tpu.memory_space<hbm>> -> memref<1x14x1024xf32, #tpu.memory_space<hbm>>
        %dma_start3A_124 = tpu.memref_squeeze %dma_start3A_123 : memref<1x14x1024xf32, #tpu.memory_space<hbm>> -> memref<14x1024xf32, #tpu.memory_space<hbm>>
        %dma_start3A_125 = arith.constant 0 : i32
        %dma_start3A_126 = arith.constant 0 : i32
        %dma_start3A_127 = tpu.memref_slice %arg3[%add3A_112, %dma_start3A_125, %dma_start3A_126] : memref<196x14x1024xf32, #tpu.memory_space<hbm>> -> memref<1x14x1024xf32, #tpu.memory_space<hbm>>
        %dma_start3A_128 = tpu.memref_squeeze %dma_start3A_127 : memref<1x14x1024xf32, #tpu.memory_space<hbm>> -> memref<14x1024xf32, #tpu.memory_space<hbm>>
        tpu.enqueue_dma source(%dma_start3A_128 : memref<14x1024xf32, #tpu.memory_space<hbm>>) target(%arg7 : memref<14x1024xf32, #tpu.memory_space<vmem>>) target_semaphore(%arg12 : memref<!tpu.dma_semaphore, #tpu.memory_space<semaphore_mem>>)
      } else {
      }
      %dma_wait3A_81 = arith.constant 0 : i32
      %dma_wait3A_82 = arith.constant 0 : i32
      %dma_wait3A_83 = arith.constant 0 : i32
      %dma_wait3A_84 = tpu.memref_slice %arg2[%dma_wait3A_81, %dma_wait3A_82, %dma_wait3A_83] : memref<196x14x1024xf32, #tpu.memory_space<hbm>> -> memref<1x14x1024xf32, #tpu.memory_space<hbm>>
      %dma_wait3A_85 = tpu.memref_squeeze %dma_wait3A_84 : memref<1x14x1024xf32, #tpu.memory_space<hbm>> -> memref<14x1024xf32, #tpu.memory_space<hbm>>
      %dma_wait3A_86 = arith.constant 0 : i32
      %dma_wait3A_87 = arith.constant 0 : i32
      %dma_wait3A_88 = tpu.memref_slice %arg2[%dma_wait3A_81, %dma_wait3A_86, %dma_wait3A_87] : memref<196x14x1024xf32, #tpu.memory_space<hbm>> -> memref<1x14x1024xf32, #tpu.memory_space<hbm>>
      %dma_wait3A_89 = tpu.memref_squeeze %dma_wait3A_88 : memref<1x14x1024xf32, #tpu.memory_space<hbm>> -> memref<14x1024xf32, #tpu.memory_space<hbm>>
      tpu.wait_dma2 semaphore(%arg11 : memref<!tpu.dma_semaphore, #tpu.memory_space<semaphore_mem>>) src(%dma_wait3A_89 : memref<14x1024xf32, #tpu.memory_space<hbm>>) dst(%arg6 : memref<14x1024xf32, #tpu.memory_space<vmem>>)
      %dma_wait3A_90 = arith.constant 0 : i32
      %dma_wait3A_91 = arith.constant 0 : i32
      %dma_wait3A_92 = arith.constant 0 : i32
      %dma_wait3A_93 = tpu.memref_slice %arg3[%dma_wait3A_90, %dma_wait3A_91, %dma_wait3A_92] : memref<196x14x1024xf32, #tpu.memory_space<hbm>> -> memref<1x14x1024xf32, #tpu.memory_space<hbm>>
      %dma_wait3A_94 = tpu.memref_squeeze %dma_wait3A_93 : memref<1x14x1024xf32, #tpu.memory_space<hbm>> -> memref<14x1024xf32, #tpu.memory_space<hbm>>
      %dma_wait3A_95 = arith.constant 0 : i32
      %dma_wait3A_96 = arith.constant 0 : i32
      %dma_wait3A_97 = tpu.memref_slice %arg3[%dma_wait3A_90, %dma_wait3A_95, %dma_wait3A_96] : memref<196x14x1024xf32, #tpu.memory_space<hbm>> -> memref<1x14x1024xf32, #tpu.memory_space<hbm>>
      %dma_wait3A_98 = tpu.memref_squeeze %dma_wait3A_97 : memref<1x14x1024xf32, #tpu.memory_space<hbm>> -> memref<14x1024xf32, #tpu.memory_space<hbm>>
      tpu.wait_dma2 semaphore(%arg13 : memref<!tpu.dma_semaphore, #tpu.memory_space<semaphore_mem>>) src(%dma_wait3A_98 : memref<14x1024xf32, #tpu.memory_space<hbm>>) dst(%arg8 : memref<14x1024xf32, #tpu.memory_space<vmem>>)
      %parallel_loop3A_99 = arith.constant 0 : i32
      %parallel_loop3A_100 = arith.constant 64 : i32
      %parallel_loop3A_101 = arith.constant 1 : i32
      %parallel_loop3A_102 = scf.for %parallel_loop3A_108 = %parallel_loop3A_99 to %parallel_loop3A_100 step %parallel_loop3A_101 iter_args(%parallel_loop3A_109 = %parallel_loop3A_75) -> (vector<16xf32>)  : i32 {
        %parallel_loop3A_110 = arith.constant 16 : i32
        %parallel_loop3A_111 = arith.muli %parallel_loop3A_108, %parallel_loop3A_110 : i32
        %parallel_loop3A_112 = arith.constant 0 : i32
        %parallel_loop3A_113 = arith.index_cast %parallel_loop3A_112 : i32 to index
        %parallel_loop3A_114 = arith.index_cast %parallel_loop3A_111 : i32 to index
        %parallel_loop3A_115 = tpu.vector_load %arg6[%parallel_loop3A_113, %parallel_loop3A_114] {strides = array<i32>} : memref<14x1024xf32, #tpu.memory_space<vmem>>, vector<16xf32>,
        %parallel_loop3A_116 = arith.constant 0 : i32
        %parallel_loop3A_117 = arith.index_cast %parallel_loop3A_116 : i32 to index
        %parallel_loop3A_118 = arith.index_cast %parallel_loop3A_111 : i32 to index
        %parallel_loop3A_119 = tpu.vector_load %arg8[%parallel_loop3A_117, %parallel_loop3A_118] {strides = array<i32>} : memref<14x1024xf32, #tpu.memory_space<vmem>>, vector<16xf32>,
        %parallel_loop3A_120 = arith.constant 1 : i32
        %parallel_loop3A_121 = arith.index_cast %parallel_loop3A_120 : i32 to index
        %parallel_loop3A_122 = arith.index_cast %parallel_loop3A_111 : i32 to index
        %parallel_loop3A_123 = tpu.vector_load %arg6[%parallel_loop3A_121, %parallel_loop3A_122] {strides = array<i32>} : memref<14x1024xf32, #tpu.memory_space<vmem>>, vector<16xf32>,
        %parallel_loop3A_124 = arith.constant 1 : i32
        %parallel_loop3A_125 = arith.index_cast %parallel_loop3A_124 : i32 to index
        %parallel_loop3A_126 = arith.index_cast %parallel_loop3A_111 : i32 to index
        %parallel_loop3A_127 = tpu.vector_load %arg8[%parallel_loop3A_125, %parallel_loop3A_126] {strides = array<i32>} : memref<14x1024xf32, #tpu.memory_space<vmem>>, vector<16xf32>,
        %parallel_loop3A_128 = arith.constant 2 : i32
        %parallel_loop3A_129 = arith.index_cast %parallel_loop3A_128 : i32 to index
        %parallel_loop3A_130 = arith.index_cast %parallel_loop3A_111 : i32 to index
        %parallel_loop3A_131 = tpu.vector_load %arg6[%parallel_loop3A_129, %parallel_loop3A_130] {strides = array<i32>} : memref<14x1024xf32, #tpu.memory_space<vmem>>, vector<16xf32>,
        %parallel_loop3A_132 = arith.constant 2 : i32
        %parallel_loop3A_133 = arith.index_cast %parallel_loop3A_132 : i32 to index
        %parallel_loop3A_134 = arith.index_cast %parallel_loop3A_111 : i32 to index
        %parallel_loop3A_135 = tpu.vector_load %arg8[%parallel_loop3A_133, %parallel_loop3A_134] {strides = array<i32>} : memref<14x1024xf32, #tpu.memory_space<vmem>>, vector<16xf32>,
        %parallel_loop3A_136 = arith.constant 3 : i32
        %parallel_loop3A_137 = arith.index_cast %parallel_loop3A_136 : i32 to index
        %parallel_loop3A_138 = arith.index_cast %parallel_loop3A_111 : i32 to index
        %parallel_loop3A_139 = tpu.vector_load %arg6[%parallel_loop3A_137, %parallel_loop3A_138] {strides = array<i32>} : memref<14x1024xf32, #tpu.memory_space<vmem>>, vector<16xf32>,
        %parallel_loop3A_140 = arith.constant 3 : i32
        %parallel_loop3A_141 = arith.index_cast %parallel_loop3A_140 : i32 to index
        %parallel_loop3A_142 = arith.index_cast %parallel_loop3A_111 : i32 to index
        %parallel_loop3A_143 = tpu.vector_load %arg8[%parallel_loop3A_141, %parallel_loop3A_142] {strides = array<i32>} : memref<14x1024xf32, #tpu.memory_space<vmem>>, vector<16xf32>,
        %parallel_loop3A_144 = arith.constant 4 : i32
        %parallel_loop3A_145 = arith.index_cast %parallel_loop3A_144 : i32 to index
        %parallel_loop3A_146 = arith.index_cast %parallel_loop3A_111 : i32 to index
        %parallel_loop3A_147 = tpu.vector_load %arg6[%parallel_loop3A_145, %parallel_loop3A_146] {strides = array<i32>} : memref<14x1024xf32, #tpu.memory_space<vmem>>, vector<16xf32>,
        %parallel_loop3A_148 = arith.constant 4 : i32
        %parallel_loop3A_149 = arith.index_cast %parallel_loop3A_148 : i32 to index
        %parallel_loop3A_150 = arith.index_cast %parallel_loop3A_111 : i32 to index
        %parallel_loop3A_151 = tpu.vector_load %arg8[%parallel_loop3A_149, %parallel_loop3A_150] {strides = array<i32>} : memref<14x1024xf32, #tpu.memory_space<vmem>>, vector<16xf32>,
        %parallel_loop3A_152 = arith.constant 9 : i32
        %parallel_loop3A_153 = arith.index_cast %parallel_loop3A_152 : i32 to index
        %parallel_loop3A_154 = arith.index_cast %parallel_loop3A_111 : i32 to index
        %parallel_loop3A_155 = tpu.vector_load %arg6[%parallel_loop3A_153, %parallel_loop3A_154] {strides = array<i32>} : memref<14x1024xf32, #tpu.memory_space<vmem>>, vector<16xf32>,
        %parallel_loop3A_156 = arith.constant 9 : i32
        %parallel_loop3A_157 = arith.index_cast %parallel_loop3A_156 : i32 to index
        %parallel_loop3A_158 = arith.index_cast %parallel_loop3A_111 : i32 to index
        %parallel_loop3A_159 = tpu.vector_load %arg8[%parallel_loop3A_157, %parallel_loop3A_158] {strides = array<i32>} : memref<14x1024xf32, #tpu.memory_space<vmem>>, vector<16xf32>,
        %parallel_loop3A_160 = arith.subf %parallel_loop3A_115, %parallel_loop3A_119 : vector<16xf32>
        %parallel_loop3A_161 = arith.subf %parallel_loop3A_123, %parallel_loop3A_127 : vector<16xf32>
        %parallel_loop3A_162 = arith.mulf %parallel_loop3A_160, %parallel_loop3A_160 : vector<16xf32>
        %parallel_loop3A_163 = arith.mulf %parallel_loop3A_161, %parallel_loop3A_161 : vector<16xf32>
        %parallel_loop3A_164 = arith.addf %parallel_loop3A_162, %parallel_loop3A_163 : vector<16xf32>
        %parallel_loop3A_165 = arith.addf %parallel_loop3A_131, %parallel_loop3A_135 : vector<16xf32>
        %parallel_loop3A_166 = arith.mulf %parallel_loop3A_131, %parallel_loop3A_135 : vector<16xf32>
        %parallel_loop3A_167 = tpu.bitcast %parallel_loop3A_166 : vector<16xf32> -> vector<16xi32>
        %parallel_loop3A_168 = arith.constant 1 : i32
        %parallel_loop3A_169 = vector.broadcast %parallel_loop3A_168 : i32 to vector<16xi32>
        %parallel_loop3A_170 = arith.shrsi %parallel_loop3A_167, %parallel_loop3A_169 : vector<16xi32>
        %parallel_loop3A_171 = arith.constant 1597463007 : i32
        %parallel_loop3A_172 = vector.broadcast %parallel_loop3A_171 : i32 to vector<16xi32>
        %parallel_loop3A_173 = arith.subi %parallel_loop3A_172, %parallel_loop3A_170 : vector<16xi32>
        %parallel_loop3A_174 = tpu.bitcast %parallel_loop3A_173 : vector<16xi32> -> vector<16xf32>
        %parallel_loop3A_175 = arith.constant 5.000000e-01 : f32
        %parallel_loop3A_176 = vector.broadcast %parallel_loop3A_175 : f32 to vector<16xf32>
        %parallel_loop3A_177 = arith.mulf %parallel_loop3A_176, %parallel_loop3A_166 : vector<16xf32>
        %parallel_loop3A_178 = arith.mulf %parallel_loop3A_177, %parallel_loop3A_174 : vector<16xf32>
        %parallel_loop3A_179 = arith.mulf %parallel_loop3A_178, %parallel_loop3A_174 : vector<16xf32>
        %parallel_loop3A_180 = arith.constant 1.500000e+00 : f32
        %parallel_loop3A_181 = vector.broadcast %parallel_loop3A_180 : f32 to vector<16xf32>
        %parallel_loop3A_182 = arith.subf %parallel_loop3A_181, %parallel_loop3A_179 : vector<16xf32>
        %parallel_loop3A_183 = arith.mulf %parallel_loop3A_174, %parallel_loop3A_182 : vector<16xf32>
        %parallel_loop3A_184 = arith.constant 5.000000e-01 : f32
        %parallel_loop3A_185 = vector.broadcast %parallel_loop3A_184 : f32 to vector<16xf32>
        %parallel_loop3A_186 = arith.mulf %parallel_loop3A_185, %parallel_loop3A_166 : vector<16xf32>
        %parallel_loop3A_187 = arith.mulf %parallel_loop3A_186, %parallel_loop3A_183 : vector<16xf32>
        %parallel_loop3A_188 = arith.mulf %parallel_loop3A_187, %parallel_loop3A_183 : vector<16xf32>
        %parallel_loop3A_189 = arith.constant 1.500000e+00 : f32
        %parallel_loop3A_190 = vector.broadcast %parallel_loop3A_189 : f32 to vector<16xf32>
        %parallel_loop3A_191 = arith.subf %parallel_loop3A_190, %parallel_loop3A_188 : vector<16xf32>
        %parallel_loop3A_192 = arith.mulf %parallel_loop3A_183, %parallel_loop3A_191 : vector<16xf32>
        %parallel_loop3A_193 = arith.constant 5.000000e-01 : f32
        %parallel_loop3A_194 = vector.broadcast %parallel_loop3A_193 : f32 to vector<16xf32>
        %parallel_loop3A_195 = arith.mulf %parallel_loop3A_194, %parallel_loop3A_166 : vector<16xf32>
        %parallel_loop3A_196 = arith.mulf %parallel_loop3A_195, %parallel_loop3A_192 : vector<16xf32>
        %parallel_loop3A_197 = arith.mulf %parallel_loop3A_196, %parallel_loop3A_192 : vector<16xf32>
        %parallel_loop3A_198 = arith.constant 1.500000e+00 : f32
        %parallel_loop3A_199 = vector.broadcast %parallel_loop3A_198 : f32 to vector<16xf32>
        %parallel_loop3A_200 = arith.subf %parallel_loop3A_199, %parallel_loop3A_197 : vector<16xf32>
        %parallel_loop3A_201 = arith.mulf %parallel_loop3A_192, %parallel_loop3A_200 : vector<16xf32>
        %parallel_loop3A_202 = arith.mulf %parallel_loop3A_166, %parallel_loop3A_201 : vector<16xf32>
        %parallel_loop3A_203 = arith.constant 2.000000e+00 : f32
        %parallel_loop3A_204 = vector.broadcast %parallel_loop3A_203 : f32 to vector<16xf32>
        %parallel_loop3A_205 = arith.mulf %parallel_loop3A_204, %parallel_loop3A_202 : vector<16xf32>
        %parallel_loop3A_206 = arith.subf %parallel_loop3A_165, %parallel_loop3A_205 : vector<16xf32>
        %parallel_loop3A_207 = arith.addf %parallel_loop3A_164, %parallel_loop3A_206 : vector<16xf32>
        %parallel_loop3A_208 = arith.addf %parallel_loop3A_139, %parallel_loop3A_143 : vector<16xf32>
        %parallel_loop3A_209 = arith.mulf %parallel_loop3A_139, %parallel_loop3A_143 : vector<16xf32>
        %parallel_loop3A_210 = tpu.bitcast %parallel_loop3A_209 : vector<16xf32> -> vector<16xi32>
        %parallel_loop3A_211 = arith.constant 1 : i32
        %parallel_loop3A_212 = vector.broadcast %parallel_loop3A_211 : i32 to vector<16xi32>
        %parallel_loop3A_213 = arith.shrsi %parallel_loop3A_210, %parallel_loop3A_212 : vector<16xi32>
        %parallel_loop3A_214 = arith.constant 1597463007 : i32
        %parallel_loop3A_215 = vector.broadcast %parallel_loop3A_214 : i32 to vector<16xi32>
        %parallel_loop3A_216 = arith.subi %parallel_loop3A_215, %parallel_loop3A_213 : vector<16xi32>
        %parallel_loop3A_217 = tpu.bitcast %parallel_loop3A_216 : vector<16xi32> -> vector<16xf32>
        %parallel_loop3A_218 = arith.constant 5.000000e-01 : f32
        %parallel_loop3A_219 = vector.broadcast %parallel_loop3A_218 : f32 to vector<16xf32>
        %parallel_loop3A_220 = arith.mulf %parallel_loop3A_219, %parallel_loop3A_209 : vector<16xf32>
        %parallel_loop3A_221 = arith.mulf %parallel_loop3A_220, %parallel_loop3A_217 : vector<16xf32>
        %parallel_loop3A_222 = arith.mulf %parallel_loop3A_221, %parallel_loop3A_217 : vector<16xf32>
        %parallel_loop3A_223 = arith.constant 1.500000e+00 : f32
        %parallel_loop3A_224 = vector.broadcast %parallel_loop3A_223 : f32 to vector<16xf32>
        %parallel_loop3A_225 = arith.subf %parallel_loop3A_224, %parallel_loop3A_222 : vector<16xf32>
        %parallel_loop3A_226 = arith.mulf %parallel_loop3A_217, %parallel_loop3A_225 : vector<16xf32>
        %parallel_loop3A_227 = arith.constant 5.000000e-01 : f32
        %parallel_loop3A_228 = vector.broadcast %parallel_loop3A_227 : f32 to vector<16xf32>
        %parallel_loop3A_229 = arith.mulf %parallel_loop3A_228, %parallel_loop3A_209 : vector<16xf32>
        %parallel_loop3A_230 = arith.mulf %parallel_loop3A_229, %parallel_loop3A_226 : vector<16xf32>
        %parallel_loop3A_231 = arith.mulf %parallel_loop3A_230, %parallel_loop3A_226 : vector<16xf32>
        %parallel_loop3A_232 = arith.constant 1.500000e+00 : f32
        %parallel_loop3A_233 = vector.broadcast %parallel_loop3A_232 : f32 to vector<16xf32>
        %parallel_loop3A_234 = arith.subf %parallel_loop3A_233, %parallel_loop3A_231 : vector<16xf32>
        %parallel_loop3A_235 = arith.mulf %parallel_loop3A_226, %parallel_loop3A_234 : vector<16xf32>
        %parallel_loop3A_236 = arith.constant 5.000000e-01 : f32
        %parallel_loop3A_237 = vector.broadcast %parallel_loop3A_236 : f32 to vector<16xf32>
        %parallel_loop3A_238 = arith.mulf %parallel_loop3A_237, %parallel_loop3A_209 : vector<16xf32>
        %parallel_loop3A_239 = arith.mulf %parallel_loop3A_238, %parallel_loop3A_235 : vector<16xf32>
        %parallel_loop3A_240 = arith.mulf %parallel_loop3A_239, %parallel_loop3A_235 : vector<16xf32>
        %parallel_loop3A_241 = arith.constant 1.500000e+00 : f32
        %parallel_loop3A_242 = vector.broadcast %parallel_loop3A_241 : f32 to vector<16xf32>
        %parallel_loop3A_243 = arith.subf %parallel_loop3A_242, %parallel_loop3A_240 : vector<16xf32>
        %parallel_loop3A_244 = arith.mulf %parallel_loop3A_235, %parallel_loop3A_243 : vector<16xf32>
        %parallel_loop3A_245 = arith.mulf %parallel_loop3A_209, %parallel_loop3A_244 : vector<16xf32>
        %parallel_loop3A_246 = arith.constant 2.000000e+00 : f32
        %parallel_loop3A_247 = vector.broadcast %parallel_loop3A_246 : f32 to vector<16xf32>
        %parallel_loop3A_248 = arith.mulf %parallel_loop3A_247, %parallel_loop3A_245 : vector<16xf32>
        %parallel_loop3A_249 = arith.subf %parallel_loop3A_208, %parallel_loop3A_248 : vector<16xf32>
        %parallel_loop3A_250 = arith.addf %parallel_loop3A_207, %parallel_loop3A_249 : vector<16xf32>
        %parallel_loop3A_251 = arith.constant 0.000000e+00 : f32
        %parallel_loop3A_252 = vector.broadcast %parallel_loop3A_251 : f32 to vector<16xf32>
        %parallel_loop3A_253 = arith.constant 10 : i32
        %parallel_loop3A_254 = arith.index_cast %parallel_loop3A_253 : i32 to index
        %parallel_loop3A_255 = arith.index_cast %parallel_loop3A_111 : i32 to index
        %parallel_loop3A_256 = tpu.vector_load %arg6[%parallel_loop3A_254, %parallel_loop3A_255] {strides = array<i32>} : memref<14x1024xf32, #tpu.memory_space<vmem>>, vector<16xf32>,
        %parallel_loop3A_257 = arith.constant 10 : i32
        %parallel_loop3A_258 = arith.index_cast %parallel_loop3A_257 : i32 to index
        %parallel_loop3A_259 = arith.index_cast %parallel_loop3A_111 : i32 to index
        %parallel_loop3A_260 = tpu.vector_load %arg8[%parallel_loop3A_258, %parallel_loop3A_259] {strides = array<i32>} : memref<14x1024xf32, #tpu.memory_space<vmem>>, vector<16xf32>,
        %parallel_loop3A_261 = arith.subf %parallel_loop3A_256, %parallel_loop3A_260 : vector<16xf32>
        %parallel_loop3A_262 = arith.mulf %parallel_loop3A_261, %parallel_loop3A_261 : vector<16xf32>
        %parallel_loop3A_263 = arith.addf %parallel_loop3A_252, %parallel_loop3A_262 : vector<16xf32>
        %parallel_loop3A_264 = arith.constant 11 : i32
        %parallel_loop3A_265 = arith.index_cast %parallel_loop3A_264 : i32 to index
        %parallel_loop3A_266 = arith.index_cast %parallel_loop3A_111 : i32 to index
        %parallel_loop3A_267 = tpu.vector_load %arg6[%parallel_loop3A_265, %parallel_loop3A_266] {strides = array<i32>} : memref<14x1024xf32, #tpu.memory_space<vmem>>, vector<16xf32>,
        %parallel_loop3A_268 = arith.constant 11 : i32
        %parallel_loop3A_269 = arith.index_cast %parallel_loop3A_268 : i32 to index
        %parallel_loop3A_270 = arith.index_cast %parallel_loop3A_111 : i32 to index
        %parallel_loop3A_271 = tpu.vector_load %arg8[%parallel_loop3A_269, %parallel_loop3A_270] {strides = array<i32>} : memref<14x1024xf32, #tpu.memory_space<vmem>>, vector<16xf32>,
        %parallel_loop3A_272 = arith.subf %parallel_loop3A_267, %parallel_loop3A_271 : vector<16xf32>
        %parallel_loop3A_273 = arith.mulf %parallel_loop3A_272, %parallel_loop3A_272 : vector<16xf32>
        %parallel_loop3A_274 = arith.addf %parallel_loop3A_263, %parallel_loop3A_273 : vector<16xf32>
        %parallel_loop3A_275 = arith.constant 12 : i32
        %parallel_loop3A_276 = arith.index_cast %parallel_loop3A_275 : i32 to index
        %parallel_loop3A_277 = arith.index_cast %parallel_loop3A_111 : i32 to index
        %parallel_loop3A_278 = tpu.vector_load %arg6[%parallel_loop3A_276, %parallel_loop3A_277] {strides = array<i32>} : memref<14x1024xf32, #tpu.memory_space<vmem>>, vector<16xf32>,
        %parallel_loop3A_279 = arith.constant 12 : i32
        %parallel_loop3A_280 = arith.index_cast %parallel_loop3A_279 : i32 to index
        %parallel_loop3A_281 = arith.index_cast %parallel_loop3A_111 : i32 to index
        %parallel_loop3A_282 = tpu.vector_load %arg8[%parallel_loop3A_280, %parallel_loop3A_281] {strides = array<i32>} : memref<14x1024xf32, #tpu.memory_space<vmem>>, vector<16xf32>,
        %parallel_loop3A_283 = arith.subf %parallel_loop3A_278, %parallel_loop3A_282 : vector<16xf32>
        %parallel_loop3A_284 = arith.mulf %parallel_loop3A_283, %parallel_loop3A_283 : vector<16xf32>
        %parallel_loop3A_285 = arith.addf %parallel_loop3A_274, %parallel_loop3A_284 : vector<16xf32>
        %parallel_loop3A_286 = arith.constant 13 : i32
        %parallel_loop3A_287 = arith.index_cast %parallel_loop3A_286 : i32 to index
        %parallel_loop3A_288 = arith.index_cast %parallel_loop3A_111 : i32 to index
        %parallel_loop3A_289 = tpu.vector_load %arg6[%parallel_loop3A_287, %parallel_loop3A_288] {strides = array<i32>} : memref<14x1024xf32, #tpu.memory_space<vmem>>, vector<16xf32>,
        %parallel_loop3A_290 = arith.constant 13 : i32
        %parallel_loop3A_291 = arith.index_cast %parallel_loop3A_290 : i32 to index
        %parallel_loop3A_292 = arith.index_cast %parallel_loop3A_111 : i32 to index
        %parallel_loop3A_293 = tpu.vector_load %arg8[%parallel_loop3A_291, %parallel_loop3A_292] {strides = array<i32>} : memref<14x1024xf32, #tpu.memory_space<vmem>>, vector<16xf32>,
        %parallel_loop3A_294 = arith.subf %parallel_loop3A_289, %parallel_loop3A_293 : vector<16xf32>
        %parallel_loop3A_295 = arith.mulf %parallel_loop3A_294, %parallel_loop3A_294 : vector<16xf32>
        %parallel_loop3A_296 = arith.addf %parallel_loop3A_285, %parallel_loop3A_295 : vector<16xf32>
        %parallel_loop3A_297 = arith.subf %parallel_loop3A_147, %parallel_loop3A_151 : vector<16xf32>
        %parallel_loop3A_298 = arith.subf %parallel_loop3A_155, %parallel_loop3A_159 : vector<16xf32>
        %parallel_loop3A_299 = arith.constant 0.000000e+00 : f32
        %parallel_loop3A_300 = vector.broadcast %parallel_loop3A_299 : f32 to vector<16xf32>
        %parallel_loop3A_301 = arith.constant 1.000000e+00 : f32
        %parallel_loop3A_302 = vector.broadcast %parallel_loop3A_301 : f32 to vector<16xf32>
        %parallel_loop3A_303 = arith.constant 0.000000e+00 : f32
        %parallel_loop3A_304 = vector.broadcast %parallel_loop3A_303 : f32 to vector<16xf32>
        %parallel_loop3A_305 = arith.cmpf ogt, %parallel_loop3A_151, %parallel_loop3A_304 : vector<16xf32>
        %parallel_loop3A_306 = arith.select %parallel_loop3A_305, %parallel_loop3A_302, %parallel_loop3A_300 : vector<16xi1>, vector<16xf32>
        %parallel_loop3A_307 = arith.constant 0.000000e+00 : f32
        %parallel_loop3A_308 = vector.broadcast %parallel_loop3A_307 : f32 to vector<16xf32>
        %parallel_loop3A_309 = arith.cmpf oeq, %parallel_loop3A_151, %parallel_loop3A_308 : vector<16xf32>
        %parallel_loop3A_310 = arith.select %parallel_loop3A_309, %parallel_loop3A_302, %parallel_loop3A_300 : vector<16xi1>, vector<16xf32>
        %parallel_loop3A_311 = arith.constant 5.000000e+00 : f32
        %parallel_loop3A_312 = vector.broadcast %parallel_loop3A_311 : f32 to vector<16xf32>
        %parallel_loop3A_313 = arith.mulf %parallel_loop3A_312, %parallel_loop3A_250 : vector<16xf32>
        %parallel_loop3A_314 = arith.constant 2.000000e+00 : f32
        %parallel_loop3A_315 = vector.broadcast %parallel_loop3A_314 : f32 to vector<16xf32>
        %parallel_loop3A_316 = arith.mulf %parallel_loop3A_315, %parallel_loop3A_147 : vector<16xf32>
        %parallel_loop3A_317 = arith.mulf %parallel_loop3A_316, %parallel_loop3A_147 : vector<16xf32>
        %parallel_loop3A_318 = arith.addf %parallel_loop3A_313, %parallel_loop3A_317 : vector<16xf32>
        %parallel_loop3A_319 = arith.mulf %parallel_loop3A_155, %parallel_loop3A_155 : vector<16xf32>
        %parallel_loop3A_320 = arith.addf %parallel_loop3A_318, %parallel_loop3A_319 : vector<16xf32>
        %parallel_loop3A_321 = arith.addf %parallel_loop3A_320, %parallel_loop3A_296 : vector<16xf32>
        %parallel_loop3A_322 = arith.mulf %parallel_loop3A_306, %parallel_loop3A_321 : vector<16xf32>
        %parallel_loop3A_323 = arith.constant 5.000000e-01 : f32
        %parallel_loop3A_324 = vector.broadcast %parallel_loop3A_323 : f32 to vector<16xf32>
        %parallel_loop3A_325 = arith.mulf %parallel_loop3A_324, %parallel_loop3A_310 : vector<16xf32>
        %parallel_loop3A_326 = arith.mulf %parallel_loop3A_297, %parallel_loop3A_297 : vector<16xf32>
        %parallel_loop3A_327 = arith.mulf %parallel_loop3A_298, %parallel_loop3A_298 : vector<16xf32>
        %parallel_loop3A_328 = arith.addf %parallel_loop3A_326, %parallel_loop3A_327 : vector<16xf32>
        %parallel_loop3A_329 = arith.mulf %parallel_loop3A_325, %parallel_loop3A_328 : vector<16xf32>
        %parallel_loop3A_330 = arith.addf %parallel_loop3A_322, %parallel_loop3A_329 : vector<16xf32>
        %parallel_loop3A_331 = arith.addf %parallel_loop3A_109, %parallel_loop3A_330 : vector<16xf32>
        scf.yield %parallel_loop3A_331 : vector<16xf32>
      } {sc.loop_unroll_factor = 4 : i64, sc.parallel_access}
      %lt3A_103 = arith.constant 2 : i32
      %lt3A_104 = arith.cmpi slt, %scan3A_54, %lt3A_103 : i32
      %convert_element_type3A_105 = arith.extui %lt3A_104 : i1 to i32
      %cond3A_106 = arith.constant 0 : i32
      %cond3A_107 = arith.cmpi ne, %convert_element_type3A_105, %cond3A_106 : i32
      scf.if %cond3A_107 {
        %mul3A_108 = arith.constant 2 : i32
        %mul3A_109 = arith.muli %mul3A_108, %scan3A_54 : i32
        %add3A_110 = arith.addi %mul3A_2, %mul3A_109 : i32
        %add3A_111 = arith.constant 3 : i32
        %add3A_112 = arith.addi %add3A_110, %add3A_111 : i32
        %dma_start3A_113 = arith.constant 0 : i32
        %dma_start3A_114 = arith.constant 0 : i32
        %dma_start3A_115 = tpu.memref_slice %arg2[%add3A_112, %dma_start3A_113, %dma_start3A_114] : memref<196x14x1024xf32, #tpu.memory_space<hbm>> -> memref<1x14x1024xf32, #tpu.memory_space<hbm>>
        %dma_start3A_116 = tpu.memref_squeeze %dma_start3A_115 : memref<1x14x1024xf32, #tpu.memory_space<hbm>> -> memref<14x1024xf32, #tpu.memory_space<hbm>>
        %dma_start3A_117 = arith.constant 0 : i32
        %dma_start3A_118 = arith.constant 0 : i32
        %dma_start3A_119 = tpu.memref_slice %arg2[%add3A_112, %dma_start3A_117, %dma_start3A_118] : memref<196x14x1024xf32, #tpu.memory_space<hbm>> -> memref<1x14x1024xf32, #tpu.memory_space<hbm>>
        %dma_start3A_120 = tpu.memref_squeeze %dma_start3A_119 : memref<1x14x1024xf32, #tpu.memory_space<hbm>> -> memref<14x1024xf32, #tpu.memory_space<hbm>>
        tpu.enqueue_dma source(%dma_start3A_120 : memref<14x1024xf32, #tpu.memory_space<hbm>>) target(%arg6 : memref<14x1024xf32, #tpu.memory_space<vmem>>) target_semaphore(%arg11 : memref<!tpu.dma_semaphore, #tpu.memory_space<semaphore_mem>>)
        %dma_start3A_121 = arith.constant 0 : i32
        %dma_start3A_122 = arith.constant 0 : i32
        %dma_start3A_123 = tpu.memref_slice %arg3[%add3A_112, %dma_start3A_121, %dma_start3A_122] : memref<196x14x1024xf32, #tpu.memory_space<hbm>> -> memref<1x14x1024xf32, #tpu.memory_space<hbm>>
        %dma_start3A_124 = tpu.memref_squeeze %dma_start3A_123 : memref<1x14x1024xf32, #tpu.memory_space<hbm>> -> memref<14x1024xf32, #tpu.memory_space<hbm>>
        %dma_start3A_125 = arith.constant 0 : i32
        %dma_start3A_126 = arith.constant 0 : i32
        %dma_start3A_127 = tpu.memref_slice %arg3[%add3A_112, %dma_start3A_125, %dma_start3A_126] : memref<196x14x1024xf32, #tpu.memory_space<hbm>> -> memref<1x14x1024xf32, #tpu.memory_space<hbm>>
        %dma_start3A_128 = tpu.memref_squeeze %dma_start3A_127 : memref<1x14x1024xf32, #tpu.memory_space<hbm>> -> memref<14x1024xf32, #tpu.memory_space<hbm>>
        tpu.enqueue_dma source(%dma_start3A_128 : memref<14x1024xf32, #tpu.memory_space<hbm>>) target(%arg8 : memref<14x1024xf32, #tpu.memory_space<vmem>>) target_semaphore(%arg13 : memref<!tpu.dma_semaphore, #tpu.memory_space<semaphore_mem>>)
      } else {
      }
      scf.yield %parallel_loop3A_102 : vector<16xf32>
    }
    %scan3A_41 = arith.constant 3 : i32
    %ge3A = arith.constant 28 : i32
    %ge3A_42 = arith.cmpi sge, %add3A, %ge3A : i32
    %convert_element_type3A = arith.extui %ge3A_42 : i1 to i32
    %cond3A = arith.constant 0 : i32
    %cond3A_43 = arith.cmpi ne, %convert_element_type3A, %cond3A : i32
    scf.if %cond3A_43 {
      %sub3A = arith.constant 28 : i32
      %sub3A_54 = arith.subi %add3A, %sub3A : i32
      %add3A_55 = arith.constant 192 : i32
      %add3A_56 = arith.addi %add3A_55, %sub3A_54 : i32
      %dma_start3A_57 = arith.constant 0 : i32
      %dma_start3A_58 = arith.constant 0 : i32
      %dma_start3A_59 = tpu.memref_slice %arg2[%add3A_56, %dma_start3A_57, %dma_start3A_58] : memref<196x14x1024xf32, #tpu.memory_space<hbm>> -> memref<1x14x1024xf32, #tpu.memory_space<hbm>>
      %dma_start3A_60 = tpu.memref_squeeze %dma_start3A_59 : memref<1x14x1024xf32, #tpu.memory_space<hbm>> -> memref<14x1024xf32, #tpu.memory_space<hbm>>
      %dma_start3A_61 = arith.constant 0 : i32
      %dma_start3A_62 = arith.constant 0 : i32
      %dma_start3A_63 = tpu.memref_slice %arg2[%add3A_56, %dma_start3A_61, %dma_start3A_62] : memref<196x14x1024xf32, #tpu.memory_space<hbm>> -> memref<1x14x1024xf32, #tpu.memory_space<hbm>>
      %dma_start3A_64 = tpu.memref_squeeze %dma_start3A_63 : memref<1x14x1024xf32, #tpu.memory_space<hbm>> -> memref<14x1024xf32, #tpu.memory_space<hbm>>
      tpu.enqueue_dma source(%dma_start3A_64 : memref<14x1024xf32, #tpu.memory_space<hbm>>) target(%arg5 : memref<14x1024xf32, #tpu.memory_space<vmem>>) target_semaphore(%arg10 : memref<!tpu.dma_semaphore, #tpu.memory_space<semaphore_mem>>)
      %dma_start3A_65 = arith.constant 0 : i32
      %dma_start3A_66 = arith.constant 0 : i32
      %dma_start3A_67 = tpu.memref_slice %arg3[%add3A_56, %dma_start3A_65, %dma_start3A_66] : memref<196x14x1024xf32, #tpu.memory_space<hbm>> -> memref<1x14x1024xf32, #tpu.memory_space<hbm>>
      %dma_start3A_68 = tpu.memref_squeeze %dma_start3A_67 : memref<1x14x1024xf32, #tpu.memory_space<hbm>> -> memref<14x1024xf32, #tpu.memory_space<hbm>>
      %dma_start3A_69 = arith.constant 0 : i32
      %dma_start3A_70 = arith.constant 0 : i32
      %dma_start3A_71 = tpu.memref_slice %arg3[%add3A_56, %dma_start3A_69, %dma_start3A_70] : memref<196x14x1024xf32, #tpu.memory_space<hbm>> -> memref<1x14x1024xf32, #tpu.memory_space<hbm>>
      %dma_start3A_72 = tpu.memref_squeeze %dma_start3A_71 : memref<1x14x1024xf32, #tpu.memory_space<hbm>> -> memref<14x1024xf32, #tpu.memory_space<hbm>>
      tpu.enqueue_dma source(%dma_start3A_72 : memref<14x1024xf32, #tpu.memory_space<hbm>>) target(%arg7 : memref<14x1024xf32, #tpu.memory_space<vmem>>) target_semaphore(%arg12 : memref<!tpu.dma_semaphore, #tpu.memory_space<semaphore_mem>>)
      %dma_wait3A = arith.constant 0 : i32
      %dma_wait3A_73 = arith.constant 0 : i32
      %dma_wait3A_74 = arith.constant 0 : i32
      %dma_wait3A_75 = tpu.memref_slice %arg2[%dma_wait3A, %dma_wait3A_73, %dma_wait3A_74] : memref<196x14x1024xf32, #tpu.memory_space<hbm>> -> memref<1x14x1024xf32, #tpu.memory_space<hbm>>
      %dma_wait3A_76 = tpu.memref_squeeze %dma_wait3A_75 : memref<1x14x1024xf32, #tpu.memory_space<hbm>> -> memref<14x1024xf32, #tpu.memory_space<hbm>>
      %dma_wait3A_77 = arith.constant 0 : i32
      %dma_wait3A_78 = arith.constant 0 : i32
      %dma_wait3A_79 = tpu.memref_slice %arg2[%dma_wait3A, %dma_wait3A_77, %dma_wait3A_78] : memref<196x14x1024xf32, #tpu.memory_space<hbm>> -> memref<1x14x1024xf32, #tpu.memory_space<hbm>>
      %dma_wait3A_80 = tpu.memref_squeeze %dma_wait3A_79 : memref<1x14x1024xf32, #tpu.memory_space<hbm>> -> memref<14x1024xf32, #tpu.memory_space<hbm>>
      tpu.wait_dma2 semaphore(%arg10 : memref<!tpu.dma_semaphore, #tpu.memory_space<semaphore_mem>>) src(%dma_wait3A_80 : memref<14x1024xf32, #tpu.memory_space<hbm>>) dst(%arg5 : memref<14x1024xf32, #tpu.memory_space<vmem>>)
      %dma_wait3A_81 = arith.constant 0 : i32
      %dma_wait3A_82 = arith.constant 0 : i32
      %dma_wait3A_83 = arith.constant 0 : i32
      %dma_wait3A_84 = tpu.memref_slice %arg3[%dma_wait3A_81, %dma_wait3A_82, %dma_wait3A_83] : memref<196x14x1024xf32, #tpu.memory_space<hbm>> -> memref<1x14x1024xf32, #tpu.memory_space<hbm>>
      %dma_wait3A_85 = tpu.memref_squeeze %dma_wait3A_84 : memref<1x14x1024xf32, #tpu.memory_space<hbm>> -> memref<14x1024xf32, #tpu.memory_space<hbm>>
      %dma_wait3A_86 = arith.constant 0 : i32
      %dma_wait3A_87 = arith.constant 0 : i32
      %dma_wait3A_88 = tpu.memref_slice %arg3[%dma_wait3A_81, %dma_wait3A_86, %dma_wait3A_87] : memref<196x14x1024xf32, #tpu.memory_space<hbm>> -> memref<1x14x1024xf32, #tpu.memory_space<hbm>>
      %dma_wait3A_89 = tpu.memref_squeeze %dma_wait3A_88 : memref<1x14x1024xf32, #tpu.memory_space<hbm>> -> memref<14x1024xf32, #tpu.memory_space<hbm>>
      tpu.wait_dma2 semaphore(%arg12 : memref<!tpu.dma_semaphore, #tpu.memory_space<semaphore_mem>>) src(%dma_wait3A_89 : memref<14x1024xf32, #tpu.memory_space<hbm>>) dst(%arg7 : memref<14x1024xf32, #tpu.memory_space<vmem>>)
      %broadcast_in_dim3A_90 = arith.constant 0.000000e+00 : f32
      %broadcast_in_dim3A_91 = vector.broadcast %broadcast_in_dim3A_90 : f32 to vector<16xf32>
      %parallel_loop3A = arith.constant 0 : i32
      %parallel_loop3A_92 = arith.constant 64 : i32
      %parallel_loop3A_93 = arith.constant 1 : i32
      %parallel_loop3A_94 = scf.for %parallel_loop3A_97 = %parallel_loop3A to %parallel_loop3A_92 step %parallel_loop3A_93 iter_args(%parallel_loop3A_98 = %broadcast_in_dim3A_91) -> (vector<16xf32>)  : i32 {
        %parallel_loop3A_99 = arith.constant 16 : i32
        %parallel_loop3A_100 = arith.muli %parallel_loop3A_97, %parallel_loop3A_99 : i32
        %parallel_loop3A_101 = arith.constant 0 : i32
        %parallel_loop3A_102 = arith.index_cast %parallel_loop3A_101 : i32 to index
        %parallel_loop3A_103 = arith.index_cast %parallel_loop3A_100 : i32 to index
        %parallel_loop3A_104 = tpu.vector_load %arg5[%parallel_loop3A_102, %parallel_loop3A_103] {strides = array<i32>} : memref<14x1024xf32, #tpu.memory_space<vmem>>, vector<16xf32>,
        %parallel_loop3A_105 = arith.constant 0 : i32
        %parallel_loop3A_106 = arith.index_cast %parallel_loop3A_105 : i32 to index
        %parallel_loop3A_107 = arith.index_cast %parallel_loop3A_100 : i32 to index
        %parallel_loop3A_108 = tpu.vector_load %arg7[%parallel_loop3A_106, %parallel_loop3A_107] {strides = array<i32>} : memref<14x1024xf32, #tpu.memory_space<vmem>>, vector<16xf32>,
        %parallel_loop3A_109 = arith.constant 1 : i32
        %parallel_loop3A_110 = arith.index_cast %parallel_loop3A_109 : i32 to index
        %parallel_loop3A_111 = arith.index_cast %parallel_loop3A_100 : i32 to index
        %parallel_loop3A_112 = tpu.vector_load %arg5[%parallel_loop3A_110, %parallel_loop3A_111] {strides = array<i32>} : memref<14x1024xf32, #tpu.memory_space<vmem>>, vector<16xf32>,
        %parallel_loop3A_113 = arith.constant 1 : i32
        %parallel_loop3A_114 = arith.index_cast %parallel_loop3A_113 : i32 to index
        %parallel_loop3A_115 = arith.index_cast %parallel_loop3A_100 : i32 to index
        %parallel_loop3A_116 = tpu.vector_load %arg7[%parallel_loop3A_114, %parallel_loop3A_115] {strides = array<i32>} : memref<14x1024xf32, #tpu.memory_space<vmem>>, vector<16xf32>,
        %parallel_loop3A_117 = arith.constant 2 : i32
        %parallel_loop3A_118 = arith.index_cast %parallel_loop3A_117 : i32 to index
        %parallel_loop3A_119 = arith.index_cast %parallel_loop3A_100 : i32 to index
        %parallel_loop3A_120 = tpu.vector_load %arg5[%parallel_loop3A_118, %parallel_loop3A_119] {strides = array<i32>} : memref<14x1024xf32, #tpu.memory_space<vmem>>, vector<16xf32>,
        %parallel_loop3A_121 = arith.constant 2 : i32
        %parallel_loop3A_122 = arith.index_cast %parallel_loop3A_121 : i32 to index
        %parallel_loop3A_123 = arith.index_cast %parallel_loop3A_100 : i32 to index
        %parallel_loop3A_124 = tpu.vector_load %arg7[%parallel_loop3A_122, %parallel_loop3A_123] {strides = array<i32>} : memref<14x1024xf32, #tpu.memory_space<vmem>>, vector<16xf32>,
        %parallel_loop3A_125 = arith.constant 3 : i32
        %parallel_loop3A_126 = arith.index_cast %parallel_loop3A_125 : i32 to index
        %parallel_loop3A_127 = arith.index_cast %parallel_loop3A_100 : i32 to index
        %parallel_loop3A_128 = tpu.vector_load %arg5[%parallel_loop3A_126, %parallel_loop3A_127] {strides = array<i32>} : memref<14x1024xf32, #tpu.memory_space<vmem>>, vector<16xf32>,
        %parallel_loop3A_129 = arith.constant 3 : i32
        %parallel_loop3A_130 = arith.index_cast %parallel_loop3A_129 : i32 to index
        %parallel_loop3A_131 = arith.index_cast %parallel_loop3A_100 : i32 to index
        %parallel_loop3A_132 = tpu.vector_load %arg7[%parallel_loop3A_130, %parallel_loop3A_131] {strides = array<i32>} : memref<14x1024xf32, #tpu.memory_space<vmem>>, vector<16xf32>,
        %parallel_loop3A_133 = arith.constant 4 : i32
        %parallel_loop3A_134 = arith.index_cast %parallel_loop3A_133 : i32 to index
        %parallel_loop3A_135 = arith.index_cast %parallel_loop3A_100 : i32 to index
        %parallel_loop3A_136 = tpu.vector_load %arg5[%parallel_loop3A_134, %parallel_loop3A_135] {strides = array<i32>} : memref<14x1024xf32, #tpu.memory_space<vmem>>, vector<16xf32>,
        %parallel_loop3A_137 = arith.constant 4 : i32
        %parallel_loop3A_138 = arith.index_cast %parallel_loop3A_137 : i32 to index
        %parallel_loop3A_139 = arith.index_cast %parallel_loop3A_100 : i32 to index
        %parallel_loop3A_140 = tpu.vector_load %arg7[%parallel_loop3A_138, %parallel_loop3A_139] {strides = array<i32>} : memref<14x1024xf32, #tpu.memory_space<vmem>>, vector<16xf32>,
        %parallel_loop3A_141 = arith.constant 9 : i32
        %parallel_loop3A_142 = arith.index_cast %parallel_loop3A_141 : i32 to index
        %parallel_loop3A_143 = arith.index_cast %parallel_loop3A_100 : i32 to index
        %parallel_loop3A_144 = tpu.vector_load %arg5[%parallel_loop3A_142, %parallel_loop3A_143] {strides = array<i32>} : memref<14x1024xf32, #tpu.memory_space<vmem>>, vector<16xf32>,
        %parallel_loop3A_145 = arith.constant 9 : i32
        %parallel_loop3A_146 = arith.index_cast %parallel_loop3A_145 : i32 to index
        %parallel_loop3A_147 = arith.index_cast %parallel_loop3A_100 : i32 to index
        %parallel_loop3A_148 = tpu.vector_load %arg7[%parallel_loop3A_146, %parallel_loop3A_147] {strides = array<i32>} : memref<14x1024xf32, #tpu.memory_space<vmem>>, vector<16xf32>,
        %parallel_loop3A_149 = arith.subf %parallel_loop3A_104, %parallel_loop3A_108 : vector<16xf32>
        %parallel_loop3A_150 = arith.subf %parallel_loop3A_112, %parallel_loop3A_116 : vector<16xf32>
        %parallel_loop3A_151 = arith.mulf %parallel_loop3A_149, %parallel_loop3A_149 : vector<16xf32>
        %parallel_loop3A_152 = arith.mulf %parallel_loop3A_150, %parallel_loop3A_150 : vector<16xf32>
        %parallel_loop3A_153 = arith.addf %parallel_loop3A_151, %parallel_loop3A_152 : vector<16xf32>
        %parallel_loop3A_154 = arith.addf %parallel_loop3A_120, %parallel_loop3A_124 : vector<16xf32>
        %parallel_loop3A_155 = arith.mulf %parallel_loop3A_120, %parallel_loop3A_124 : vector<16xf32>
        %parallel_loop3A_156 = tpu.bitcast %parallel_loop3A_155 : vector<16xf32> -> vector<16xi32>
        %parallel_loop3A_157 = arith.constant 1 : i32
        %parallel_loop3A_158 = vector.broadcast %parallel_loop3A_157 : i32 to vector<16xi32>
        %parallel_loop3A_159 = arith.shrsi %parallel_loop3A_156, %parallel_loop3A_158 : vector<16xi32>
        %parallel_loop3A_160 = arith.constant 1597463007 : i32
        %parallel_loop3A_161 = vector.broadcast %parallel_loop3A_160 : i32 to vector<16xi32>
        %parallel_loop3A_162 = arith.subi %parallel_loop3A_161, %parallel_loop3A_159 : vector<16xi32>
        %parallel_loop3A_163 = tpu.bitcast %parallel_loop3A_162 : vector<16xi32> -> vector<16xf32>
        %parallel_loop3A_164 = arith.constant 5.000000e-01 : f32
        %parallel_loop3A_165 = vector.broadcast %parallel_loop3A_164 : f32 to vector<16xf32>
        %parallel_loop3A_166 = arith.mulf %parallel_loop3A_165, %parallel_loop3A_155 : vector<16xf32>
        %parallel_loop3A_167 = arith.mulf %parallel_loop3A_166, %parallel_loop3A_163 : vector<16xf32>
        %parallel_loop3A_168 = arith.mulf %parallel_loop3A_167, %parallel_loop3A_163 : vector<16xf32>
        %parallel_loop3A_169 = arith.constant 1.500000e+00 : f32
        %parallel_loop3A_170 = vector.broadcast %parallel_loop3A_169 : f32 to vector<16xf32>
        %parallel_loop3A_171 = arith.subf %parallel_loop3A_170, %parallel_loop3A_168 : vector<16xf32>
        %parallel_loop3A_172 = arith.mulf %parallel_loop3A_163, %parallel_loop3A_171 : vector<16xf32>
        %parallel_loop3A_173 = arith.constant 5.000000e-01 : f32
        %parallel_loop3A_174 = vector.broadcast %parallel_loop3A_173 : f32 to vector<16xf32>
        %parallel_loop3A_175 = arith.mulf %parallel_loop3A_174, %parallel_loop3A_155 : vector<16xf32>
        %parallel_loop3A_176 = arith.mulf %parallel_loop3A_175, %parallel_loop3A_172 : vector<16xf32>
        %parallel_loop3A_177 = arith.mulf %parallel_loop3A_176, %parallel_loop3A_172 : vector<16xf32>
        %parallel_loop3A_178 = arith.constant 1.500000e+00 : f32
        %parallel_loop3A_179 = vector.broadcast %parallel_loop3A_178 : f32 to vector<16xf32>
        %parallel_loop3A_180 = arith.subf %parallel_loop3A_179, %parallel_loop3A_177 : vector<16xf32>
        %parallel_loop3A_181 = arith.mulf %parallel_loop3A_172, %parallel_loop3A_180 : vector<16xf32>
        %parallel_loop3A_182 = arith.constant 5.000000e-01 : f32
        %parallel_loop3A_183 = vector.broadcast %parallel_loop3A_182 : f32 to vector<16xf32>
        %parallel_loop3A_184 = arith.mulf %parallel_loop3A_183, %parallel_loop3A_155 : vector<16xf32>
        %parallel_loop3A_185 = arith.mulf %parallel_loop3A_184, %parallel_loop3A_181 : vector<16xf32>
        %parallel_loop3A_186 = arith.mulf %parallel_loop3A_185, %parallel_loop3A_181 : vector<16xf32>
        %parallel_loop3A_187 = arith.constant 1.500000e+00 : f32
        %parallel_loop3A_188 = vector.broadcast %parallel_loop3A_187 : f32 to vector<16xf32>
        %parallel_loop3A_189 = arith.subf %parallel_loop3A_188, %parallel_loop3A_186 : vector<16xf32>
        %parallel_loop3A_190 = arith.mulf %parallel_loop3A_181, %parallel_loop3A_189 : vector<16xf32>
        %parallel_loop3A_191 = arith.mulf %parallel_loop3A_155, %parallel_loop3A_190 : vector<16xf32>
        %parallel_loop3A_192 = arith.constant 2.000000e+00 : f32
        %parallel_loop3A_193 = vector.broadcast %parallel_loop3A_192 : f32 to vector<16xf32>
        %parallel_loop3A_194 = arith.mulf %parallel_loop3A_193, %parallel_loop3A_191 : vector<16xf32>
        %parallel_loop3A_195 = arith.subf %parallel_loop3A_154, %parallel_loop3A_194 : vector<16xf32>
        %parallel_loop3A_196 = arith.addf %parallel_loop3A_153, %parallel_loop3A_195 : vector<16xf32>
        %parallel_loop3A_197 = arith.addf %parallel_loop3A_128, %parallel_loop3A_132 : vector<16xf32>
        %parallel_loop3A_198 = arith.mulf %parallel_loop3A_128, %parallel_loop3A_132 : vector<16xf32>
        %parallel_loop3A_199 = tpu.bitcast %parallel_loop3A_198 : vector<16xf32> -> vector<16xi32>
        %parallel_loop3A_200 = arith.constant 1 : i32
        %parallel_loop3A_201 = vector.broadcast %parallel_loop3A_200 : i32 to vector<16xi32>
        %parallel_loop3A_202 = arith.shrsi %parallel_loop3A_199, %parallel_loop3A_201 : vector<16xi32>
        %parallel_loop3A_203 = arith.constant 1597463007 : i32
        %parallel_loop3A_204 = vector.broadcast %parallel_loop3A_203 : i32 to vector<16xi32>
        %parallel_loop3A_205 = arith.subi %parallel_loop3A_204, %parallel_loop3A_202 : vector<16xi32>
        %parallel_loop3A_206 = tpu.bitcast %parallel_loop3A_205 : vector<16xi32> -> vector<16xf32>
        %parallel_loop3A_207 = arith.constant 5.000000e-01 : f32
        %parallel_loop3A_208 = vector.broadcast %parallel_loop3A_207 : f32 to vector<16xf32>
        %parallel_loop3A_209 = arith.mulf %parallel_loop3A_208, %parallel_loop3A_198 : vector<16xf32>
        %parallel_loop3A_210 = arith.mulf %parallel_loop3A_209, %parallel_loop3A_206 : vector<16xf32>
        %parallel_loop3A_211 = arith.mulf %parallel_loop3A_210, %parallel_loop3A_206 : vector<16xf32>
        %parallel_loop3A_212 = arith.constant 1.500000e+00 : f32
        %parallel_loop3A_213 = vector.broadcast %parallel_loop3A_212 : f32 to vector<16xf32>
        %parallel_loop3A_214 = arith.subf %parallel_loop3A_213, %parallel_loop3A_211 : vector<16xf32>
        %parallel_loop3A_215 = arith.mulf %parallel_loop3A_206, %parallel_loop3A_214 : vector<16xf32>
        %parallel_loop3A_216 = arith.constant 5.000000e-01 : f32
        %parallel_loop3A_217 = vector.broadcast %parallel_loop3A_216 : f32 to vector<16xf32>
        %parallel_loop3A_218 = arith.mulf %parallel_loop3A_217, %parallel_loop3A_198 : vector<16xf32>
        %parallel_loop3A_219 = arith.mulf %parallel_loop3A_218, %parallel_loop3A_215 : vector<16xf32>
        %parallel_loop3A_220 = arith.mulf %parallel_loop3A_219, %parallel_loop3A_215 : vector<16xf32>
        %parallel_loop3A_221 = arith.constant 1.500000e+00 : f32
        %parallel_loop3A_222 = vector.broadcast %parallel_loop3A_221 : f32 to vector<16xf32>
        %parallel_loop3A_223 = arith.subf %parallel_loop3A_222, %parallel_loop3A_220 : vector<16xf32>
        %parallel_loop3A_224 = arith.mulf %parallel_loop3A_215, %parallel_loop3A_223 : vector<16xf32>
        %parallel_loop3A_225 = arith.constant 5.000000e-01 : f32
        %parallel_loop3A_226 = vector.broadcast %parallel_loop3A_225 : f32 to vector<16xf32>
        %parallel_loop3A_227 = arith.mulf %parallel_loop3A_226, %parallel_loop3A_198 : vector<16xf32>
        %parallel_loop3A_228 = arith.mulf %parallel_loop3A_227, %parallel_loop3A_224 : vector<16xf32>
        %parallel_loop3A_229 = arith.mulf %parallel_loop3A_228, %parallel_loop3A_224 : vector<16xf32>
        %parallel_loop3A_230 = arith.constant 1.500000e+00 : f32
        %parallel_loop3A_231 = vector.broadcast %parallel_loop3A_230 : f32 to vector<16xf32>
        %parallel_loop3A_232 = arith.subf %parallel_loop3A_231, %parallel_loop3A_229 : vector<16xf32>
        %parallel_loop3A_233 = arith.mulf %parallel_loop3A_224, %parallel_loop3A_232 : vector<16xf32>
        %parallel_loop3A_234 = arith.mulf %parallel_loop3A_198, %parallel_loop3A_233 : vector<16xf32>
        %parallel_loop3A_235 = arith.constant 2.000000e+00 : f32
        %parallel_loop3A_236 = vector.broadcast %parallel_loop3A_235 : f32 to vector<16xf32>
        %parallel_loop3A_237 = arith.mulf %parallel_loop3A_236, %parallel_loop3A_234 : vector<16xf32>
        %parallel_loop3A_238 = arith.subf %parallel_loop3A_197, %parallel_loop3A_237 : vector<16xf32>
        %parallel_loop3A_239 = arith.addf %parallel_loop3A_196, %parallel_loop3A_238 : vector<16xf32>
        %parallel_loop3A_240 = arith.constant 0.000000e+00 : f32
        %parallel_loop3A_241 = vector.broadcast %parallel_loop3A_240 : f32 to vector<16xf32>
        %parallel_loop3A_242 = arith.constant 10 : i32
        %parallel_loop3A_243 = arith.index_cast %parallel_loop3A_242 : i32 to index
        %parallel_loop3A_244 = arith.index_cast %parallel_loop3A_100 : i32 to index
        %parallel_loop3A_245 = tpu.vector_load %arg5[%parallel_loop3A_243, %parallel_loop3A_244] {strides = array<i32>} : memref<14x1024xf32, #tpu.memory_space<vmem>>, vector<16xf32>,
        %parallel_loop3A_246 = arith.constant 10 : i32
        %parallel_loop3A_247 = arith.index_cast %parallel_loop3A_246 : i32 to index
        %parallel_loop3A_248 = arith.index_cast %parallel_loop3A_100 : i32 to index
        %parallel_loop3A_249 = tpu.vector_load %arg7[%parallel_loop3A_247, %parallel_loop3A_248] {strides = array<i32>} : memref<14x1024xf32, #tpu.memory_space<vmem>>, vector<16xf32>,
        %parallel_loop3A_250 = arith.subf %parallel_loop3A_245, %parallel_loop3A_249 : vector<16xf32>
        %parallel_loop3A_251 = arith.mulf %parallel_loop3A_250, %parallel_loop3A_250 : vector<16xf32>
        %parallel_loop3A_252 = arith.addf %parallel_loop3A_241, %parallel_loop3A_251 : vector<16xf32>
        %parallel_loop3A_253 = arith.constant 11 : i32
        %parallel_loop3A_254 = arith.index_cast %parallel_loop3A_253 : i32 to index
        %parallel_loop3A_255 = arith.index_cast %parallel_loop3A_100 : i32 to index
        %parallel_loop3A_256 = tpu.vector_load %arg5[%parallel_loop3A_254, %parallel_loop3A_255] {strides = array<i32>} : memref<14x1024xf32, #tpu.memory_space<vmem>>, vector<16xf32>,
        %parallel_loop3A_257 = arith.constant 11 : i32
        %parallel_loop3A_258 = arith.index_cast %parallel_loop3A_257 : i32 to index
        %parallel_loop3A_259 = arith.index_cast %parallel_loop3A_100 : i32 to index
        %parallel_loop3A_260 = tpu.vector_load %arg7[%parallel_loop3A_258, %parallel_loop3A_259] {strides = array<i32>} : memref<14x1024xf32, #tpu.memory_space<vmem>>, vector<16xf32>,
        %parallel_loop3A_261 = arith.subf %parallel_loop3A_256, %parallel_loop3A_260 : vector<16xf32>
        %parallel_loop3A_262 = arith.mulf %parallel_loop3A_261, %parallel_loop3A_261 : vector<16xf32>
        %parallel_loop3A_263 = arith.addf %parallel_loop3A_252, %parallel_loop3A_262 : vector<16xf32>
        %parallel_loop3A_264 = arith.constant 12 : i32
        %parallel_loop3A_265 = arith.index_cast %parallel_loop3A_264 : i32 to index
        %parallel_loop3A_266 = arith.index_cast %parallel_loop3A_100 : i32 to index
        %parallel_loop3A_267 = tpu.vector_load %arg5[%parallel_loop3A_265, %parallel_loop3A_266] {strides = array<i32>} : memref<14x1024xf32, #tpu.memory_space<vmem>>, vector<16xf32>,
        %parallel_loop3A_268 = arith.constant 12 : i32
        %parallel_loop3A_269 = arith.index_cast %parallel_loop3A_268 : i32 to index
        %parallel_loop3A_270 = arith.index_cast %parallel_loop3A_100 : i32 to index
        %parallel_loop3A_271 = tpu.vector_load %arg7[%parallel_loop3A_269, %parallel_loop3A_270] {strides = array<i32>} : memref<14x1024xf32, #tpu.memory_space<vmem>>, vector<16xf32>,
        %parallel_loop3A_272 = arith.subf %parallel_loop3A_267, %parallel_loop3A_271 : vector<16xf32>
        %parallel_loop3A_273 = arith.mulf %parallel_loop3A_272, %parallel_loop3A_272 : vector<16xf32>
        %parallel_loop3A_274 = arith.addf %parallel_loop3A_263, %parallel_loop3A_273 : vector<16xf32>
        %parallel_loop3A_275 = arith.constant 13 : i32
        %parallel_loop3A_276 = arith.index_cast %parallel_loop3A_275 : i32 to index
        %parallel_loop3A_277 = arith.index_cast %parallel_loop3A_100 : i32 to index
        %parallel_loop3A_278 = tpu.vector_load %arg5[%parallel_loop3A_276, %parallel_loop3A_277] {strides = array<i32>} : memref<14x1024xf32, #tpu.memory_space<vmem>>, vector<16xf32>,
        %parallel_loop3A_279 = arith.constant 13 : i32
        %parallel_loop3A_280 = arith.index_cast %parallel_loop3A_279 : i32 to index
        %parallel_loop3A_281 = arith.index_cast %parallel_loop3A_100 : i32 to index
        %parallel_loop3A_282 = tpu.vector_load %arg7[%parallel_loop3A_280, %parallel_loop3A_281] {strides = array<i32>} : memref<14x1024xf32, #tpu.memory_space<vmem>>, vector<16xf32>,
        %parallel_loop3A_283 = arith.subf %parallel_loop3A_278, %parallel_loop3A_282 : vector<16xf32>
        %parallel_loop3A_284 = arith.mulf %parallel_loop3A_283, %parallel_loop3A_283 : vector<16xf32>
        %parallel_loop3A_285 = arith.addf %parallel_loop3A_274, %parallel_loop3A_284 : vector<16xf32>
        %parallel_loop3A_286 = arith.subf %parallel_loop3A_136, %parallel_loop3A_140 : vector<16xf32>
        %parallel_loop3A_287 = arith.subf %parallel_loop3A_144, %parallel_loop3A_148 : vector<16xf32>
        %parallel_loop3A_288 = arith.constant 0.000000e+00 : f32
        %parallel_loop3A_289 = vector.broadcast %parallel_loop3A_288 : f32 to vector<16xf32>
        %parallel_loop3A_290 = arith.constant 1.000000e+00 : f32
        %parallel_loop3A_291 = vector.broadcast %parallel_loop3A_290 : f32 to vector<16xf32>
        %parallel_loop3A_292 = arith.constant 0.000000e+00 : f32
        %parallel_loop3A_293 = vector.broadcast %parallel_loop3A_292 : f32 to vector<16xf32>
        %parallel_loop3A_294 = arith.cmpf ogt, %parallel_loop3A_140, %parallel_loop3A_293 : vector<16xf32>
        %parallel_loop3A_295 = arith.select %parallel_loop3A_294, %parallel_loop3A_291, %parallel_loop3A_289 : vector<16xi1>, vector<16xf32>
        %parallel_loop3A_296 = arith.constant 0.000000e+00 : f32
        %parallel_loop3A_297 = vector.broadcast %parallel_loop3A_296 : f32 to vector<16xf32>
        %parallel_loop3A_298 = arith.cmpf oeq, %parallel_loop3A_140, %parallel_loop3A_297 : vector<16xf32>
        %parallel_loop3A_299 = arith.select %parallel_loop3A_298, %parallel_loop3A_291, %parallel_loop3A_289 : vector<16xi1>, vector<16xf32>
        %parallel_loop3A_300 = arith.constant 5.000000e+00 : f32
        %parallel_loop3A_301 = vector.broadcast %parallel_loop3A_300 : f32 to vector<16xf32>
        %parallel_loop3A_302 = arith.mulf %parallel_loop3A_301, %parallel_loop3A_239 : vector<16xf32>
        %parallel_loop3A_303 = arith.constant 2.000000e+00 : f32
        %parallel_loop3A_304 = vector.broadcast %parallel_loop3A_303 : f32 to vector<16xf32>
        %parallel_loop3A_305 = arith.mulf %parallel_loop3A_304, %parallel_loop3A_136 : vector<16xf32>
        %parallel_loop3A_306 = arith.mulf %parallel_loop3A_305, %parallel_loop3A_136 : vector<16xf32>
        %parallel_loop3A_307 = arith.addf %parallel_loop3A_302, %parallel_loop3A_306 : vector<16xf32>
        %parallel_loop3A_308 = arith.mulf %parallel_loop3A_144, %parallel_loop3A_144 : vector<16xf32>
        %parallel_loop3A_309 = arith.addf %parallel_loop3A_307, %parallel_loop3A_308 : vector<16xf32>
        %parallel_loop3A_310 = arith.addf %parallel_loop3A_309, %parallel_loop3A_285 : vector<16xf32>
        %parallel_loop3A_311 = arith.mulf %parallel_loop3A_295, %parallel_loop3A_310 : vector<16xf32>
        %parallel_loop3A_312 = arith.constant 5.000000e-01 : f32
        %parallel_loop3A_313 = vector.broadcast %parallel_loop3A_312 : f32 to vector<16xf32>
        %parallel_loop3A_314 = arith.mulf %parallel_loop3A_313, %parallel_loop3A_299 : vector<16xf32>
        %parallel_loop3A_315 = arith.mulf %parallel_loop3A_286, %parallel_loop3A_286 : vector<16xf32>
        %parallel_loop3A_316 = arith.mulf %parallel_loop3A_287, %parallel_loop3A_287 : vector<16xf32>
        %parallel_loop3A_317 = arith.addf %parallel_loop3A_315, %parallel_loop3A_316 : vector<16xf32>
        %parallel_loop3A_318 = arith.mulf %parallel_loop3A_314, %parallel_loop3A_317 : vector<16xf32>
        %parallel_loop3A_319 = arith.addf %parallel_loop3A_311, %parallel_loop3A_318 : vector<16xf32>
        %parallel_loop3A_320 = arith.addf %parallel_loop3A_98, %parallel_loop3A_319 : vector<16xf32>
        scf.yield %parallel_loop3A_320 : vector<16xf32>
      } {sc.loop_unroll_factor = 4 : i64, sc.parallel_access}
      %swap3A_95 = arith.constant 0 : index
      %swap3A_96 = tpu.vector_load %arg9[%swap3A_95] {strides = array<i32>} : memref<16xf32, #tpu.memory_space<vmem>>, vector<16xf32>,
      tpu.vector_store %arg9[%swap3A_95], %parallel_loop3A_94 {strides = array<i32>} : memref<16xf32, #tpu.memory_space<vmem>>, vector<16xf32>,
    } else {
    }
    %lt3A = arith.constant 28 : i32
    %lt3A_44 = arith.cmpi slt, %add3A, %lt3A : i32
    %convert_element_type3A_45 = arith.extui %lt3A_44 : i1 to i32
    %cond3A_46 = arith.constant 0 : i32
    %cond3A_47 = arith.cmpi ne, %convert_element_type3A_45, %cond3A_46 : i32
    scf.if %cond3A_47 {
      %broadcast_in_dim3A_54 = arith.constant 0.000000e+00 : f32
      %broadcast_in_dim3A_55 = vector.broadcast %broadcast_in_dim3A_54 : f32 to vector<16xf32>
      %swap3A_56 = arith.constant 0 : index
      %swap3A_57 = tpu.vector_load %arg9[%swap3A_56] {strides = array<i32>} : memref<16xf32, #tpu.memory_space<vmem>>, vector<16xf32>,
      tpu.vector_store %arg9[%swap3A_56], %broadcast_in_dim3A_55 {strides = array<i32>} : memref<16xf32, #tpu.memory_space<vmem>>, vector<16xf32>,
    } else {
    }
    %get3A = arith.constant 0 : index
    %get3A_48 = tpu.vector_load %arg9[%get3A] {strides = array<i32>} : memref<16xf32, #tpu.memory_space<vmem>>, vector<16xf32>,
    %add3A_49 = arith.addf %scan3A_40, %get3A_48 : vector<16xf32>
    %mul3A_50 = arith.constant 9.765625E-4 : f32
    %mul3A_51 = vector.broadcast %mul3A_50 : f32 to vector<16xf32>
    %mul3A_52 = arith.mulf %add3A_49, %mul3A_51 : vector<16xf32>
    %swap3A = arith.constant 0 : index
    %swap3A_53 = tpu.vector_load %arg9[%swap3A] {strides = array<i32>} : memref<16xf32, #tpu.memory_space<vmem>>, vector<16xf32>,
    tpu.vector_store %arg9[%swap3A], %mul3A_52 {strides = array<i32>} : memref<16xf32, #tpu.memory_space<vmem>>, vector<16xf32>,
    "tpu.region"() ({
      %run_scoped3A = tpu.sem_alloc : memref<!tpu.dma_semaphore, #tpu.memory_space<semaphore_mem>>
      %dma_start3A_54 = arith.constant 0 : i32
      %dma_start3A_55 = tpu.memref_slice %arg4[%add3A, %dma_start3A_54] : memref<32x16xf32, #tpu.memory_space<hbm>> -> memref<1x16xf32, #tpu.memory_space<hbm>>
      %dma_start3A_56 = tpu.memref_squeeze %dma_start3A_55 : memref<1x16xf32, #tpu.memory_space<hbm>> -> memref<16xf32, #tpu.memory_space<hbm>>
      %dma_start3A_57 = arith.constant 0 : i32
      %dma_start3A_58 = tpu.memref_slice %arg4[%add3A, %dma_start3A_57] : memref<32x16xf32, #tpu.memory_space<hbm>> -> memref<1x16xf32, #tpu.memory_space<hbm>>
      %dma_start3A_59 = tpu.memref_squeeze %dma_start3A_58 : memref<1x16xf32, #tpu.memory_space<hbm>> -> memref<16xf32, #tpu.memory_space<hbm>>
      tpu.enqueue_dma source(%arg9 : memref<16xf32, #tpu.memory_space<vmem>>) target(%dma_start3A_59 : memref<16xf32, #tpu.memory_space<hbm>>) target_semaphore(%run_scoped3A : memref<!tpu.dma_semaphore, #tpu.memory_space<semaphore_mem>>)
      %dma_wait3A = arith.constant 0 : i32
      %dma_wait3A_60 = tpu.memref_slice %arg4[%add3A, %dma_wait3A] : memref<32x16xf32, #tpu.memory_space<hbm>> -> memref<1x16xf32, #tpu.memory_space<hbm>>
      %dma_wait3A_61 = tpu.memref_squeeze %dma_wait3A_60 : memref<1x16xf32, #tpu.memory_space<hbm>> -> memref<16xf32, #tpu.memory_space<hbm>>
      %dma_wait3A_62 = arith.constant 0 : i32
      %dma_wait3A_63 = tpu.memref_slice %arg4[%add3A, %dma_wait3A_62] : memref<32x16xf32, #tpu.memory_space<hbm>> -> memref<1x16xf32, #tpu.memory_space<hbm>>
      %dma_wait3A_64 = tpu.memref_squeeze %dma_wait3A_63 : memref<1x16xf32, #tpu.memory_space<hbm>> -> memref<16xf32, #tpu.memory_space<hbm>>
      tpu.wait_dma2 semaphore(%run_scoped3A : memref<!tpu.dma_semaphore, #tpu.memory_space<semaphore_mem>>) src(%arg9 : memref<16xf32, #tpu.memory_space<vmem>>) dst(%dma_wait3A_64 : memref<16xf32, #tpu.memory_space<hbm>>)
      tpu.yield
    }) : () -> ()
    return
  }
}

</mosaic_0001>

<sc_bundles>
// kernel: kernel.3.cloned.1.call-start
scs
__scs_entry_jumppad:
0x0: {  	(pc) =	sbr.rel $0x88, $3  }
0x1: {  	(tag) =	ssettag $0x0;
	lr =	simm.s32 $0x1  }
0x2: {  	[smem:$0x3F9F] =	sst lr;
	_ =	strace $0xD0000000  }
0x3: {  	_ = 	snop  }
0x4: {  	_ = 	snop  }
0x5: {  	_ = 	snop  }
0x6: {  	_ = 	snop  }
0x7: {  	_ = 	snop  }
__scs_overlays_trampoline_lowered:
0x8: {  	[smem:$0x3FAE] =	sst s0  }
0x9: {  	[smem:$0x3FAF] =	sst s1  }
0xa: {  	[smem:$0x3FB0] =	sst s2  }
0xb: {  	[smem:$0x3FB1] =	sst s3  }
0xc: {  	[smem:$0x3FB2] =	sst s4  }
0xd: {  	[smem:$0x3FB3] =	sst s5  }
0xe: {  	[smem:$0x3FB4] =	sst s6  }
0xf: {  	[smem:$0x3FB5] =	sst s7  }
0x10: {  	[smem:$0x3FB6] =	sst s8  }
0x11: {  	[smem:$0x3FB7] =	sst s9;
	s0 =	simm.s32 @!p0 $0x0  }
0x12: {  	s1 =	sld [smem:$0x3F9D];
	s0 =	simm.s32 @p0 $0x1  }
0x13: {  	[smem:$0x3FB8] =	sst s0;
	s0 =	simm.s32 @!p1 $0x0  }
0x14: {  	s2 =	sld [smem:$0x3F9C];
	s0 =	simm.s32 @p1 $0x1  }
0x15: {  	[smem:$0x3FB9] =	sst s0;
	s0 =	simm.s32 @!p2 $0x0  }
0x16: {  	s3 =	sld [smem:$0x3FDB];
	s0 =	simm.s32 @p2 $0x1  }
0x17: {  	s4 =	simm.s32 $0x1BF5;
	[smem:$0x3FBB] =	sst s0  }
0x18: {  	s0 =	sld [smem:$0x3F9E];
	_ =	swait.ge [sflag:s4], $0x0  }
0x19: {  	s7 =	sld [smem:$0x3F9F]  }
0x1a: {  	s8 =	sadd.s32 $0xFFFFE003, lr  }
0x1b: {  	s9 =	sadd.s32 $0xFFFFFEF7, lr;
	s5 =	simm.s32 $0xFFFFFFFF;
	p2 =	slt.u32 s8, $0xFFFFF086  }
0x1c: {  	p1 =	slt.u32 s9, $0xF7A;
	s5 =	simm.s32 @!p2 $0x0  }
0x1d: {  	s5 =	simm.s32 @p1 $0x1;
	p0 =	seq.s32 s7, s2  }
0x1e: {  	s7 =	smul.u32 @!p0 $0xF7A, s2;
	p2 =	seq.s32 @!p0 s5, $0x0  }
0x1f: {  	s9 =	smul.u32 $0xF7A, s1;
	s8 =	simm.s32 @!p0 $0x1BF5;
	p2 =	por !p2, p0  }
0x20: {  	[sflag:s8] =	ssyncset.s32 @!p0 $0xFFFFF086;
	s6 =	sadd.s32 @!p0 s3, s7;
	s7 =	simm.s32 @!p0 $0x108  }
0x21: {  	s3 =	sadd.s32 s3, s9;
	s6 =	sadd.s32 @!p0 $0x88, s6;
	s7 =	simm.s32 @p2 $0x1082  }
0x22: {  	[simem:s7], [sflag:s8] =	dma.local @!p0 [hbm:s6], $0xF7A  }
0x23: {  	s9 =	sor.u32 $0xD0000000, s2;
	s6 =	simm.s32 $0x108;
	_ =	swait.ge @!p0 [sflag:s8], $0x0  }
0x24: {  	s3 =	sadd.s32 $0x88, s3;
	s6 =	simm.s32 @!p1 $0x1082;
	[sflag:s4] =	ssyncset.s32 $0xFFFFF086  }
0x25: {  	[simem:s6], [sflag:s4] =	dma.local [hbm:s3], $0xF7A  }
0x26: {  	[smem:$0x3F9F] =	sst s1;
	(tag) =	ssettag s2;
	_ =	strace s9  }
0x27: {  	s1 =	sld [smem:$0x3FAF]  }
0x28: {  	s2 =	sld [smem:$0x3FB0]  }
0x29: {  	s4 =	sld [smem:$0x3FB2]  }
0x2a: {  	p0 =	seq.s32 s5, $0x0;
	s5 =	sld [smem:$0x3FB3]  }
0x2b: {  	s6 =	sld [smem:$0x3FB4]  }
0x2c: {  	s7 =	sld [smem:$0x3FB5]  }
0x2d: {  	s3 =	simm.s32 $0x108;
	s8 =	sld [smem:$0x3FB6]  }
0x2e: {  	s3 =	simm.s32 @!p0 $0x1082;
	s9 =	sld [smem:$0x3FB7]  }
0x2f: {  	lr =	sadd.s32 s0, s3;
	s0 =	sld [smem:$0x3FAE]  }
0x30: {  	s3 =	sld [smem:$0x3FB1]  }
0x31: {  	[smem:$0x3FBA] =	sst s10  }
0x32: {  	s10 =	sld [smem:$0x3FB8];
	_ =	sdelay $0x3  }
0x33: {  	p0 =	seq.s32 s10, $0x1;
	s10 =	sld [smem:$0x3FBA];
	_ =	sdelay $0x3  }
0x34: {  	[smem:$0x3FBA] =	sst s10  }
0x35: {  	s10 =	sld [smem:$0x3FB9];
	_ =	sdelay $0x3  }
0x36: {  	p1 =	seq.s32 s10, $0x1;
	s10 =	sld [smem:$0x3FBA];
	_ =	sdelay $0x3  }
0x37: {  	[smem:$0x3FBA] =	sst s10  }
0x38: {  	s10 =	sld [smem:$0x3FBB]  }
0x39: {  	_ = 	snop;
	(pc) =	sbr.ind lr, $3  }
0x3a: {  	_ = 	snop  }
0x3b: {  	_ = 	snop  }
0x3c: {  	p2 =	seq.s32 s10, $0x1;
	s10 =	sld [smem:$0x3FBA]  }
0x3d: {  	_ =	shalt  }
0x3e: {  	_ =	shalt  }
0x3f: {  	_ =	shalt  }
0x40: {  	_ =	shalt  }
0x41: {  	_ =	shalt  }
0x42: {  	_ =	shalt  }
0x43: {  	_ =	shalt  }
0x44: {  	_ =	shalt  }
0x45: {  	_ =	shalt  }
0x46: {  	_ =	shalt  }
0x47: {  	_ =	shalt  }
0x48: {  	_ =	shalt  }
0x49: {  	_ =	shalt  }
0x4a: {  	_ =	shalt  }
0x4b: {  	_ =	shalt  }
0x4c: {  	_ =	shalt  }
0x4d: {  	_ =	shalt  }
0x4e: {  	_ =	shalt  }
0x4f: {  	_ =	shalt  }
0x50: {  	_ =	shalt  }
0x51: {  	_ =	shalt  }
0x52: {  	_ =	shalt  }
0x53: {  	_ =	shalt  }
0x54: {  	_ =	shalt  }
0x55: {  	_ =	shalt  }
0x56: {  	_ =	shalt  }
0x57: {  	_ =	shalt  }
0x58: {  	_ =	shalt  }
0x59: {  	_ =	shalt  }
0x5a: {  	_ =	shalt  }
0x5b: {  	_ =	shalt  }
0x5c: {  	_ =	shalt  }
0x5d: {  	_ =	shalt  }
0x5e: {  	_ =	shalt  }
0x5f: {  	_ =	shalt  }
0x60: {  	_ =	shalt  }
0x61: {  	_ =	shalt  }
0x62: {  	_ =	shalt  }
0x63: {  	_ =	shalt  }
0x64: {  	_ =	shalt  }
0x65: {  	_ =	shalt  }
0x66: {  	_ =	shalt  }
0x67: {  	_ =	shalt  }
0x68: {  	_ =	shalt  }
0x69: {  	_ =	shalt  }
0x6a: {  	_ =	shalt  }
0x6b: {  	_ =	shalt  }
0x6c: {  	_ =	shalt  }
0x6d: {  	_ =	shalt  }
0x6e: {  	_ =	shalt  }
0x6f: {  	_ =	shalt  }
0x70: {  	_ =	shalt  }
0x71: {  	_ =	shalt  }
0x72: {  	_ =	shalt  }
0x73: {  	_ =	shalt  }
0x74: {  	_ =	shalt  }
0x75: {  	_ =	shalt  }
0x76: {  	_ =	shalt  }
0x77: {  	_ =	shalt  }
0x78: {  	_ =	shalt  }
0x79: {  	_ =	shalt  }
0x7a: {  	_ =	shalt  }
0x7b: {  	_ =	shalt  }
0x7c: {  	_ =	shalt  }
0x7d: {  	_ =	shalt  }
0x7e: {  	_ =	shalt  }
0x7f: {  	_ =	shalt  }
0x80: {  	_ =	shalt  }
0x81: {  	_ =	shalt  }
0x82: {  	_ =	shalt  }
0x83: {  	_ =	shalt  }
0x84: {  	_ =	shalt  }
0x85: {  	_ =	shalt  }
0x86: {  	_ =	shalt  }
0x87: {  	_ =	shalt  }
.Lfunc_end0:
.L_simem_size_0:
called_computation_lowered:
.L_overlay_start_0:
0x88: {  	s2 =	sld [smem:$0x3FD9]  }
0x89: {  	s3 =	sld [smem:$0x3FFE];
	_ =	sdelay $0x1  }
0x8a: {  	s1 =	srdreg.scid  }
0x8b: {  	s0 =	sand.u32 $0x1, s1  }
0x8c: {  	s17 =	sshll.u32 s0, $0xA;
	s2 =	sadd.s32 s3, s2  }
0x8d: {  	s2 =	sadd.s32 s2, s17  }
0x8e: {  	[smem:$0x3FC6] =	sst s2  }
0x8f: {  	_ = 	snop  }
0x90: {  	s2 =	sld [smem:$0x3FC9]  }
0x91: {  	s18 =	sld [smem:$0x3FC8];
	(tm) =	ssettm $0x1  }
0x92: {  	s4 =	sld [smem:$0x3FFB];
	_ =	sdelay $0x3  }
0x93: {  	_ =	strace s4  }
0x94: {  	s4 =	sld [smem:$0x3FFC];
	_ =	sdelay $0x3  }
0x95: {  	_ =	strace s4  }
0x96: {  	s4 =	sld [smem:$0x3FFD];
	_ =	sdelay $0x3  }
0x97: {  	_ =	strace s4  }
0x98: {  	_ =	strace $0x8FFFFFFF  }
0x99: {  	s19 =	sld [smem:$0x3FDB];
	_ =	sdelay $0x1  }
0x9a: {  	s5 =	simm.s32 $_scs_section_size  }
0x9b: {  	s6 =	simm.s32 $_size__tile_overlayer_lowered;
	s7 =	simm.s32 $_tile_overlayer_lowered  }
0x9c: {  	s22 =	simm.s32 $0x1BFF;
	s21 =	sshll.u32 s7, $0x1;
	s4 =	sadd.s32 s5, s19  }
0x9d: {  	s8 =	simm.s32 $0x0;
	s20 =	sshll.u32 s6, $0x1;
	s6 =	sadd.s32 s21, s4  }
0x9e: {  	[timem:s8], [sflag:s22] =	dma.local [hbm:s6], s20  }
0x9f: {  	_ =	swait.ge [sflag:s22], s20  }
0xa0: {  	s5 =	ssub.s32 $0x0, s20;
	[sflag:s22] =	ssyncset.done $0x0  }
0xa1: {  	[sflag:s22] =	ssyncadd.s32 s5;
	_ =	sdelay $0x1  }
0xa2: {  	s23 =	simm.s32 $0x1B8B  }
0xa3: {  	_ =	swait.ge [sflag:s23], $0x1  }
0xa4: {  	[sflag:s23] =	ssyncset.done $0x0  }
0xa5: {  	s25 =	simm.s32 $0x1B8E;
	s24 =	sld [smem:$0x3FFE];
	[sflag:s23] =	ssyncadd.s32 $0xFFFFFFFF  }
0xa6: {  	s26 =	simm.s32 $execute0_lowered;
	[smem:$0x3FD2] =	sst s25  }
0xa7: {  	s6 =	sshll.u32 s26, $0x1;
	_ =	strace $0x80000046;
	[dreg:$0x1] =	wrdreg $0xFFFFFFFF  }
0xa8: {  	s28 =	simm.s32 $_size_execute0_lowered;
	s4 =	sadd.s32 s4, s6;
	[dreg:$0x0] =	wrdreg $0x0  }
0xa9: {  	s6 =	sshll.u32 s28, $0x1;
	[dreg:$0x2] =	wrdreg s4  }
0xaa: {  	[dreg:$0x3] =	wrdreg s6  }
0xab: {  	[dreg:$0x4] =	wrdreg $0xC0  }
0xac: {  	_ =	task [dreg:s8], $0x5FFFF  }
0xad: {  	[dreg:$0x1] =	wrdreg $0xFFFFFFFF  }
0xae: {  	[dreg:$0x0] =	wrdreg $0x60  }
0xaf: {  	[dreg:$0x2] =	wrdreg s2  }
0xb0: {  	[dreg:$0x3] =	wrdreg s18  }
0xb1: {  	[dreg:$0x4] =	wrdreg s24  }
0xb2: {  	[dreg:$0x5] =	wrdreg $0x9  }
0xb3: {  	_ =	task.clear_ibuf [dreg:s8], $0x6FFFF;
	_ =	strace $0x90000046  }
0xb4: {  	s29 =	simm.s32 $0x9;
	_ =	strace $0x80000048  }
0xb5: {  	_ =	swait.ge [sflag:s29], $0x1  }
0xb6: {  	[sflag:s29] =	ssyncadd.s32 $0xFFFFFFFF  }
0xb7: {  	_ =	strace $0x90000048  }
0xb8: {  	_ =	sfence  }
0xb9: {  	s30 =	sld [smem:$0x0];
	_ =	sdelay $0x2  }
0xba: {  	s31 =	sshll.u32 s1, $0xD;
	s1 =	sshrl.u32 s1, $0x2  }
0xbb: {  	s3 =	sand.u32 $0x4000, s31;
	s1 =	sadd.s32 s1, s30  }
0xbc: {  	s0 =	sor.u32 s3, s0;
	s1 =	sshll.u32 s1, $0x11  }
0xbd: {  	s0 =	sor.u32 s1, s0  }
0xbe: {  	s0 =	sadd.s32 $0x8F2B, s0  }
0xbf: {  	[sflag:s0] =	ssyncadd.remote.s32 $0x1  }
0xc0: {  	_ =	sfence.sel $0xFFFF  }
0xc1: {  	[dreg:$0x0] =	wrdreg $0xFFFFFFFF;
	(pc) =	sbr.abs _section_cstart, $3  }
0xc2: {  	[dreg:$0x1] =	wrdreg $0xFFFFFFFF  }
0xc3: {  	_ =	task.clear_ibuf [dreg:s8], $0x2FFFF;
	_ =	strace $0x9FFFFFFF  }
0xc4: {  	(tm) =	ssettm $0x7FFFFFFF  }
0xc5: {  	_ =	shalt  }
tec
execute0_lowered:
.L_overlay_start_1:
0x0: {  	(tag) =	ssettag $0x1  }
0x1: {  	s1 =	rddreg [dreg:$0x0]  }
0x2: {  	s3 =	rddreg [dreg:$0x1]  }
0x3: {  	s2 =	srdreg.scid;
	s0 =	stileid.u32  }
0x4: {  	s13 =	rddreg [dreg:$0x2];
	s4 =	simm.s32 $0x0;
	s15 =	simm.s32 $0x8000  }
0x5: {  	s16 =	simm.s32 $0x4000;
	s17 =	simm.s32 $0xC000;
	s18 =	simm.s32 $0x1  }
0x6: {  	s19 =	simm.s32 $0x3;
	s20 =	simm.s32 $0x2;
	s21 =	simm.s32 $0x4  }
0x7: {  	s23 =	simm.s32 $0x5;
	s2 =	sand.u32 $0x1, s2;
	s5 =	sshll.u32 s0, $0x1  }
0x8: {  	s24 =	simm.s32 $0x0;
	[smem:$0x7FF] =	sst s4;
	s11 =	sor.u32 s2, s5  }
0x9: {  	p0 =	slt.u32 s0, $0xE;
	s2 =	ssub.s32 $0x2, s2;
	s6 =	smul.u32 $0x3000, s11  }
0xa: {  	_ =	strace $0x80000047;
	s29 =	sshrl.u32 s2, $0x1;
	s10 =	smul.u32 $0x18000, s11  }
0xb: {  	s12 =	sshll.u32 s11, $0xB;
	s14 =	sshll.u32 s11, $0x4;
	s2 =	ssub.s32 s2, s29  }
.Ltmp0:
0xc: {  	s12 =	sadd.s32 $0x52000, s12;
	s13 =	sadd.s32 s13, s14;
	(pc) =	sbr.rel .LBB2_1-.Ltmp0, $4  }
0xd: {  	s8 =	sor.u32 $0x800, s6;
	s5 =	sadd.s32 s1, s6;
	s6 =	sadd.s32 s3, s6  }
0xe: {  	s9 =	sadd.s32 $0x8000, s10;
	s10 =	sadd.s32 $0xC000, s10;
	s30 =	sadd.s32 s1, s12  }
0xf: {  	s31 =	sadd.s32 s3, s12;
	s14 =	smax.u32 s2, $0x1;
	[dreg:$0x4] =	wrdreg s30  }
0x10: {  	s7 =	sadd.s32 s1, s8;
	s8 =	sadd.s32 s3, s8;
	[dreg:$0x5] =	wrdreg s31  }
.LBB2_12:
0x11: {  	v0 =	vmul.f32 $9.765625000e-04, v0;
	s24 =	sadd.s32 $0x1, s24  }
0x12: {  	p1 =	sne.s32 s24, s14  }
.Ltmp1:
0x13: {  	s0 =	simm.s32 $0x10000;
	[tilespmem:$0x10000] =	vst v0;
	(pc) =	sbr.rel @!p1 .LBB2_13-.Ltmp1, $4  }
0x14: {  	[hbm4b:s13+s4] =	stream.linear.scatter [tilespmem:s0], [sflag:$0x5], $0x80, $0x38;
	[tilespmem:$0x10080] =	vst v63  }
0x15: {  	_ =	swait.ge [sflag:s23], $0x80  }
0x16: {  	[sflag:s23] =	ssyncset.done $0x0  }
0x17: {  	[sflag:s23] =	ssyncadd.s32 $0xFFFFFF80  }
.LBB2_1:
0x18: {  	[tilespmem:s4], [sflag:$0x1] =	stream.linear.gather [hbm4b:s5+s4], $0x4000, $0x38;
	[tilespmem:$0x10080] =	vst v63  }
0x19: {  	_ = 	snop  }
0x1a: {  	[tilespmem:s15], [sflag:$0x3] =	stream.linear.gather [hbm4b:s6+s4], $0x4000, $0x38;
	[tilespmem:$0x10080] =	vst v63  }
0x1b: {  	_ = 	snop  }
0x1c: {  	v0 =	vimm.f32 $0.0e+00;
	[tilespmem:s16], [sflag:$0x2] =	stream.linear.gather [hbm4b:s7+s4], $0x4000, $0x38;
	[tilespmem:$0x10080] =	vst v63  }
0x1d: {  	s25 =	simm.s32 $0x0;
	[tilespmem:$0x1FFF0] =	vst v0  }
0x1e: {  	[tilespmem:s17], [sflag:$0x4] =	stream.linear.gather [hbm4b:s8+s4], $0x4000, $0x38;
	[tilespmem:$0x10080] =	vst v63  }
.LBB2_2:
0x1f: {  	_ =	swait.ge [sflag:s18], $0x4000  }
0x20: {  	[sflag:s18] =	ssyncset.done $0x0  }
0x21: {  	[sflag:s18] =	ssyncadd.s32 $0xFFFFC000  }
0x22: {  	s2 =	simm.s32 $0x0;
	_ =	swait.ge [sflag:s19], $0x4000  }
0x23: {  	s26 =	sand.u32 $0x40, s2;
	s2 =	sand.u32 $0x1C00, s2;
	[sflag:s19] =	ssyncset.done $0x0  }
0x24: {  	s26 =	sor.u32 s26, s2;
	[sflag:s19] =	ssyncadd.s32 $0xFFFFC000  }
0x25: {  	v0 =	vld [tilespmem:s26+$0x2130]  }
0x26: {  	v1 =	vld [tilespmem:s26+$0xA130]  }
0x27: {  	v2 =	vld [tilespmem:s26+$0x21B0]  }
0x28: {  	v3 =	vld [tilespmem:s26+$0xA1B0]  }
0x29: {  	v4 =	vld [tilespmem:s26+$0x2120]  }
0x2a: {  	v6 =	vld [tilespmem:s26+$0xA120]  }
0x2b: {  	v7 =	vld [tilespmem:s26+$0x21A0]  }
0x2c: {  	v9 =	vld [tilespmem:s26+$0xA1A0]  }
0x2d: {  	v10 =	vld [tilespmem:s26+$0x2110]  }
0x2e: {  	v11 =	vld [tilespmem:s26+$0xA110]  }
0x2f: {  	v12 =	vld [tilespmem:s26+$0x2190]  }
0x30: {  	v13 =	vld [tilespmem:s26+$0xA190]  }
0x31: {  	v14 =	vld [tilespmem:s26+$0x2100]  }
0x32: {  	v15 =	vld [tilespmem:s26+$0xA100]  }
0x33: {  	v16 =	vld [tilespmem:s26+$0x2180]  }
0x34: {  	v17 =	vld [tilespmem:s26+$0xA180]  }
0x35: {  	v18 =	vld [tilespmem:s26+$0x30]  }
0x36: {  	v19 =	vld [tilespmem:s26+$0x8030]  }
0x37: {  	v20 =	vld [tilespmem:s26+$0xB0]  }
0x38: {  	v21 =	vld [tilespmem:s26+$0x80B0]  }
0x39: {  	v22 =	vld [tilespmem:s26+$0x20]  }
0x3a: {  	v23 =	vld [tilespmem:s26+$0x8020]  }
0x3b: {  	v24 =	vld [tilespmem:s26+$0xA0]  }
0x3c: {  	v25 =	vld [tilespmem:s26+$0x1B0]  }
0x3d: {  	v26 =	vld [tilespmem:s26+$0x81B0]  }
0x3e: {  	v27 =	vld [tilespmem:s26+$0x1A0]  }
0x3f: {  	v28 =	vld [tilespmem:s26+$0x81A0]  }
0x40: {  	v29 =	vld [tilespmem:s26+$0x130]  }
0x41: {  	v30 =	vld [tilespmem:s26+$0x8130]  }
0x42: {  	v31 =	vld [tilespmem:s26+$0x190]  }
0x43: {  	v32 =	vld [tilespmem:s26+$0x8190]  }
0x44: {  	v33 =	vld [tilespmem:s26+$0x120]  }
0x45: {  	v34 =	vld [tilespmem:s26+$0x8120]  }
0x46: {  	v35 =	vld [tilespmem:s26+$0x180];
	v5 =	vsub.f32 v0, v1;
	v1 =	vadd.f32 v26, v25  }
0x47: {  	v36 =	vld [tilespmem:s26+$0x8180];
	v8 =	vsub.f32 v2, v3;
	v3 =	vadd.f32 v28, v27  }
0x48: {  	v2 =	vsub.f32 v7, v9;
	v9 =	vld [tilespmem:s26+$0x110];
	[tilespmem:$0x1FE30] =	vst v1  }
0x49: {  	v37 =	vld [tilespmem:s26+$0x8110];
	[tilespmem:$0x1FE40] =	vst v3;
	v3 =	vadd.f32 v30, v29;
	_ =	sdelay $0x1  }
0x4a: {  	v59 =	vsub.f32 v12, v13;
	v12 =	vld [tilespmem:s26+$0x80A0];
	[tilespmem:$0x1FE50] =	vst v3;
	v3 =	vadd.f32 v32, v31;
	_ =	sdelay $0x1  }
0x4b: {  	v13 =	vld [tilespmem:s26+$0x100];
	[tilespmem:$0x1FE60] =	vst v3;
	v3 =	vadd.f32 v34, v33  }
0x4c: {  	v0 =	vsub.f32 v4, v6  }
0x4d: {  	v4 =	vsub.f32 v14, v15;
	v14 =	vld [tilespmem:s26+$0x8100];
	[tilespmem:$0x1FE70] =	vst v3;
	v3 =	vadd.f32 v36, v35;
	_ =	sdelay $0x1  }
0x4e: {  	v15 =	vld [tilespmem:s26+$0x20B0];
	[tilespmem:$0x1FE80] =	vst v3;
	v3 =	vadd.f32 v37, v9  }
0x4f: {  	v6 =	vsub.f32 v16, v17;
	v7 =	vsub.f32 v18, v19  }
0x50: {  	v19 =	vmul.f32 v30, v29;
	v18 =	vmul.f32 v36, v35;
	v1 =	vsub.f32 v10, v11;
	v16 =	vld [tilespmem:s26+$0xA0B0];
	[tilespmem:$0x1FE90] =	vst v3  }
0x51: {  	v10 =	vsub.f32 v20, v21;
	v20 =	vmul.f32 v28, v27;
	v3 =	vadd.f32 v14, v13;
	v17 =	vld [tilespmem:s26+$0x20A0]  }
0x52: {  	v28 =	vmul.f32 v26, v25;
	v11 =	vsub.f32 v22, v23;
	v23 =	vmul.f32 v32, v31;
	v25 =	vld [tilespmem:s26+$0xA0A0]  }
0x53: {  	v21 =	vmul.f32 v34, v33;
	v40 =	vmul.f32 $5.000000000e-01, v18;
	v27 =	vld [tilespmem:s26+$0x2090];
	[tilespmem:$0x1FEA0] =	vst v3  }
0x54: {  	v58 =	vshra.s32 v18, $0x1;
	v43 =	vmul.f32 $5.000000000e-01, v20;
	v47 =	vmul.f32 $5.000000000e-01, v28;
	v29 =	vld [tilespmem:s26+$0xA090];
	[tilespmem:$0x1FEB0] =	vst v20  }
0x55: {  	v38 =	vmul.f32 $5.000000000e-01, v21;
	v32 =	vsub.s32 $0x5F3759DF, v58;
	v26 =	vsub.f32 v24, v12;
	v30 =	vld [tilespmem:s26+$0x2080];
	[tilespmem:$0x1FEC0] =	vst v28  }
0x56: {  	v12 =	vshra.s32 v20, $0x1;
	v35 =	vmul.f32 $5.000000000e-01, v19;
	v36 =	vmul.f32 $5.000000000e-01, v23;
	v33 =	vld [tilespmem:s26+$0xA080];
	[tilespmem:$0x1FED0] =	vst v19  }
0x57: {  	v24 =	vshra.s32 v21, $0x1;
	v12 =	vsub.s32 $0x5F3759DF, v12;
	v22 =	vmul.f32 v14, v13;
	[tilespmem:$0x1FEE0] =	vst v23  }
0x58: {  	v13 =	vshra.s32 v23, $0x1;
	v3 =	vmul.f32 v37, v9;
	v9 =	vshra.s32 v28, $0x1;
	v23 =	vld [tilespmem:s26+$0x10]  }
0x59: {  	v53 =	vsub.s32 $0x5F3759DF, v24;
	v24 =	vmul.f32 v32, v40;
	v28 =	vsub.s32 $0x5F3759DF, v9;
	v31 =	vld [tilespmem:s26+$0x8010]  }
0x5a: {  	v9 =	vmul.f32 v12, v43;
	v60 =	vmul.f32 v28, v47;
	v37 =	vld [tilespmem:s26+$0x90];
	[tilespmem:$0x1FEF0] =	vst v18  }
0x5b: {  	p1 =	por $0x0, $0x0;
	s2 =	simm.s32 $0x1;
	v54 =	vmul.f32 v53, v38;
	v24 =	vmul.f32 v32, v24;
	v14 =	vshra.s32 v19, $0x1;
	v42 =	vld [tilespmem:s26+$0x8090]  }
0x5c: {  	s2 =	simm.s32 @!p1 $0x0;
	v14 =	vsub.s32 $0x5F3759DF, v14;
	v9 =	vmul.f32 v12, v9;
	v34 =	vmul.f32 v28, v60;
	v46 =	vld [tilespmem:s26+$0x0];
	[tilespmem:$0x1FF00] =	vst v3  }
0x5d: {  	s2 =	sshll.u32 s2, $0x6;
	v13 =	vsub.s32 $0x5F3759DF, v13;
	v44 =	vshra.s32 v22, $0x1;
	v39 =	vmul.f32 $5.000000000e-01, v22;
	v48 =	vld [tilespmem:s26+$0x8000]  }
0x5e: {  	s2 =	sadd.s32 $0x0, s2;
	v49 =	vmul.f32 v14, v35;
	v9 =	vsub.f32 $1.500000000e+00, v9;
	v50 =	vld [tilespmem:s26+$0x80];
	v34 =	vsub.f32 $1.500000000e+00, v34  }
0x5f: {  	s28 =	sor.u32 $0x2280, s2;
	s29 =	sadd.s32 $0x20, s2;
	v51 =	vmul.f32 v13, v36;
	v41 =	vshra.s32 v3, $0x1;
	v45 =	vmul.f32 $5.000000000e-01, v3;
	v52 =	vld [tilespmem:s26+$0x8080]  }
0x60: {  	s30 =	sor.u32 $0x200, s29;
	v41 =	vsub.s32 $0x5F3759DF, v41;
	v56 =	vld [tilespmem:s28+$0x8000];
	v9 =	vmul.f32 v12, v9;
	v12 =	vmul.f32 v28, v34  }
0x61: {  	s12 =	sor.u32 $0x200, s2;
	v3 =	vld [tilespmem:s30+$0x8000];
	v28 =	vsub.s32 $0x5F3759DF, v44;
	v44 =	vmul.f32 v14, v49;
	v49 =	vmul.f32 v13, v51  }
0x62: {  	v34 =	vld [tilespmem:s12+$0x8000];
	v62 =	vsub.f32 v23, v31;
	v31 =	vmul.f32 v41, v45;
	v55 =	vmul.f32 v28, v39  }
0x63: {  	v54 =	vmul.f32 v53, v54;
	v61 =	vsub.f32 $1.500000000e+00, v24;
	v51 =	vld [tilespmem:s28+$0x0];
	v49 =	vsub.f32 $1.500000000e+00, v49  }
0x64: {  	s28 =	sor.u32 $0x2200, s2;
	v23 =	vld [tilespmem:s12+$0x0];
	v57 =	vmul.f32 v41, v31;
	v31 =	vsub.f32 $1.500000000e+00, v44;
	v55 =	vmul.f32 v28, v55  }
0x65: {  	s22 =	sadd.s32 $0x30, s2;
	v16 =	vsub.f32 v15, v16;
	v58 =	vld [tilespmem:s28+$0x0];
	v24 =	vmul.f32 v13, v49;
	v13 =	vsub.f32 $1.500000000e+00, v54  }
0x66: {  	v15 =	vmul.f32 v15, v15;
	v54 =	vld [tilespmem:s28+$0x8000];
	v31 =	vmul.f32 v14, v31;
	s28 =	sor.u32 $0x2280, s22;
	v63 =	vsub.f32 $1.500000000e+00, v55  }
0x67: {  	v14 =	vmul.f32 v32, v61;
	v61 =	vld [tilespmem:s28+$0x0];
	v32 =	vmul.f32 v53, v13  }
0x68: {  	v13 =	vmul.f32 v28, v63;
	v63 =	vld [tilespmem:s28+$0x8000];
	[tilespmem:$0x1FF10] =	vst v15;
	v15 =	vmul.f32 v17, v17  }
0x69: {  	v18 =	vmul.f32 v27, v27;
	s2 =	sadd.s32 $0x10, s2  }
0x6a: {  	s31 =	sor.u32 $0x200, s2;
	[tilespmem:$0x1FF20] =	vst v15  }
0x6b: {  	v25 =	vsub.f32 v17, v25;
	v15 =	vld [tilespmem:s31+$0x8000];
	[tilespmem:$0x1FF30] =	vst v18;
	v18 =	vmul.f32 v30, v30  }
0x6c: {  	v16 =	vmul.f32 v16, v16;
	v17 =	vsub.f32 v27, v29  }
0x6d: {  	s28 =	sor.u32 $0x2200, s22;
	[tilespmem:$0x1FF40] =	vst v18;
	v18 =	vmul.f32 v25, v25  }
0x6e: {  	v17 =	vmul.f32 v17, v17;
	v29 =	vld [tilespmem:s28+$0x0];
	[tilespmem:$0x1FF60] =	vst v16  }
0x6f: {  	[tilespmem:$0x1FF50] =	vst v18  }
0x70: {  	v16 =	vld [tilespmem:s28+$0x8000];
	[tilespmem:$0x1FF70] =	vst v17;
	v17 =	vsub.f32 v51, v56  }
0x71: {  	v33 =	vsub.f32 v30, v33;
	v37 =	vsub.f32 v37, v42  }
0x72: {  	v30 =	vsub.f32 v46, v48;
	v48 =	vmul.f32 v0, v0;
	v0 =	vsub.f32 v61, v63;
	v27 =	vld [tilespmem:s30+$0x0];
	[tilespmem:$0x1FF80] =	vst v17  }
0x73: {  	v44 =	vmul.f32 v33, v33;
	v33 =	vmul.f32 v8, v8;
	v60 =	vsub.f32 $1.500000000e+00, v57;
	s28 =	sor.u32 $0x2280, s29;
	v25 =	vld [tilespmem:s31+$0x0]  }
0x74: {  	v49 =	vmul.f32 v2, v2;
	v57 =	vmul.f32 v1, v1;
	v46 =	vsub.f32 v50, v52;
	s29 =	sor.u32 $0x2200, s29;
	v50 =	vld [tilespmem:s28+$0x0];
	[tilespmem:$0x1FF90] =	vst v0  }
0x75: {  	v1 =	vmul.f32 v26, v26;
	v2 =	vmul.f32 v37, v37;
	v51 =	vld [tilespmem:s29+$0x0]  }
0x76: {  	v55 =	vmul.f32 v4, v4;
	v28 =	vmul.f32 v41, v60;
	v4 =	vld [tilespmem:s29+$0x8000];
	s29 =	sor.u32 $0x2280, s2  }
0x77: {  	v60 =	vmul.f32 v10, v10;
	v61 =	vmul.f32 v11, v11;
	v11 =	vld [tilespmem:s29+$0x0]  }
0x78: {  	vm5 =	vgt.f32 v3, $0.0e+00;
	v63 =	vmul.f32 v62, v62;
	v62 =	vmul.f32 v30, v30;
	s2 =	sor.u32 $0x2200, s2;
	v26 =	vld [tilespmem:s29+$0x8000]  }
0x79: {  	vm3 =	vgt.f32 v15, $0.0e+00;
	vm6 =	veq.f32 v15, $0.0e+00;
	v16 =	vsub.f32 v29, v16;
	v29 =	vld [tilespmem:s2+$0x0]  }
0x7a: {  	v17 =	vmul.f32 v5, v5;
	v5 =	vsub.f32 v58, v54;
	v30 =	vld [tilespmem:s2+$0x8000];
	v15 =	vsub.f32 v25, v15  }
0x7b: {  	vm4 =	veq.f32 v3, $0.0e+00;
	v58 =	vmul.f32 v59, v59;
	v59 =	vmul.f32 v7, v7;
	s31 =	sor.u32 $0x200, s22;
	v10 =	vld [tilespmem:s28+$0x8000]  }
0x7c: {  	vm1 =	vgt.f32 v34, $0.0e+00;
	v7 =	vmul.f32 v5, v5;
	v5 =	vmul.f32 v15, v15;
	v15 =	vld [tilespmem:s31+$0x8000]  }
0x7d: {  	v0 =	vmul.f32 v46, v46;
	v46 =	vsub.f32 v51, v4;
	v51 =	vsub.f32 v11, v26;
	v26 =	vld [tilespmem:s31+$0x0]  }
0x7e: {  	vm2 =	veq.f32 v34, $0.0e+00;
	v56 =	vmul.f32 v6, v6;
	v6 =	vsub.f32 v23, v34  }
0x7f: {  	v11 =	vmul.f32 v9, v43;
	v52 =	vsub.f32 v29, v30;
	v30 =	vmul.f32 v31, v35  }
0x80: {  	v53 =	vmul.f32 v32, v38;
	v3 =	vsub.f32 v27, v3;
	v50 =	vsub.f32 v50, v10  }
0x81: {  	v10 =	vadd.f32 v33, v17;
	v17 =	vmul.f32 v11, v9;
	v18 =	vmul.f32 v30, v31  }
0x82: {  	vm0 =	vgt.f32 v15, $0.0e+00;
	vm7 =	veq.f32 v15, $0.0e+00;
	v41 =	vsub.f32 v26, v15  }
0x83: {  	v15 =	vsub.f32 $1.500000000e+00, v17;
	v17 =	vsub.f32 $1.500000000e+00, v18;
	v18 =	vimm.f32 $0.0e+00  }
0x84: {  	v8 =	vmul.f32 v6, v6;
	v29 =	vmul.f32 v24, v36;
	v19 =	vsel vm1, $0x3F800000, v18  }
0x85: {  	v6 =	vmul.f32 v3, v3;
	v4 =	vmul.f32 v16, v16;
	[tilespmem:$0x1FFA0] =	vst v19;
	v19 =	vsel vm2, $0x3F000000, v18  }
0x86: {  	v11 =	vadd.f32 v49, v48;
	v49 =	vmul.f32 v29, v24;
	[tilespmem:$0x1FFB0] =	vst v19;
	v19 =	vadd.f32 v26, v26  }
0x87: {  	v16 =	vmul.f32 v12, v47;
	v3 =	vmul.f32 v46, v46  }
0x88: {  	v37 =	vsub.f32 $1.500000000e+00, v49;
	v42 =	vsel vm4, $0x3F000000, v18;
	[tilespmem:$0x1FFC0] =	vst v19;
	v19 =	vsel vm7, $0x3F000000, v18  }
0x89: {  	v46 =	vsel vm3, $0x3F800000, v18;
	v49 =	vsel vm6, $0x3F000000, v18;
	[tilespmem:$0x1FFD0] =	vst v19;
	v19 =	vsel vm5, $0x3F800000, v18;
	v18 =	vld [tilespmem:$0x1FFF0]  }
0x8a: {  	v34 =	vmul.f32 v53, v32;
	v29 =	vmul.f32 v14, v40  }
0x8b: {  	v54 =	vmul.f32 v28, v45;
	v16 =	vmul.f32 v16, v12  }
0x8c: {  	v30 =	vmul.f32 v29, v14;
	v29 =	vmul.f32 v13, v39  }
0x8d: {  	v53 =	vadd.f32 v27, v27;
	v33 =	vmul.f32 v54, v28;
	v16 =	vsub.f32 $1.500000000e+00, v16;
	[tilespmem:$0x1FFE0] =	vst v19  }
0x8e: {  	s26 =	simm.s32 $0x0;
	s28 =	simm.s32 $0x200;
	s29 =	simm.s32 $0x40;
	v54 =	vadd.f32 v25, v25;
	v48 =	vadd.f32 v23, v23;
	v29 =	vmul.f32 v29, v13;
	[tilespmem:$0x1FFF0] =	vst v18  }
.LBB2_3:
0x8f: {  	v30 =	vsub.f32 $1.500000000e+00, v30;
	v34 =	vsub.f32 $1.500000000e+00, v34;
	v16 =	vmul.f32 v16, v12  }
0x90: {  	v15 =	vmul.f32 v15, v9;
	v17 =	vmul.f32 v17, v31;
	v29 =	vsub.f32 $1.500000000e+00, v29  }
0x91: {  	v25 =	vmul.f32 v54, v25;
	v34 =	vmul.f32 v34, v32  }
0x92: {  	s2 =	sand.u32 $0x40, s29;
	s30 =	sand.u32 $0x1C00, s28;
	v18 =	vld [tilespmem:$0x1FF50];
	v31 =	vadd.f32 v58, v57;
	v14 =	vmul.f32 v30, v14;
	v58 =	vmul.f32 v29, v13  }
0x93: {  	s30 =	sor.u32 s2, s30;
	v54 =	vld [tilespmem:$0x1FFC0];
	v29 =	vmul.f32 v15, v43;
	v30 =	vmul.f32 v17, v35  }
0x94: {  	v9 =	vld [tilespmem:s30+$0x20B0];
	v38 =	vmul.f32 v34, v38;
	v40 =	vmul.f32 v14, v40  }
0x95: {  	v12 =	vld [tilespmem:s30+$0xA0B0];
	v32 =	vadd.f32 v44, v8;
	v8 =	vmul.f32 v29, v15;
	v29 =	vmul.f32 v30, v17  }
0x96: {  	v57 =	vld [tilespmem:s30+$0x20A0];
	v30 =	vmul.f32 v38, v34;
	v38 =	vmul.f32 v40, v14  }
0x97: {  	v37 =	vmul.f32 v37, v24;
	v24 =	vadd.f32 v56, v55;
	v55 =	vadd.f32 v1, v61;
	v1 =	vld [tilespmem:s30+$0x2080]  }
0x98: {  	v56 =	vadd.f32 v2, v63;
	v2 =	vld [tilespmem:s30+$0x2130];
	v38 =	vsub.f32 $1.500000000e+00, v38  }
0x99: {  	v33 =	vsub.f32 $1.500000000e+00, v33;
	v27 =	vmul.f32 v53, v27;
	v53 =	vld [tilespmem:s30+$0x80B0]  }
0x9a: {  	v14 =	vmul.f32 v38, v14;
	v38 =	vadd.f32 v18, v6;
	v18 =	vld [tilespmem:$0x1FF70]  }
0x9b: {  	v33 =	vmul.f32 v33, v28;
	v13 =	vld [tilespmem:s30+$0xA0A0]  }
0x9c: {  	v43 =	vadd.f32 v60, v59;
	v35 =	vld [tilespmem:s30+$0x2090]  }
0x9d: {  	v60 =	vmul.f32 v37, v36;
	v36 =	vld [tilespmem:s30+$0xA090];
	v45 =	vmul.f32 v33, v45;
	v40 =	vsub.f32 $1.500000000e+00, v8  }
0x9e: {  	v51 =	vmul.f32 v51, v51;
	v52 =	vmul.f32 v52, v52;
	v59 =	vadd.f32 v0, v62;
	v0 =	vld [tilespmem:s30+$0xA080]  }
0x9f: {  	v45 =	vmul.f32 v45, v33;
	v15 =	vmul.f32 v40, v15;
	v40 =	vadd.f32 v18, v5;
	v18 =	vld [tilespmem:$0x1FEB0]  }
0xa0: {  	v28 =	vmul.f32 v16, v47;
	v44 =	vadd.f32 v7, v24;
	v7 =	vld [tilespmem:s30+$0xA130];
	v31 =	vadd.f32 v52, v31  }
0xa1: {  	v52 =	vld [tilespmem:$0x1FF40];
	v45 =	vsub.f32 $1.500000000e+00, v45  }
0xa2: {  	v28 =	vmul.f32 v28, v16;
	v31 =	vadd.f32 v51, v31;
	v51 =	vld [tilespmem:$0x1FF60]  }
0xa3: {  	v24 =	vmul.f32 v60, v37;
	v33 =	vmul.f32 v45, v33;
	v45 =	vadd.f32 v4, v10;
	v10 =	vld [tilespmem:$0x1FEE0]  }
0xa4: {  	v15 =	vmul.f32 v15, v18;
	v18 =	vld [tilespmem:$0x1FEC0]  }
0xa5: {  	v26 =	vmul.f32 v54, v26;
	v54 =	vld [tilespmem:$0x1FFF0];
	v47 =	vsub.f32 $1.500000000e+00, v28;
	v60 =	vsub.f32 $1.500000000e+00, v24  }
0xa6: {  	v39 =	vmul.f32 v58, v39;
	v8 =	vld [tilespmem:s30+$0x21B0]  }
0xa7: {  	v24 =	vld [tilespmem:s30+$0xA1B0];
	v16 =	vmul.f32 v47, v16;
	v37 =	vmul.f32 v60, v37  }
0xa8: {  	v39 =	vmul.f32 v39, v58;
	v28 =	vld [tilespmem:s30+$0x2120]  }
0xa9: {  	v16 =	vmul.f32 v16, v18;
	v18 =	vmul.f32 v37, v10;
	v37 =	vadd.f32 v3, v11;
	v3 =	vld [tilespmem:$0x1FED0]  }
0xaa: {  	v61 =	vsub.f32 $1.500000000e+00, v29;
	v29 =	vld [tilespmem:s30+$0xA120];
	v39 =	vsub.f32 $1.500000000e+00, v39  }
0xab: {  	v62 =	vsub.f32 $1.500000000e+00, v30;
	v30 =	vld [tilespmem:s30+$0x21A0]  }
0xac: {  	v17 =	vmul.f32 v61, v17;
	v61 =	vld [tilespmem:$0x1FE80];
	v39 =	vmul.f32 v39, v58  }
0xad: {  	v34 =	vmul.f32 v62, v34;
	v6 =	vld [tilespmem:s30+$0xA1A0]  }
0xae: {  	v10 =	vmul.f32 v17, v3;
	v17 =	vmul.f32 v39, v22;
	v22 =	vadd.f32 v16, v16;
	v16 =	vld [tilespmem:$0x1FEF0]  }
0xaf: {  	v4 =	vld [tilespmem:s30+$0xA110]  }
0xb0: {  	v19 =	vmul.f32 v34, v21;
	v34 =	vadd.f32 v18, v18;
	v18 =	vld [tilespmem:$0x1FEA0]  }
0xb1: {  	v62 =	vld [tilespmem:$0x1FE40]  }
0xb2: {  	v58 =	vld [tilespmem:s30+$0x8020]  }
0xb3: {  	v21 =	vadd.f32 v17, v17;
	v14 =	vmul.f32 v14, v16;
	v16 =	vadd.f32 v15, v15;
	v15 =	vld [tilespmem:$0x1FF00]  }
0xb4: {  	v5 =	vld [tilespmem:s30+$0x2110]  }
0xb5: {  	v8 =	vsub.f32 v8, v24;
	v24 =	vld [tilespmem:s30+$0x110];
	v18 =	vsub.f32 v18, v21  }
0xb6: {  	v60 =	vadd.f32 v19, v19;
	v19 =	vld [tilespmem:s30+$0xA180]  }
0xb7: {  	v63 =	vadd.f32 v18, v59;
	v18 =	vld [tilespmem:$0x1FE90]  }
0xb8: {  	v40 =	vmul.f32 v40, v49;
	v49 =	vld [tilespmem:s30+$0x180];
	v33 =	vmul.f32 v33, v15  }
0xb9: {  	v4 =	vsub.f32 v5, v4;
	v5 =	vld [tilespmem:s30+$0x0]  }
0xba: {  	v11 =	vld [tilespmem:s30+$0xA190];
	v21 =	vadd.f32 v33, v33  }
0xbb: {  	v17 =	vld [tilespmem:$0x1FF80]  }
0xbc: {  	v23 =	vmul.f32 v48, v23;
	v48 =	vmul.f32 v41, v41;
	v41 =	vsub.f32 v18, v21;
	v21 =	vld [tilespmem:$0x1FE60]  }
0xbd: {  	v3 =	vld [tilespmem:s30+$0x2190]  }
0xbe: {  	v20 =	vadd.f32 v10, v10;
	v10 =	vld [tilespmem:s30+$0x2100]  }
0xbf: {  	v59 =	vld [tilespmem:$0x1FF90]  }
0xc0: {  	v39 =	vmul.f32 v17, v17;
	v17 =	vld [tilespmem:s30+$0x2180]  }
0xc1: {  	v14 =	vadd.f32 v14, v14;
	v34 =	vsub.f32 v21, v34;
	v21 =	vld [tilespmem:$0x1FE70]  }
0xc2: {  	v39 =	vadd.f32 v39, v44;
	v44 =	vld [tilespmem:s30+$0x1A0]  }
0xc3: {  	v14 =	vsub.f32 v61, v14;
	v15 =	vld [tilespmem:s30+$0xA100]  }
0xc4: {  	v33 =	vsub.f32 v62, v16;
	v16 =	vld [tilespmem:s30+$0x30];
	v56 =	vadd.f32 v41, v56  }
0xc5: {  	v14 =	vadd.f32 v14, v63;
	v62 =	vld [tilespmem:$0x1FE30]  }
0xc6: {  	v34 =	vadd.f32 v34, v56;
	v47 =	vsub.f32 v21, v60;
	v60 =	vld [tilespmem:$0x1FE50]  }
0xc7: {  	v14 =	vmul.f32 $5.000000000e+00, v14;
	v56 =	vld [tilespmem:$0x1FF30]  }
0xc8: {  	v18 =	vld [tilespmem:s30+$0x8030];
	v34 =	vmul.f32 $5.000000000e+00, v34  }
0xc9: {  	v12 =	vsub.f32 v9, v12;
	v14 =	vadd.f32 v14, v23;
	v23 =	vld [tilespmem:s30+$0x10]  }
0xca: {  	v41 =	vld [tilespmem:s30+$0x90];
	v63 =	vsub.f32 v62, v22;
	v25 =	vadd.f32 v34, v25  }
0xcb: {  	v22 =	vld [tilespmem:s30+$0xA0];
	v47 =	vadd.f32 v47, v55;
	v61 =	vsub.f32 v60, v20  }
0xcc: {  	v50 =	vmul.f32 v50, v50;
	v0 =	vsub.f32 v1, v0;
	v62 =	vld [tilespmem:$0x1FF10];
	v25 =	vadd.f32 v25, v56  }
0xcd: {  	v9 =	vmul.f32 v9, v9;
	v33 =	vadd.f32 v33, v47;
	v60 =	vld [tilespmem:$0x1FFB0];
	v43 =	vadd.f32 v61, v43  }
0xce: {  	v2 =	vsub.f32 v2, v7;
	v1 =	vmul.f32 v1, v1;
	v25 =	vadd.f32 v25, v31;
	v31 =	vld [tilespmem:$0x1FF20]  }
0xcf: {  	v6 =	vsub.f32 v30, v6;
	v33 =	vmul.f32 $5.000000000e+00, v33;
	v61 =	vld [tilespmem:$0x1FFA0];
	v43 =	vadd.f32 v63, v43  }
0xd0: {  	v2 =	vmul.f32 v2, v2;
	v37 =	vadd.f32 v50, v37;
	v14 =	vadd.f32 v14, v52;
	v52 =	vld [tilespmem:s30+$0x130]  }
0xd1: {  	v3 =	vsub.f32 v3, v11;
	[tilespmem:$0x1FF10] =	vst v9;
	v9 =	vld [tilespmem:s30+$0x8100];
	v27 =	vadd.f32 v33, v27;
	v55 =	vmul.f32 $5.000000000e+00, v43  }
0xd2: {  	v30 =	vmul.f32 v8, v8;
	v17 =	vsub.f32 v17, v19;
	v14 =	vadd.f32 v14, v39;
	v34 =	vld [tilespmem:s30+$0x8010]  }
0xd3: {  	v39 =	vmul.f32 v59, v59;
	v27 =	vadd.f32 v27, v31;
	v26 =	vadd.f32 v55, v26;
	v55 =	vld [tilespmem:$0x1FFE0]  }
0xd4: {  	v15 =	vsub.f32 v10, v15;
	v32 =	vmul.f32 v32, v60;
	v60 =	vld [tilespmem:$0x1FFD0];
	v14 =	vmul.f32 v14, v61  }
0xd5: {  	v39 =	vadd.f32 v39, v45;
	v56 =	vld [tilespmem:s30+$0x8130];
	v25 =	vmul.f32 v25, v46;
	v27 =	vadd.f32 v27, v37  }
0xd6: {  	v20 =	vld [tilespmem:s30+$0x20];
	v63 =	vmul.f32 v38, v42;
	v14 =	vadd.f32 v14, v32;
	v26 =	vadd.f32 v26, v62  }
0xd7: {  	v33 =	vld [tilespmem:s30+$0x1B0];
	v38 =	vadd.f32 v51, v48;
	v25 =	vadd.f32 v25, v40;
	v48 =	vimm.f32 $0.0e+00  }
0xd8: {  	v32 =	vld [tilespmem:s30+$0x81A0];
	v14 =	vadd.f32 v14, v54;
	v26 =	vadd.f32 v26, v39;
	v27 =	vmul.f32 v27, v55  }
0xd9: {  	v16 =	vsub.f32 v16, v18;
	v31 =	vld [tilespmem:s30+$0x81B0];
	v59 =	vsel vm0, $0x3F800000, v48;
	v38 =	vmul.f32 v38, v60  }
0xda: {  	v61 =	vld [tilespmem:s30+$0x190];
	v14 =	vadd.f32 v25, v14;
	v26 =	vmul.f32 v26, v59;
	v25 =	vadd.f32 v27, v63  }
0xdb: {  	v19 =	vmul.f32 v35, v35;
	v40 =	vsub.f32 v23, v34;
	v50 =	vsub.f32 v20, v58;
	v27 =	vld [tilespmem:s30+$0x8190]  }
0xdc: {  	v20 =	vmul.f32 v56, v52;
	v62 =	vld [tilespmem:s30+$0x120];
	v14 =	vadd.f32 v25, v14;
	v25 =	vadd.f32 v26, v38  }
0xdd: {  	p1 =	por !p1, !p1;
	s2 =	simm.s32 $0x1;
	v58 =	vmul.f32 v3, v3;
	v55 =	vmul.f32 v15, v15;
	v11 =	vadd.f32 v32, v44;
	v63 =	vld [tilespmem:s30+$0x8120]  }
0xde: {  	s2 =	simm.s32 @!p1 $0x0;
	v21 =	vld [tilespmem:s30+$0xB0];
	v51 =	vmul.f32 v32, v44;
	v7 =	vadd.f32 v25, v14;
	v25 =	vadd.f32 v31, v33  }
0xdf: {  	s2 =	sshll.u32 s2, $0x6;
	v47 =	vld [tilespmem:s30+$0x80A0];
	v15 =	vshra.s32 v20, $0x1;
	v44 =	vmul.f32 v0, v0;
	v59 =	vmul.f32 v16, v16;
	[tilespmem:$0x1FE40] =	vst v11  }
0xe0: {  	s2 =	sadd.s32 s2, s28;
	v15 =	vsub.s32 $0x5F3759DF, v15;
	v11 =	vadd.f32 v56, v52;
	v10 =	vadd.f32 v27, v61;
	[tilespmem:$0x1FE30] =	vst v25;
	v25 =	vld [tilespmem:s30+$0x8110]  }
0xe1: {  	s22 =	sor.u32 $0x200, s2;
	v56 =	vmul.f32 v17, v17;
	v26 =	vsub.f32 v35, v36;
	v35 =	vmul.f32 $5.000000000e-01, v20;
	[tilespmem:$0x1FFF0] =	vst v7;
	v7 =	vld [tilespmem:s30+$0x8180]  }
0xe2: {  	v23 =	vld [tilespmem:s22+$0x0];
	v14 =	vsub.f32 v28, v29;
	v33 =	vmul.f32 v31, v33;
	[tilespmem:$0x1FE60] =	vst v10;
	v10 =	vadd.f32 v63, v62  }
0xe3: {  	[tilespmem:$0x1FE50] =	vst v11;
	v11 =	vld [tilespmem:s30+$0x100];
	v28 =	vsub.f32 v21, v53;
	v0 =	vmul.f32 v26, v26;
	v42 =	vmul.f32 v15, v35  }
0xe4: {  	v31 =	vld [tilespmem:s22+$0x8000];
	v45 =	vmul.f32 v27, v61;
	v27 =	vsub.f32 v22, v47;
	[tilespmem:$0x1FE70] =	vst v10;
	v10 =	vmul.f32 v57, v57  }
0xe5: {  	[tilespmem:$0x1FF40] =	vst v1;
	v29 =	vld [tilespmem:s30+$0x80];
	v21 =	vmul.f32 v63, v62;
	v61 =	vmul.f32 v50, v50;
	v1 =	vadd.f32 v25, v24  }
0xe6: {  	v60 =	vmul.f32 v28, v28;
	v47 =	vmul.f32 $5.000000000e-01, v33;
	[tilespmem:$0x1FF20] =	vst v10;
	v10 =	vld [tilespmem:s30+$0x8000];
	v18 =	vadd.f32 v7, v49  }
0xe7: {  	v13 =	vsub.f32 v57, v13;
	v63 =	vmul.f32 v40, v40;
	v36 =	vmul.f32 $5.000000000e-01, v45;
	[tilespmem:$0x1FE90] =	vst v1;
	v1 =	vld [tilespmem:s30+$0x8080]  }
0xe8: {  	s31 =	sor.u32 $0x2280, s2;
	v43 =	vld [tilespmem:s30+$0x8090];
	v17 =	vshra.s32 v21, $0x1;
	v38 =	vmul.f32 $5.000000000e-01, v21;
	[tilespmem:$0x1FE80] =	vst v18;
	v18 =	vadd.f32 v9, v11  }
0xe9: {  	v22 =	vmul.f32 v9, v11;
	vm6 =	vgt.f32 v31, $0.0e+00;
	v9 =	vld [tilespmem:s31+$0x8000];
	v11 =	vmul.f32 v13, v13  }
0xea: {  	s0 =	sor.u32 $0x2200, s2;
	vm7 =	veq.f32 v31, $0.0e+00;
	v57 =	vmul.f32 v4, v4;
	[tilespmem:$0x1FEA0] =	vst v18;
	v18 =	vmul.f32 v7, v49;
	v7 =	vld [tilespmem:s31+$0x0]  }
0xeb: {  	v3 =	vsub.f32 v23, v31;
	v31 =	vshra.s32 v22, $0x1;
	[tilespmem:$0x1FF50] =	vst v11;
	v11 =	vmul.f32 v12, v12;
	v12 =	vld [tilespmem:s0+$0x0];
	s31 =	sadd.s32 $0x20, s2  }
0xec: {  	[tilespmem:$0x1FF70] =	vst v0;
	v39 =	vmul.f32 $5.000000000e-01, v22;
	s30 =	sadd.s32 $0x10, s2;
	v5 =	vsub.f32 v5, v10;
	s11 =	sor.u32 $0x200, s31;
	v0 =	vsub.f32 v29, v1;
	v1 =	vld [tilespmem:s0+$0x8000]  }
0xed: {  	[tilespmem:$0x1FF30] =	vst v19;
	v19 =	vmul.f32 v25, v24;
	v24 =	vsub.f32 v41, v43;
	v29 =	vmul.f32 v6, v6;
	s0 =	sadd.s32 $0x30, s2;
	v6 =	vld [tilespmem:s11+$0x8000];
	s2 =	sor.u32 $0x200, s30  }
0xee: {  	[tilespmem:$0x1FEE0] =	vst v45;
	v43 =	vmul.f32 $5.000000000e-01, v51;
	v54 =	vsub.s32 $0x5F3759DF, v31;
	v62 =	vmul.f32 v5, v5;
	v5 =	vld [tilespmem:s2+$0x8000]  }
0xef: {  	v13 =	vshra.s32 v51, $0x1;
	v28 =	vshra.s32 v19, $0x1;
	[tilespmem:$0x1FF60] =	vst v11;
	v11 =	vmul.f32 v14, v14;
	s22 =	sor.u32 $0x200, s0;
	v25 =	vld [tilespmem:s2+$0x0]  }
0xf0: {  	[tilespmem:$0x1FF00] =	vst v19;
	v14 =	vshra.s32 v45, $0x1;
	v45 =	vmul.f32 $5.000000000e-01, v19;
	v19 =	vmul.f32 v54, v39;
	s12 =	sor.u32 $0x2280, s0;
	v4 =	vld [tilespmem:s22+$0x8000]  }
0xf1: {  	[tilespmem:$0x1FE20] =	vst v2;
	v28 =	vsub.s32 $0x5F3759DF, v28;
	v10 =	vadd.f32 v23, v23;
	v2 =	vsub.f32 v7, v9;
	v8 =	vld [tilespmem:s12+$0x0]  }
0xf2: {  	v40 =	vmul.f32 $5.000000000e-01, v18;
	v14 =	vsub.s32 $0x5F3759DF, v14;
	v19 =	vmul.f32 v54, v19;
	v9 =	vld [tilespmem:s12+$0x8000]  }
0xf3: {  	s0 =	sor.u32 $0x2200, s0;
	v0 =	vmul.f32 v0, v0;
	v26 =	vld [tilespmem:s22+$0x0];
	[tilespmem:$0x1FF80] =	vst v2;
	v2 =	vmul.f32 v24, v24;
	v24 =	vshra.s32 v18, $0x1  }
0xf4: {  	[tilespmem:$0x1FEF0] =	vst v18;
	v16 =	vld [tilespmem:s0+$0x0];
	v18 =	vsel vm6, $0x3F800000, v48;
	v7 =	vsub.f32 v12, v1;
	v1 =	vmul.f32 v27, v27  }
0xf5: {  	v46 =	vld [tilespmem:s0+$0x8000];
	s22 =	sor.u32 $0x2280, s30;
	v12 =	vshra.s32 v33, $0x1;
	vm3 =	vgt.f32 v6, $0.0e+00;
	v34 =	vsub.s32 $0x5F3759DF, v24  }
0xf6: {  	v49 =	vld [tilespmem:s22+$0x8000];
	[tilespmem:$0x1FFA0] =	vst v18;
	v18 =	vmul.f32 v28, v45;
	vm2 =	vgt.f32 v5, $0.0e+00;
	vm1 =	veq.f32 v5, $0.0e+00  }
0xf7: {  	v27 =	vld [tilespmem:s11+$0x0];
	v12 =	vsub.s32 $0x5F3759DF, v12;
	v31 =	vmul.f32 v34, v40;
	vm0 =	vgt.f32 v4, $0.0e+00  }
0xf8: {  	s11 =	sor.u32 $0x2280, s31;
	v24 =	vld [tilespmem:s22+$0x0];
	vm5 =	veq.f32 v4, $0.0e+00;
	v41 =	vsub.f32 v26, v4;
	v7 =	vmul.f32 v7, v7  }
0xf9: {  	[tilespmem:$0x1FEC0] =	vst v33;
	s12 =	sor.u32 $0x2200, s31;
	v33 =	vld [tilespmem:s11+$0x0];
	v4 =	vsel vm7, $0x3F000000, v48;
	v32 =	vmul.f32 v12, v47;
	v18 =	vmul.f32 v28, v18  }
0xfa: {  	[tilespmem:$0x1FFB0] =	vst v4;
	v4 =	vsub.f32 v25, v5;
	v5 =	vsub.f32 v8, v9;
	v8 =	vmul.f32 v3, v3;
	v3 =	vld [tilespmem:s12+$0x8000]  }
0xfb: {  	v9 =	vsub.s32 $0x5F3759DF, v13;
	v13 =	vsub.f32 v16, v46;
	v16 =	vsub.s32 $0x5F3759DF, v17;
	v17 =	vld [tilespmem:s11+$0x8000]  }
0xfc: {  	vm4 =	veq.f32 v6, $0.0e+00;
	v46 =	vmul.f32 v14, v36;
	v31 =	vmul.f32 v34, v31;
	[tilespmem:$0x1FF90] =	vst v5;
	v5 =	vld [tilespmem:s12+$0x0]  }
0xfd: {  	v37 =	vmul.f32 v9, v43;
	v52 =	vmul.f32 v16, v38;
	v18 =	vsub.f32 $1.500000000e+00, v18  }
0xfe: {  	[tilespmem:$0x1FEB0] =	vst v51;
	v6 =	vsub.f32 v27, v6;
	v51 =	vsub.f32 v24, v49;
	v24 =	vmul.f32 v15, v42  }
0xff: {  	v49 =	vmul.f32 v14, v46;
	v28 =	vmul.f32 v28, v18;
	v18 =	vsel vm3, $0x3F800000, v48  }
0x100: {  	s31 =	sor.u32 $0x2200, s30;
	v6 =	vmul.f32 v6, v6;
	v50 =	vsub.f32 v33, v17;
	v17 =	vadd.f32 v26, v26  }
0x101: {  	[tilespmem:$0x1FED0] =	vst v20;
	v42 =	vld [tilespmem:s31+$0x8000];
	v20 =	vmul.f32 v28, v45;
	v3 =	vsub.f32 v5, v3;
	v5 =	vmul.f32 v4, v4  }
0x102: {  	v46 =	vsub.f32 $1.500000000e+00, v24;
	v33 =	vld [tilespmem:s31+$0x0];
	v4 =	vmul.f32 v13, v13;
	v13 =	vmul.f32 v12, v32  }
0x103: {  	[tilespmem:$0x1FFC0] =	vst v17;
	v17 =	vmul.f32 v9, v37;
	v37 =	vmul.f32 v16, v52;
	v32 =	vsub.f32 $1.500000000e+00, v49  }
0x104: {  	v52 =	vsub.f32 $1.500000000e+00, v31;
	v31 =	vmul.f32 v15, v46;
	v46 =	vsel vm2, $0x3F800000, v48  }
0x105: {  	v49 =	vsel vm1, $0x3F000000, v48;
	v3 =	vmul.f32 v3, v3;
	v17 =	vsub.f32 $1.500000000e+00, v17  }
0x106: {  	v13 =	vsub.f32 $1.500000000e+00, v13;
	v37 =	vsub.f32 $1.500000000e+00, v37;
	v24 =	vmul.f32 v14, v32  }
0x107: {  	[tilespmem:$0x1FFE0] =	vst v18;
	v14 =	vmul.f32 v34, v52;
	v18 =	vmul.f32 v31, v35;
	v52 =	vsub.f32 v33, v42  }
0x108: {  	v9 =	vmul.f32 v9, v17;
	v12 =	vmul.f32 v12, v13;
	v13 =	vsub.f32 $1.500000000e+00, v19  }
0x109: {  	v32 =	vmul.f32 v16, v37;
	v17 =	vsel vm5, $0x3F000000, v48;
	v19 =	vmul.f32 v14, v40  }
0x10a: {  	v42 =	vsel vm4, $0x3F000000, v48;
	v48 =	vmovc v10;
	v18 =	vmul.f32 v18, v31;
	v10 =	vld [tilespmem:$0x1FE20];
	[tilespmem:$0x1FFD0] =	vst v17;
	v17 =	vmul.f32 v24, v36  }
0x10b: {  	s26 =	sadd.s32 $0x4, s26;
	v13 =	vmul.f32 v54, v13;
	v15 =	vmul.f32 v9, v43  }
0x10c: {  	p2 =	slt.u32 s26, $0x3C;
	v11 =	vadd.f32 v29, v11;
	v16 =	vmul.f32 v12, v47;
	v33 =	vmul.f32 v32, v38  }
.Ltmp2:
0x10d: {  	v53 =	vadd.f32 v27, v27;
	v17 =	vmul.f32 v17, v24;
	v37 =	vmul.f32 v13, v39;
	(pc) =	sbr.rel @p2 .LBB2_3-.Ltmp2, $4  }
0x10e: {  	v54 =	vadd.f32 v25, v25;
	v15 =	vmul.f32 v15, v9;
	v16 =	vmul.f32 v16, v12  }
0x10f: {  	v34 =	vmul.f32 v33, v32;
	v33 =	vmul.f32 v20, v28;
	v10 =	vadd.f32 v30, v10  }
0x110: {  	v30 =	vmul.f32 v19, v14;
	v15 =	vsub.f32 $1.500000000e+00, v15;
	v16 =	vsub.f32 $1.500000000e+00, v16  }
0x111: {  	s29 =	sadd.s32 $0x40, s29;
	s28 =	sadd.s32 $0x200, s28;
	v29 =	vmul.f32 v37, v13;
	v37 =	vsub.f32 $1.500000000e+00, v17;
	v17 =	vsub.f32 $1.500000000e+00, v18  }
0x112: {  	v9 =	vmul.f32 v15, v9;
	_ =	sdelay $0x1  }
0x113: {  	v18 =	vmul.f32 v9, v43;
	_ =	sdelay $0x1  }
0x114: {  	p1 =	seq.s32 s25, $0x2;
	v18 =	vmul.f32 v18, v9  }
0x115: {  	v20 =	vsub.f32 $1.500000000e+00, v30;
	s0 =	sshll.u32 @!p1 s25, $0xF  }
0x116: {  	v19 =	vmul.f32 v37, v24;
	s0 =	sadd.s32 @!p1 s0, s9;
	v18 =	vsub.f32 $1.500000000e+00, v18  }
0x117: {  	v14 =	vmul.f32 v20, v14;
	s0 =	sshrl.u32 @!p1 s0, $0x3  }
0x118: {  	s11 =	simm.s32 @!p1 $0x0;
	s2 =	sadd.s32 @!p1 s1, s0;
	v9 =	vmul.f32 v18, v9;
	v18 =	vmul.f32 v19, v36  }
0x119: {  	v15 =	vmul.f32 v17, v31;
	[tilespmem:s11], [sflag:$0x1] =	stream.linear.gather @!p1 [hbm4b:s2+s11], $0x4000, $0x38;
	[tilespmem:$0x10080] =	vst v63  }
0x11a: {  	s0 =	sadd.s32 @!p1 s3, s0;
	v31 =	vmul.f32 v14, v40;
	s2 =	simm.s32 @!p1 $0x8000;
	v18 =	vmul.f32 v18, v19  }
0x11b: {  	[tilespmem:s2], [sflag:$0x3] =	stream.linear.gather @!p1 [hbm4b:s0+s11], $0x4000, $0x38;
	[tilespmem:$0x10080] =	vst v63  }
0x11c: {  	v31 =	vmul.f32 v31, v14;
	_ =	swait.ge [sflag:s20], $0x4000;
	v18 =	vsub.f32 $1.500000000e+00, v18  }
0x11d: {  	[sflag:s20] =	ssyncset.done $0x0  }
0x11e: {  	[sflag:s20] =	ssyncadd.s32 $0xFFFFC000;
	v18 =	vmul.f32 v18, v19;
	v19 =	vsub.f32 $1.500000000e+00, v31  }
0x11f: {  	_ =	swait.ge [sflag:s21], $0x4000  }
0x120: {  	v14 =	vmul.f32 v19, v14;
	v19 =	vld [tilespmem:$0x1FF50];
	_ =	sdelay $0x4  }
0x121: {  	v6 =	vadd.f32 v19, v6;
	v19 =	vld [tilespmem:$0x1FF70];
	_ =	sdelay $0x4  }
0x122: {  	v12 =	vmul.f32 v16, v12;
	v5 =	vadd.f32 v19, v5;
	v19 =	vld [tilespmem:$0x1FEB0];
	_ =	sdelay $0x1  }
0x123: {  	v17 =	vmul.f32 v12, v47;
	_ =	sdelay $0x1  }
0x124: {  	v17 =	vmul.f32 v17, v12  }
0x125: {  	v9 =	vmul.f32 v9, v19;
	v19 =	vld [tilespmem:$0x1FEC0]  }
0x126: {  	v17 =	vsub.f32 $1.500000000e+00, v17;
	_ =	sdelay $0x1  }
0x127: {  	v12 =	vmul.f32 v17, v12;
	_ =	sdelay $0x1  }
0x128: {  	v12 =	vmul.f32 v12, v19;
	v19 =	vld [tilespmem:$0x1FEE0];
	_ =	sdelay $0x1  }
0x129: {  	v24 =	vsub.f32 $1.500000000e+00, v33;
	_ =	sdelay $0x1  }
0x12a: {  	v24 =	vmul.f32 v24, v28  }
0x12b: {  	v17 =	vmul.f32 v15, v35;
	v18 =	vmul.f32 v18, v19;
	v19 =	vld [tilespmem:$0x1FEF0]  }
0x12c: {  	v16 =	vsub.f32 $1.500000000e+00, v34  }
0x12d: {  	v20 =	vadd.f32 v58, v57;
	v58 =	vmul.f32 v24, v45;
	v17 =	vmul.f32 v17, v15  }
0x12e: {  	v29 =	vsub.f32 $1.500000000e+00, v29  }
0x12f: {  	v16 =	vmul.f32 v16, v32;
	v32 =	vmul.f32 v58, v24;
	v17 =	vsub.f32 $1.500000000e+00, v17  }
0x130: {  	v13 =	vmul.f32 v29, v13;
	v14 =	vmul.f32 v14, v19;
	v19 =	vld [tilespmem:$0x1FF00]  }
0x131: {  	v28 =	vadd.f32 v56, v55;
	v15 =	vmul.f32 v17, v15;
	v17 =	vsub.f32 $1.500000000e+00, v32;
	_ =	sdelay $0x1  }
0x132: {  	v7 =	vadd.f32 v7, v28;
	v28 =	vmul.f32 v13, v39;
	v17 =	vmul.f32 v17, v24  }
0x133: {  	v30 =	vmul.f32 v16, v38  }
0x134: {  	v28 =	vmul.f32 v28, v13;
	v17 =	vmul.f32 v17, v19;
	v19 =	vld [tilespmem:$0x1FF80]  }
0x135: {  	v30 =	vmul.f32 v30, v16  }
0x136: {  	v28 =	vsub.f32 $1.500000000e+00, v28  }
0x137: {  	v30 =	vsub.f32 $1.500000000e+00, v30  }
0x138: {  	v13 =	vmul.f32 v28, v13  }
0x139: {  	v16 =	vmul.f32 v30, v16;
	v30 =	vmul.f32 v19, v19;
	v19 =	vld [tilespmem:$0x1FEA0]  }
0x13a: {  	v13 =	vmul.f32 v13, v22;
	_ =	sdelay $0x1  }
0x13b: {  	v13 =	vadd.f32 v13, v13;
	_ =	sdelay $0x1  }
0x13c: {  	v13 =	vsub.f32 v19, v13;
	v19 =	vld [tilespmem:$0x1FE80];
	_ =	sdelay $0x2  }
0x13d: {  	v14 =	vadd.f32 v14, v14;
	_ =	sdelay $0x1  }
0x13e: {  	v14 =	vsub.f32 v19, v14;
	v19 =	vld [tilespmem:$0x1FE40];
	_ =	sdelay $0x2  }
0x13f: {  	v9 =	vadd.f32 v9, v9;
	_ =	sdelay $0x1  }
0x140: {  	v9 =	vsub.f32 v19, v9;
	v19 =	vld [tilespmem:$0x1FE60];
	_ =	sdelay $0x2  }
0x141: {  	s26 =	simm.s32 $0x0;
	v18 =	vadd.f32 v18, v18  }
0x142: {  	v3 =	vadd.f32 v3, v11;
	s30 =	sand.u32 $0x40, s26;
	s0 =	sand.u32 $0x1C00, s26;
	[sflag:s21] =	ssyncset.done $0x0;
	v11 =	vld [tilespmem:$0x1FED0]  }
0x143: {  	v0 =	vadd.f32 v0, v62;
	s26 =	sor.u32 s30, s0;
	[sflag:s21] =	ssyncadd.s32 $0xFFFFC000;
	v18 =	vsub.f32 v19, v18;
	v19 =	vld [tilespmem:$0x1FE70]  }
0x144: {  	v29 =	vadd.f32 v60, v59;
	v16 =	vmul.f32 v16, v21;
	v59 =	vld [tilespmem:s26+$0x6130]  }
0x145: {  	v0 =	vadd.f32 v13, v0;
	v13 =	vld [tilespmem:$0x1FE90]  }
0x146: {  	v4 =	vadd.f32 v4, v10;
	v10 =	vld [tilespmem:s26+$0x61B0];
	v16 =	vadd.f32 v16, v16  }
0x147: {  	v21 =	vld [tilespmem:s26+$0x6120];
	v0 =	vadd.f32 v14, v0  }
0x148: {  	v17 =	vadd.f32 v17, v17;
	v16 =	vsub.f32 v19, v16;
	v19 =	vld [tilespmem:$0x1FF40]  }
0x149: {  	v23 =	vmul.f32 v48, v23;
	v22 =	vld [tilespmem:s26+$0xE120];
	v0 =	vmul.f32 $5.000000000e+00, v0  }
0x14a: {  	v2 =	vadd.f32 v2, v63;
	v28 =	vld [tilespmem:s26+$0x61A0];
	v13 =	vsub.f32 v13, v17  }
0x14b: {  	v31 =	vld [tilespmem:s26+$0xE1A0];
	v0 =	vadd.f32 v0, v23  }
0x14c: {  	v60 =	vld [tilespmem:s26+$0x6110];
	v2 =	vadd.f32 v13, v2  }
0x14d: {  	v62 =	vld [tilespmem:s26+$0xE110];
	v7 =	vadd.f32 v30, v7;
	v0 =	vadd.f32 v0, v19  }
0x14e: {  	v2 =	vadd.f32 v18, v2;
	v19 =	vld [tilespmem:$0x1FFC0]  }
0x14f: {  	v1 =	vadd.f32 v1, v61;
	v0 =	vadd.f32 v0, v7;
	v7 =	vld [tilespmem:$0x1FF30]  }
0x150: {  	v25 =	vmul.f32 v54, v25;
	v63 =	vld [tilespmem:s26+$0x6190];
	v2 =	vmul.f32 $5.000000000e+00, v2  }
0x151: {  	v1 =	vadd.f32 v16, v1;
	v16 =	vld [tilespmem:$0x1FE50]  }
0x152: {  	v11 =	vmul.f32 v15, v11;
	v18 =	vld [tilespmem:$0x1FE30];
	v2 =	vadd.f32 v2, v25  }
0x153: {  	v25 =	vmul.f32 v19, v26;
	v19 =	vld [tilespmem:$0x1FFB0]  }
0x154: {  	v11 =	vadd.f32 v11, v11;
	v2 =	vadd.f32 v2, v7;
	v7 =	vld [tilespmem:$0x1FF90]  }
0x155: {  	v45 =	vld [tilespmem:s26+$0xE190];
	v12 =	vadd.f32 v12, v12  }
0x156: {  	v47 =	vld [tilespmem:s26+$0xC130];
	v11 =	vsub.f32 v16, v11  }
0x157: {  	v8 =	vadd.f32 v44, v8;
	v48 =	vld [tilespmem:s26+$0x4190];
	v12 =	vsub.f32 v18, v12  }
0x158: {  	v24 =	vld [tilespmem:s26+$0xE130];
	v1 =	vadd.f32 v9, v1;
	v9 =	vadd.f32 v11, v29  }
0x159: {  	v8 =	vmul.f32 v8, v19;
	v19 =	vld [tilespmem:$0x1FFA0];
	v7 =	vmul.f32 v7, v7  }
0x15a: {  	v15 =	vld [tilespmem:s26+$0xE1B0];
	v13 =	vmul.f32 v53, v27;
	v27 =	vmul.f32 v52, v52;
	v9 =	vadd.f32 v12, v9  }
0x15b: {  	v44 =	vmul.f32 v51, v51;
	v4 =	vadd.f32 v7, v4;
	v7 =	vld [tilespmem:$0x1FF10]  }
0x15c: {  	v5 =	vmul.f32 v5, v49;
	v49 =	vld [tilespmem:s26+$0xC190];
	v20 =	vadd.f32 v27, v20;
	v9 =	vmul.f32 $5.000000000e+00, v9  }
0x15d: {  	v30 =	vld [tilespmem:s26+$0xC1A0]  }
0x15e: {  	v20 =	vadd.f32 v44, v20;
	v9 =	vadd.f32 v9, v25;
	v0 =	vmul.f32 v0, v19;
	v19 =	vld [tilespmem:$0x1FF20]  }
0x15f: {  	v17 =	vmul.f32 v50, v50;
	v14 =	vld [tilespmem:s26+$0x6100];
	v1 =	vmul.f32 $5.000000000e+00, v1  }
0x160: {  	v50 =	vld [tilespmem:s26+$0x4120];
	v2 =	vadd.f32 v2, v20;
	v7 =	vadd.f32 v9, v7  }
0x161: {  	v3 =	vadd.f32 v17, v3;
	v17 =	vld [tilespmem:s26+$0xC020];
	v1 =	vadd.f32 v1, v13  }
0x162: {  	v2 =	vmul.f32 v2, v46;
	v4 =	vadd.f32 v7, v4;
	v7 =	vld [tilespmem:$0x1FFF0]  }
0x163: {  	v23 =	vld [tilespmem:s26+$0x4030];
	v1 =	vadd.f32 v1, v19  }
0x164: {  	v2 =	vadd.f32 v2, v5;
	v5 =	vld [tilespmem:$0x1FFE0]  }
0x165: {  	v0 =	vadd.f32 v0, v8;
	v1 =	vadd.f32 v1, v3;
	v3 =	vmul.f32 v6, v42;
	v6 =	vld [tilespmem:$0x1FF60]  }
0x166: {  	v27 =	vld [tilespmem:s26+$0x4020]  }
0x167: {  	v0 =	vadd.f32 v0, v7;
	v7 =	vld [tilespmem:$0x1FFD0]  }
0x168: {  	v61 =	vmul.f32 v41, v41;
	v18 =	vld [tilespmem:s26+$0x6180]  }
0x169: {  	v16 =	vld [tilespmem:s26+$0xE100];
	v1 =	vmul.f32 v1, v5  }
0x16a: {  	v13 =	vld [tilespmem:s26+$0xC0B0];
	v19 =	vimm.f32 $0.0e+00;
	v6 =	vadd.f32 v6, v61  }
0x16b: {  	v11 =	vld [tilespmem:s26+$0xE180];
	v5 =	vsel vm0, $0x3F800000, v19;
	v1 =	vadd.f32 v1, v3  }
0x16c: {  	v29 =	vld [tilespmem:s26+$0x41B0];
	v0 =	vadd.f32 v2, v0;
	v2 =	vmul.f32 v4, v5;
	v6 =	vmul.f32 v6, v7  }
0x16d: {  	v26 =	vld [tilespmem:s26+$0x40B0]  }
0x16e: {  	v12 =	vld [tilespmem:s26+$0xC030];
	v0 =	vadd.f32 v1, v0;
	v1 =	vadd.f32 v2, v6  }
0x16f: {  	v8 =	vld [tilespmem:s26+$0xC1B0]  }
0x170: {  	v20 =	vld [tilespmem:s26+$0x41A0];
	v0 =	vadd.f32 v1, v0  }
0x171: {  	v25 =	vld [tilespmem:s26+$0x40A0]  }
0x172: {  	v46 =	vld [tilespmem:s26+$0x4130];
	[tilespmem:$0x1FC50] =	vst v0  }
0x173: {  	v51 =	vld [tilespmem:s26+$0xC120]  }
0x174: {  	v1 =	vadd.f32 v8, v29;
	v52 =	vld [tilespmem:s26+$0x4180]  }
0x175: {  	v2 =	vadd.f32 v30, v20;
	v0 =	vsub.f32 v21, v22;
	v21 =	vld [tilespmem:s26+$0xC180]  }
0x176: {  	v9 =	vsub.f32 v10, v15;
	v10 =	vld [tilespmem:s26+$0x4110];
	[tilespmem:$0x1FC60] =	vst v1  }
0x177: {  	v15 =	vld [tilespmem:s26+$0xC110];
	[tilespmem:$0x1FC70] =	vst v2;
	v2 =	vadd.f32 v47, v46;
	_ =	sdelay $0x1  }
0x178: {  	v22 =	vld [tilespmem:s26+$0xC0A0];
	[tilespmem:$0x1FC80] =	vst v2;
	v2 =	vadd.f32 v49, v48;
	_ =	sdelay $0x1  }
0x179: {  	v4 =	vsub.f32 v14, v16;
	v16 =	vld [tilespmem:s26+$0x4100];
	[tilespmem:$0x1FC90] =	vst v2;
	v2 =	vadd.f32 v51, v50;
	_ =	sdelay $0x1  }
0x17a: {  	v6 =	vsub.f32 v18, v11;
	v11 =	vld [tilespmem:s26+$0xC100];
	[tilespmem:$0x1FCA0] =	vst v2;
	v2 =	vadd.f32 v21, v52;
	_ =	sdelay $0x1  }
0x17b: {  	v18 =	vld [tilespmem:s26+$0x60B0];
	[tilespmem:$0x1FCB0] =	vst v2;
	v2 =	vadd.f32 v15, v10;
	_ =	sdelay $0x1  }
0x17c: {  	v14 =	vsub.f32 v26, v13;
	v7 =	vsub.f32 v23, v12;
	v13 =	vld [tilespmem:s26+$0xE0B0];
	[tilespmem:$0x1FCC0] =	vst v2  }
0x17d: {  	v12 =	vmul.f32 v30, v20;
	v2 =	vmul.f32 v8, v29;
	v8 =	vadd.f32 v11, v16;
	v26 =	vld [tilespmem:s26+$0x60A0]  }
0x17e: {  	v5 =	vsub.f32 v59, v24;
	v24 =	vsub.f32 v27, v17;
	v23 =	vmul.f32 v49, v48;
	v17 =	vld [tilespmem:s26+$0xE0A0]  }
0x17f: {  	v20 =	vmul.f32 v47, v46;
	v35 =	vmul.f32 $5.000000000e-01, v12;
	v27 =	vld [tilespmem:s26+$0x6090];
	[tilespmem:$0x1FCD0] =	vst v8  }
0x180: {  	v58 =	vsub.f32 v28, v31;
	v37 =	vmul.f32 $5.000000000e-01, v23;
	v53 =	vmul.f32 v15, v10;
	v15 =	vld [tilespmem:s26+$0xE090];
	[tilespmem:$0x1FCE0] =	vst v12  }
0x181: {  	v3 =	vsub.f32 v63, v45;
	v34 =	vmul.f32 $5.000000000e-01, v20;
	v42 =	vmul.f32 v21, v52;
	v28 =	vld [tilespmem:s26+$0x6080];
	[tilespmem:$0x1FCF0] =	vst v2  }
0x182: {  	v1 =	vsub.f32 v60, v62;
	v25 =	vsub.f32 v25, v22;
	v21 =	vmul.f32 v51, v50;
	v29 =	vld [tilespmem:s26+$0xE080];
	[tilespmem:$0x1FD00] =	vst v20  }
0x183: {  	v54 =	vshra.s32 v42, $0x1;
	v41 =	vmul.f32 $5.000000000e-01, v42;
	v56 =	vshra.s32 v53, $0x1;
	[tilespmem:$0x1FD10] =	vst v23  }
0x184: {  	v45 =	vmul.f32 $5.000000000e-01, v53;
	v33 =	vsub.s32 $0x5F3759DF, v54;
	v22 =	vmul.f32 v11, v16;
	v16 =	vld [tilespmem:s26+$0x4010]  }
0x185: {  	v10 =	vshra.s32 v12, $0x1;
	v38 =	vmul.f32 $5.000000000e-01, v21;
	v40 =	vsub.s32 $0x5F3759DF, v56;
	v31 =	vld [tilespmem:s26+$0xC010];
	[tilespmem:$0x1FD20] =	vst v21  }
0x186: {  	v10 =	vsub.s32 $0x5F3759DF, v10;
	v8 =	vshra.s32 v2, $0x1;
	v32 =	vmul.f32 $5.000000000e-01, v2;
	v39 =	vld [tilespmem:s26+$0x4090];
	[tilespmem:$0x1FD30] =	vst v42  }
0x187: {  	p2 =	por $0x0, $0x0;
	s0 =	simm.s32 $0x1;
	v11 =	vshra.s32 v23, $0x1;
	v30 =	vsub.s32 $0x5F3759DF, v8;
	v8 =	vmul.f32 v10, v35;
	v43 =	vld [tilespmem:s26+$0xC090]  }
0x188: {  	s0 =	simm.s32 @!p2 $0x0;
	v11 =	vsub.s32 $0x5F3759DF, v11;
	v12 =	vshra.s32 v20, $0x1;
	v55 =	vmul.f32 v30, v32;
	v46 =	vld [tilespmem:s26+$0x4000];
	[tilespmem:$0x1FD40] =	vst v53  }
0x189: {  	s0 =	sshll.u32 s0, $0x6;
	v12 =	vsub.s32 $0x5F3759DF, v12;
	v13 =	vsub.f32 v18, v13;
	v8 =	vmul.f32 v10, v8;
	v47 =	vld [tilespmem:s26+$0xC000]  }
0x18a: {  	s0 =	sadd.s32 $0x0, s0;
	v18 =	vmul.f32 v18, v18;
	v23 =	vshra.s32 v21, $0x1;
	v36 =	vmul.f32 v30, v55;
	v49 =	vld [tilespmem:s26+$0x4080]  }
0x18b: {  	s12 =	sor.u32 $0x2280, s0;
	v50 =	vsub.s32 $0x5F3759DF, v23;
	v23 =	vmul.f32 v11, v37;
	v8 =	vsub.f32 $1.500000000e+00, v8;
	v51 =	vld [tilespmem:s26+$0xC080]  }
0x18c: {  	v59 =	vmul.f32 v12, v34;
	v42 =	vmul.f32 $5.000000000e-01, v22;
	v36 =	vsub.f32 $1.500000000e+00, v36;
	v52 =	vld [tilespmem:s12+$0x4000]  }
0x18d: {  	s31 =	sor.u32 $0x200, s0;
	v57 =	vshra.s32 v22, $0x1;
	v23 =	vmul.f32 v11, v23;
	v8 =	vmul.f32 v10, v8;
	v55 =	vld [tilespmem:s12+$0xC000]  }
0x18e: {  	s2 =	sadd.s32 $0x20, s0;
	v44 =	vsub.s32 $0x5F3759DF, v57;
	v10 =	vmul.f32 v30, v36;
	v36 =	vld [tilespmem:s31+$0xC000];
	v30 =	vmul.f32 v33, v41  }
0x18f: {  	v48 =	vmul.f32 v12, v59;
	v60 =	vmul.f32 v50, v38;
	s12 =	sor.u32 $0x200, s2;
	v62 =	vsub.f32 $1.500000000e+00, v23;
	v23 =	vld [tilespmem:s31+$0x4000]  }
0x190: {  	s22 =	sor.u32 $0x2200, s0;
	s26 =	sadd.s32 $0x30, s0;
	v2 =	vld [tilespmem:s12+$0xC000];
	v56 =	vsub.f32 v16, v31;
	v16 =	vmul.f32 v33, v30;
	v30 =	vmul.f32 v40, v45  }
0x191: {  	v61 =	vmul.f32 v44, v42;
	s30 =	sor.u32 $0x2280, s26;
	v31 =	vmul.f32 v50, v60;
	v60 =	vld [tilespmem:s22+$0xC000]  }
0x192: {  	v11 =	vmul.f32 v11, v62;
	v62 =	vld [tilespmem:s30+$0x4000];
	v63 =	vmul.f32 v40, v30  }
0x193: {  	v30 =	vsub.f32 $1.500000000e+00, v48;
	v48 =	vld [tilespmem:s22+$0x4000]  }
0x194: {  	v54 =	vmul.f32 v44, v61;
	v61 =	vsub.f32 $1.500000000e+00, v63;
	v63 =	vld [tilespmem:s30+$0xC000];
	[tilespmem:$0x1FD50] =	vst v18;
	v18 =	vmul.f32 v26, v26  }
0x195: {  	v20 =	vmul.f32 v27, v27;
	s0 =	sadd.s32 $0x10, s0  }
0x196: {  	v17 =	vsub.f32 v26, v17;
	s22 =	sor.u32 $0x200, s0;
	[tilespmem:$0x1FD60] =	vst v18  }
0x197: {  	v18 =	vld [tilespmem:s22+$0xC000];
	[tilespmem:$0x1FD70] =	vst v20;
	v20 =	vmul.f32 v28, v28  }
0x198: {  	v15 =	vsub.f32 v27, v15;
	v17 =	vmul.f32 v17, v17  }
0x199: {  	v57 =	vmul.f32 v7, v7;
	v13 =	vmul.f32 v13, v13;
	v29 =	vsub.f32 v28, v29;
	s31 =	sor.u32 $0x2200, s26;
	[tilespmem:$0x1FD80] =	vst v20  }
0x19a: {  	v53 =	vmul.f32 v1, v1;
	v15 =	vmul.f32 v15, v15;
	v31 =	vsub.f32 $1.500000000e+00, v31;
	v27 =	vld [tilespmem:s31+$0x4000];
	[tilespmem:$0x1FD90] =	vst v17  }
0x19b: {  	v59 =	vsub.f32 $1.500000000e+00, v54;
	v39 =	vsub.f32 v39, v43;
	v43 =	vmul.f32 v29, v29;
	[tilespmem:$0x1FDA0] =	vst v13  }
0x19c: {  	v29 =	vmul.f32 v9, v9;
	v54 =	vmul.f32 v3, v3;
	v13 =	vld [tilespmem:s31+$0xC000];
	[tilespmem:$0x1FDB0] =	vst v15;
	v15 =	vsub.f32 v52, v55  }
0x19d: {  	v16 =	vsub.f32 $1.500000000e+00, v16;
	v46 =	vsub.f32 v46, v47;
	v47 =	vmul.f32 v0, v0  }
0x19e: {  	v31 =	vmul.f32 v50, v31;
	vm1 =	vgt.f32 v36, $0.0e+00;
	v0 =	vsub.f32 v62, v63;
	v28 =	vld [tilespmem:s12+$0x4000];
	[tilespmem:$0x1FDC0] =	vst v15  }
0x19f: {  	vm2 =	veq.f32 v36, $0.0e+00;
	v30 =	vmul.f32 v12, v30;
	v12 =	vmul.f32 v33, v16;
	s12 =	sor.u32 $0x2280, s2;
	v26 =	vld [tilespmem:s22+$0x4000]  }
0x1a0: {  	v16 =	vmul.f32 v44, v59;
	v59 =	vmul.f32 v24, v24;
	v17 =	vsub.f32 v49, v51;
	s2 =	sor.u32 $0x2200, s2;
	v49 =	vld [tilespmem:s12+$0x4000];
	[tilespmem:$0x1FDD0] =	vst v0  }
0x1a1: {  	vm5 =	vgt.f32 v2, $0.0e+00;
	v33 =	vmul.f32 v40, v61;
	v61 =	vmul.f32 v56, v56;
	v3 =	vld [tilespmem:s2+$0x4000]  }
0x1a2: {  	vm4 =	veq.f32 v2, $0.0e+00;
	v55 =	vmul.f32 v4, v4;
	v15 =	vmul.f32 v5, v5;
	v4 =	vld [tilespmem:s2+$0xC000]  }
0x1a3: {  	s30 =	sor.u32 $0x2280, s0;
	v5 =	vsub.f32 v48, v60;
	v48 =	vmul.f32 v58, v58;
	v58 =	vmul.f32 v14, v14;
	v14 =	vld [tilespmem:s12+$0xC000]  }
0x1a4: {  	s0 =	sor.u32 $0x2200, s0;
	v44 =	vsel vm5, $0x3F800000, v19;
	v56 =	vmul.f32 v33, v45;
	v63 =	vmul.f32 v39, v39;
	v24 =	vld [tilespmem:s30+$0x4000]  }
0x1a5: {  	v40 =	vadd.f32 v23, v23;
	v62 =	vmul.f32 v46, v46;
	v1 =	vmul.f32 v17, v17;
	v17 =	vld [tilespmem:s0+$0x4000]  }
0x1a6: {  	v0 =	vmul.f32 v6, v6;
	v6 =	vsub.f32 v23, v36;
	v13 =	vsub.f32 v27, v13;
	v27 =	vld [tilespmem:s0+$0xC000]  }
0x1a7: {  	vm3 =	vgt.f32 v18, $0.0e+00;
	v60 =	vmul.f32 v25, v25;
	v25 =	vld [tilespmem:s30+$0xC000];
	v2 =	vsub.f32 v28, v2  }
0x1a8: {  	vm6 =	veq.f32 v18, $0.0e+00;
	v7 =	vmul.f32 v5, v5;
	v9 =	vmul.f32 v6, v6  }
0x1a9: {  	v18 =	vsub.f32 v26, v18;
	v6 =	vmul.f32 v2, v2;
	v2 =	vsub.f32 v49, v14  }
0x1aa: {  	v3 =	vsub.f32 v3, v4;
	v4 =	vmul.f32 v13, v13;
	v13 =	vmul.f32 v8, v35  }
0x1ab: {  	s31 =	sor.u32 $0x200, s26;
	v5 =	vmul.f32 v18, v18;
	v52 =	vsub.f32 v17, v27;
	v17 =	vmul.f32 v10, v32;
	[tilespmem:$0x1FDE0] =	vst v2  }
0x1ac: {  	v49 =	vsub.f32 v24, v25;
	v18 =	vmul.f32 v11, v37;
	v3 =	vmul.f32 v3, v3;
	v2 =	vld [tilespmem:s31+$0xC000]  }
0x1ad: {  	v24 =	vadd.f32 v29, v15;
	v15 =	vmul.f32 v13, v8;
	v13 =	vmul.f32 v30, v34;
	v27 =	vld [tilespmem:s31+$0x4000]  }
0x1ae: {  	v50 =	vsel vm3, $0x3F800000, v19;
	v25 =	vmul.f32 v17, v10;
	v17 =	vmul.f32 v31, v38  }
0x1af: {  	v14 =	vadd.f32 v48, v47;
	v18 =	vmul.f32 v18, v11;
	v51 =	vmul.f32 v13, v30  }
0x1b0: {  	v48 =	vsel vm4, $0x3F000000, v19;
	v13 =	vmul.f32 v12, v41;
	v36 =	vmul.f32 v17, v31  }
0x1b1: {  	v17 =	vsub.f32 $1.500000000e+00, v15;
	v39 =	vsub.f32 $1.500000000e+00, v25;
	vm0 =	vgt.f32 v2, $0.0e+00  }
0x1b2: {  	vm7 =	veq.f32 v2, $0.0e+00;
	v46 =	vsub.f32 v27, v2;
	v2 =	vmul.f32 v16, v42  }
0x1b3: {  	v15 =	vsub.f32 $1.500000000e+00, v18;
	v29 =	vmul.f32 v13, v12;
	v20 =	vsel vm7, $0x3F000000, v19  }
0x1b4: {  	v13 =	vmul.f32 v56, v33;
	v25 =	vmul.f32 v2, v16;
	v2 =	vsel vm1, $0x3F800000, v19;
	[tilespmem:$0x1FE10] =	vst v20  }
0x1b5: {  	v18 =	vsub.f32 $1.500000000e+00, v51;
	v56 =	vadd.f32 v28, v28;
	[tilespmem:$0x1FDF0] =	vst v2;
	v2 =	vsel vm2, $0x3F000000, v19  }
0x1b6: {  	s28 =	simm.s32 $0x200;
	s29 =	simm.s32 $0x40;
	s26 =	simm.s32 $0x0;
	v51 =	vsel vm6, $0x3F000000, v19;
	v47 =	vadd.f32 v27, v27;
	[tilespmem:$0x1FE00] =	vst v2;
	v2 =	vadd.f32 v26, v26  }
.LBB2_5:
0x1b7: {  	_ = 	snop  }
0x1b8: {  	s0 =	sand.u32 $0x40, s29;
	s2 =	sand.u32 $0x1C00, s28;
	v19 =	vld [tilespmem:$0x1FD90];
	v13 =	vsub.f32 $1.500000000e+00, v13;
	v25 =	vsub.f32 $1.500000000e+00, v25  }
0x1b9: {  	s30 =	sor.u32 s0, s2;
	v17 =	vmul.f32 v17, v8;
	v27 =	vmul.f32 v47, v27;
	v47 =	vld [tilespmem:$0x1FD50]  }
0x1ba: {  	v8 =	vld [tilespmem:s30+$0x60B0];
	v13 =	vmul.f32 v13, v33;
	v33 =	vadd.f32 v54, v53;
	v54 =	vmul.f32 v25, v16  }
0x1bb: {  	v39 =	vmul.f32 v39, v10;
	v10 =	vld [tilespmem:s30+$0xE0B0]  }
0x1bc: {  	v24 =	vadd.f32 v4, v24;
	v4 =	vld [tilespmem:s30+$0xE110];
	v45 =	vmul.f32 v13, v45;
	v42 =	vmul.f32 v54, v42  }
0x1bd: {  	v28 =	vmul.f32 v56, v28;
	v56 =	vld [tilespmem:s30+$0xC0B0]  }
0x1be: {  	v53 =	vld [tilespmem:s30+$0x60A0];
	v45 =	vmul.f32 v45, v13;
	v42 =	vmul.f32 v42, v54  }
0x1bf: {  	v29 =	vsub.f32 $1.500000000e+00, v29;
	v16 =	vadd.f32 v0, v55;
	v55 =	vld [tilespmem:s30+$0xE0A0]  }
0x1c0: {  	v15 =	vmul.f32 v15, v11;
	v0 =	vld [tilespmem:s30+$0x6090];
	v45 =	vsub.f32 $1.500000000e+00, v45;
	v42 =	vsub.f32 $1.500000000e+00, v42  }
0x1c1: {  	v11 =	vmul.f32 v29, v12;
	v29 =	vmul.f32 v17, v35;
	v35 =	vadd.f32 v58, v57;
	v12 =	vld [tilespmem:s30+$0xE090]  }
0x1c2: {  	v57 =	vadd.f32 v63, v61;
	v63 =	vmul.f32 v42, v54;
	v54 =	vmul.f32 v45, v13;
	v13 =	vld [tilespmem:$0x1FDB0]  }
0x1c3: {  	v36 =	vsub.f32 $1.500000000e+00, v36;
	v25 =	vmul.f32 v39, v32;
	v32 =	vld [tilespmem:s30+$0x6080]  }
0x1c4: {  	v18 =	vmul.f32 v18, v30;
	v58 =	vadd.f32 v1, v62;
	v1 =	vld [tilespmem:s30+$0xE080]  }
0x1c5: {  	v36 =	vmul.f32 v36, v31;
	v62 =	vld [tilespmem:$0x1FC60]  }
0x1c6: {  	v30 =	vmul.f32 v18, v34;
	v34 =	vadd.f32 v43, v9;
	v9 =	vld [tilespmem:s30+$0x6130];
	v29 =	vmul.f32 v29, v17  }
0x1c7: {  	v31 =	vmul.f32 v15, v37;
	v37 =	vadd.f32 v60, v59;
	v45 =	vadd.f32 v13, v5;
	v13 =	vld [tilespmem:$0x1FCE0]  }
0x1c8: {  	v25 =	vmul.f32 v25, v39;
	v43 =	vadd.f32 v7, v16;
	v7 =	vld [tilespmem:s30+$0xE130];
	v59 =	vsub.f32 $1.500000000e+00, v29  }
0x1c9: {  	v49 =	vmul.f32 v49, v49;
	v16 =	vld [tilespmem:s30+$0x61B0]  }
0x1ca: {  	v52 =	vmul.f32 v52, v52;
	v60 =	vsub.f32 $1.500000000e+00, v25;
	v25 =	vld [tilespmem:s30+$0xE1B0];
	v17 =	vmul.f32 v59, v17  }
0x1cb: {  	v30 =	vmul.f32 v30, v18;
	v31 =	vmul.f32 v31, v15;
	v29 =	vld [tilespmem:s30+$0x6120]  }
0x1cc: {  	v38 =	vmul.f32 v36, v38;
	v33 =	vadd.f32 v52, v33;
	v13 =	vmul.f32 v17, v13;
	v17 =	vld [tilespmem:$0x1FCF0]  }
0x1cd: {  	v31 =	vsub.f32 $1.500000000e+00, v31;
	v61 =	vsub.f32 $1.500000000e+00, v30;
	v30 =	vld [tilespmem:s30+$0xE120]  }
0x1ce: {  	v38 =	vmul.f32 v38, v36;
	v33 =	vadd.f32 v49, v33;
	v49 =	vld [tilespmem:s30+$0x41A0]  }
0x1cf: {  	v39 =	vmul.f32 v60, v39;
	v15 =	vmul.f32 v31, v15;
	v31 =	vld [tilespmem:s30+$0x61A0]  }
0x1d0: {  	v10 =	vsub.f32 v8, v10;
	v8 =	vmul.f32 v8, v8;
	v59 =	vmul.f32 v40, v23;
	v23 =	vld [tilespmem:$0x1FCB0]  }
0x1d1: {  	p2 =	por !p2, !p2;
	s0 =	simm.s32 $0x1;
	v38 =	vsub.f32 $1.500000000e+00, v38;
	v17 =	vmul.f32 v39, v17;
	v39 =	vadd.f32 v3, v14;
	v3 =	vld [tilespmem:$0x1FD00]  }
0x1d2: {  	s0 =	simm.s32 @!p2 $0x0;
	v1 =	vsub.f32 v32, v1;
	[tilespmem:$0x1FD50] =	vst v8;
	v8 =	vld [tilespmem:s30+$0xC100]  }
0x1d3: {  	s0 =	sshll.u32 s0, $0x6;
	v41 =	vmul.f32 v11, v41;
	v36 =	vmul.f32 v38, v36;
	v38 =	vadd.f32 v19, v6;
	v19 =	vld [tilespmem:$0x1FD10]  }
0x1d4: {  	s2 =	sadd.s32 s0, s28;
	v12 =	vsub.f32 v0, v12;
	v18 =	vmul.f32 v61, v18;
	v1 =	vmul.f32 v1, v1;
	v14 =	vld [tilespmem:$0x1FD20]  }
0x1d5: {  	s31 =	sor.u32 $0x2200, s2;
	v41 =	vmul.f32 v41, v11;
	v6 =	vld [tilespmem:s30+$0xE1A0]  }
0x1d6: {  	s0 =	sor.u32 $0x200, s2;
	[tilespmem:$0x1FC40] =	vst v1;
	v1 =	vmul.f32 v12, v12;
	v12 =	vld [tilespmem:s31+$0xC000];
	v18 =	vmul.f32 v18, v3  }
0x1d7: {  	v38 =	vmul.f32 v38, v48;
	v48 =	vld [tilespmem:s0+$0xC000]  }
0x1d8: {  	v41 =	vsub.f32 $1.500000000e+00, v41;
	v21 =	vadd.f32 v18, v18;
	v18 =	vld [tilespmem:$0x1FD40]  }
0x1d9: {  	v15 =	vmul.f32 v15, v19;
	v20 =	vmul.f32 v36, v14;
	v36 =	vadd.f32 v17, v17;
	v17 =	vld [tilespmem:$0x1FD30]  }
0x1da: {  	v5 =	vld [tilespmem:s30+$0x6110]  }
0x1db: {  	v11 =	vmul.f32 v41, v11;
	v41 =	vadd.f32 v15, v15;
	v15 =	vld [tilespmem:s30+$0xE100]  }
0x1dc: {  	v45 =	vmul.f32 v45, v51;
	v51 =	vld [tilespmem:s30+$0xC1A0]  }
0x1dd: {  	v19 =	vmul.f32 v63, v22;
	v22 =	vmul.f32 v54, v18;
	v54 =	vadd.f32 v20, v20;
	v20 =	vld [tilespmem:$0x1FCD0]  }
0x1de: {  	v3 =	vld [tilespmem:s30+$0x6190];
	v11 =	vmul.f32 v11, v17  }
0x1df: {  	v14 =	vld [tilespmem:s30+$0xE190]  }
0x1e0: {  	v19 =	vadd.f32 v19, v19;
	v11 =	vadd.f32 v11, v11;
	v18 =	vld [tilespmem:$0x1FDC0]  }
0x1e1: {  	v36 =	vsub.f32 v62, v36;
	v62 =	vld [tilespmem:$0x1FE00]  }
0x1e2: {  	v11 =	vsub.f32 v23, v11;
	v23 =	vld [tilespmem:$0x1FC70];
	v19 =	vsub.f32 v20, v19  }
0x1e3: {  	v17 =	vadd.f32 v13, v13;
	v13 =	vld [tilespmem:s30+$0x6100]  }
0x1e4: {  	v58 =	vadd.f32 v19, v58;
	v19 =	vld [tilespmem:$0x1FCC0]  }
0x1e5: {  	v42 =	vmul.f32 v18, v18;
	v18 =	vld [tilespmem:s30+$0x6180]  }
0x1e6: {  	v20 =	vld [tilespmem:s30+$0xE180]  }
0x1e7: {  	v22 =	vadd.f32 v22, v22;
	v23 =	vsub.f32 v23, v17;
	v17 =	vld [tilespmem:s30+$0x4030]  }
0x1e8: {  	v11 =	vadd.f32 v11, v58;
	v58 =	vld [tilespmem:$0x1FC80]  }
0x1e9: {  	v61 =	vsub.f32 v19, v22;
	v22 =	vld [tilespmem:$0x1FC90]  }
0x1ea: {  	v42 =	vadd.f32 v42, v43;
	v43 =	vld [tilespmem:s30+$0xC090];
	v11 =	vmul.f32 $5.000000000e+00, v11  }
0x1eb: {  	v19 =	vld [tilespmem:$0x1FDE0]  }
0x1ec: {  	v11 =	vadd.f32 v11, v59;
	v59 =	vld [tilespmem:$0x1FDD0]  }
0x1ed: {  	v57 =	vadd.f32 v61, v57;
	v61 =	vsub.f32 v58, v21;
	v21 =	vld [tilespmem:s30+$0x4020]  }
0x1ee: {  	v0 =	vmul.f32 v0, v0;
	v41 =	vsub.f32 v22, v41;
	v22 =	vld [tilespmem:$0x1FCA0]  }
0x1ef: {  	v58 =	vld [tilespmem:$0x1FD70]  }
0x1f0: {  	[tilespmem:$0x1FD70] =	vst v0;
	v0 =	vld [tilespmem:s30+$0x4080];
	v35 =	vadd.f32 v61, v35  }
0x1f1: {  	v60 =	vmul.f32 v46, v46;
	v46 =	vmul.f32 v19, v19;
	v19 =	vld [tilespmem:s30+$0xC030]  }
0x1f2: {  	v7 =	vsub.f32 v9, v7;
	v35 =	vadd.f32 v36, v35;
	v36 =	vld [tilespmem:s30+$0xC010]  }
0x1f3: {  	v26 =	vmul.f32 v2, v26;
	v41 =	vadd.f32 v41, v57;
	v57 =	vld [tilespmem:s30+$0xC020];
	v54 =	vsub.f32 v22, v54  }
0x1f4: {  	v61 =	vmul.f32 v59, v59;
	v39 =	vadd.f32 v46, v39;
	v46 =	vld [tilespmem:$0x1FD60];
	v35 =	vmul.f32 $5.000000000e+00, v35  }
0x1f5: {  	v16 =	vsub.f32 v16, v25;
	v63 =	vmul.f32 $5.000000000e+00, v41;
	v37 =	vadd.f32 v54, v37;
	v54 =	vld [tilespmem:$0x1FD80]  }
0x1f6: {  	v24 =	vadd.f32 v61, v24;
	v61 =	vld [tilespmem:s30+$0x4190];
	v27 =	vadd.f32 v35, v27  }
0x1f7: {  	v41 =	vld [tilespmem:s30+$0xC0A0];
	v26 =	vadd.f32 v63, v26;
	v2 =	vadd.f32 v23, v37  }
0x1f8: {  	v6 =	vsub.f32 v31, v6;
	v63 =	vld [tilespmem:$0x1FDF0];
	v27 =	vadd.f32 v27, v47  }
0x1f9: {  	v4 =	vsub.f32 v5, v4;
	v26 =	vadd.f32 v26, v58;
	v58 =	vld [tilespmem:s30+$0xC130];
	v52 =	vmul.f32 $5.000000000e+00, v2  }
0x1fa: {  	v24 =	vadd.f32 v27, v24;
	v27 =	vld [tilespmem:$0x1FDA0];
	v11 =	vadd.f32 v11, v54  }
0x1fb: {  	v10 =	vmul.f32 v10, v10;
	v3 =	vsub.f32 v3, v14;
	v28 =	vadd.f32 v52, v28;
	v52 =	vld [tilespmem:s30+$0x4130]  }
0x1fc: {  	vm7 =	veq.f32 v48, $0.0e+00;
	v14 =	vadd.f32 v51, v49;
	v35 =	vld [tilespmem:s30+$0x41B0];
	v11 =	vadd.f32 v11, v42  }
0x1fd: {  	v34 =	vmul.f32 v34, v62;
	v26 =	vadd.f32 v26, v33;
	v54 =	vld [tilespmem:$0x1FC50];
	v28 =	vadd.f32 v28, v46  }
0x1fe: {  	v62 =	vsub.f32 v53, v55;
	v13 =	vsub.f32 v13, v15;
	v33 =	vld [tilespmem:s30+$0xC1B0];
	v11 =	vmul.f32 v11, v63  }
0x1ff: {  	v26 =	vmul.f32 v26, v50;
	v27 =	vadd.f32 v27, v60;
	v60 =	vld [tilespmem:$0x1FE10];
	v28 =	vadd.f32 v28, v39  }
0x200: {  	[tilespmem:$0x1FC70] =	vst v14;
	v55 =	vmul.f32 v13, v13;
	v2 =	vld [tilespmem:s30+$0x4010];
	v11 =	vadd.f32 v11, v34;
	v14 =	vadd.f32 v58, v52  }
0x201: {  	v15 =	vsub.f32 v18, v20;
	v22 =	vld [tilespmem:s30+$0x40B0];
	v26 =	vadd.f32 v26, v45;
	v46 =	vimm.f32 $0.0e+00  }
0x202: {  	v59 =	vsel vm0, $0x3F800000, v46;
	v28 =	vmul.f32 v28, v44;
	v11 =	vadd.f32 v11, v54;
	[tilespmem:$0x1FC80] =	vst v14;
	v14 =	vld [tilespmem:s30+$0x4100]  }
0x203: {  	v17 =	vsub.f32 v17, v19;
	v31 =	vsub.f32 v21, v57;
	v23 =	vld [tilespmem:s30+$0x40A0];
	v24 =	vmul.f32 v24, v59  }
0x204: {  	v37 =	vld [tilespmem:s30+$0x4090];
	v27 =	vmul.f32 v27, v60;
	v11 =	vadd.f32 v26, v11;
	v26 =	vadd.f32 v28, v38  }
0x205: {  	v57 =	vmul.f32 v17, v17;
	v25 =	vadd.f32 v33, v35;
	v2 =	vsub.f32 v2, v36;
	v28 =	vld [tilespmem:s30+$0xC190]  }
0x206: {  	v63 =	vld [tilespmem:s30+$0x4120];
	v59 =	vmul.f32 v31, v31;
	v24 =	vadd.f32 v24, v27;
	v11 =	vadd.f32 v26, v11  }
0x207: {  	v34 =	vmul.f32 v51, v49;
	v20 =	vmul.f32 v58, v52;
	v26 =	vld [tilespmem:s30+$0xC120];
	v21 =	vadd.f32 v8, v14  }
0x208: {  	[tilespmem:$0x1FC60] =	vst v25;
	v25 =	vld [tilespmem:s30+$0xC110];
	v54 =	vmul.f32 v3, v3;
	v9 =	vadd.f32 v24, v11;
	v11 =	vsub.f32 v29, v30  }
0x209: {  	[tilespmem:$0x1FDB0] =	vst v1;
	v24 =	vld [tilespmem:s30+$0x4110];
	v30 =	vsub.f32 v22, v56;
	v22 =	vmul.f32 v8, v14;
	v14 =	vmul.f32 v62, v62  }
0x20a: {  	v29 =	vld [tilespmem:s30+$0xC080];
	v18 =	vadd.f32 v28, v61;
	v40 =	vmul.f32 v28, v61;
	[tilespmem:$0x1FCD0] =	vst v21;
	v61 =	vmul.f32 v2, v2  }
0x20b: {  	v27 =	vld [tilespmem:s30+$0x4180];
	v28 =	vsub.f32 v23, v41;
	[tilespmem:$0x1FD90] =	vst v14;
	v14 =	vmul.f32 v11, v11;
	v58 =	vmul.f32 v30, v30  }
0x20c: {  	v23 =	vld [tilespmem:s0+$0x4000];
	v42 =	vmul.f32 $5.000000000e-01, v22;
	[tilespmem:$0x1FC90] =	vst v18;
	v18 =	vadd.f32 v26, v63;
	v21 =	vmul.f32 v26, v63  }
0x20d: {  	[tilespmem:$0x1FC50] =	vst v9;
	v9 =	vld [tilespmem:s30+$0xC180];
	v26 =	vsub.f32 v37, v43;
	v60 =	vmul.f32 v28, v28;
	v37 =	vmul.f32 $5.000000000e-01, v40  }
0x20e: {  	v5 =	vld [tilespmem:s30+$0x4000];
	v11 =	vshra.s32 v40, $0x1;
	[tilespmem:$0x1FCA0] =	vst v18;
	v18 =	vmul.f32 v53, v53;
	v50 =	vmul.f32 v25, v24  }
0x20f: {  	s11 =	sor.u32 $0x2280, s2;
	[tilespmem:$0x1FDA0] =	vst v10;
	v10 =	vld [tilespmem:s31+$0x4000];
	s0 =	sadd.s32 $0x30, s2;
	v1 =	vsub.f32 v0, v29;
	v29 =	vmul.f32 v16, v16;
	v53 =	vmul.f32 v4, v4  }
0x210: {  	v8 =	vld [tilespmem:s11+$0xC000];
	s22 =	sor.u32 $0x2280, s0;
	v11 =	vsub.s32 $0x5F3759DF, v11;
	v0 =	vmul.f32 v15, v15;
	v63 =	vmul.f32 v26, v26  }
0x211: {  	v2 =	vld [tilespmem:s22+$0xC000];
	[tilespmem:$0x1FD10] =	vst v40;
	v15 =	vshra.s32 v21, $0x1;
	v38 =	vmul.f32 $5.000000000e-01, v21;
	v40 =	vmul.f32 v11, v37  }
0x212: {  	v3 =	vsub.f32 v23, v48;
	[tilespmem:$0x1FD60] =	vst v18;
	v18 =	vld [tilespmem:s30+$0xC000];
	v19 =	vadd.f32 v9, v27;
	v49 =	vmul.f32 v9, v27  }
0x213: {  	v9 =	vld [tilespmem:s11+$0x4000];
	s11 =	sor.u32 $0x200, s0;
	v1 =	vmul.f32 v1, v1;
	v17 =	vshra.s32 v50, $0x1;
	v45 =	vmul.f32 $5.000000000e-01, v50  }
0x214: {  	v4 =	vld [tilespmem:s11+$0xC000];
	v17 =	vsub.s32 $0x5F3759DF, v17;
	[tilespmem:$0x1FCB0] =	vst v19;
	v19 =	vmul.f32 v32, v32;
	v16 =	vshra.s32 v49, $0x1  }
0x215: {  	s0 =	sor.u32 $0x2200, s0;
	v27 =	vld [tilespmem:s11+$0x4000];
	v41 =	vmul.f32 $5.000000000e-01, v49;
	v51 =	vmul.f32 v17, v45;
	v16 =	vsub.s32 $0x5F3759DF, v16  }
0x216: {  	s30 =	sadd.s32 $0x10, s2;
	v13 =	vld [tilespmem:s0+$0x4000];
	[tilespmem:$0x1FD80] =	vst v19;
	v19 =	vadd.f32 v25, v24;
	v24 =	vmul.f32 v7, v7;
	v25 =	vmul.f32 v6, v6  }
0x217: {  	s31 =	sadd.s32 $0x20, s2;
	s2 =	sor.u32 $0x200, s30;
	v30 =	vld [tilespmem:s0+$0xC000];
	v7 =	vsub.f32 v10, v12;
	v10 =	vshra.s32 v34, $0x1;
	v12 =	vshra.s32 v20, $0x1  }
0x218: {  	[tilespmem:$0x1FD40] =	vst v50;
	v26 =	vld [tilespmem:s2+$0x4000];
	v50 =	vmul.f32 v16, v41;
	v5 =	vsub.f32 v5, v18;
	v6 =	vsub.f32 v9, v8  }
0x219: {  	v8 =	vld [tilespmem:s22+$0x4000];
	v18 =	vshra.s32 v22, $0x1;
	[tilespmem:$0x1FCC0] =	vst v19;
	v19 =	vmul.f32 v33, v35;
	v35 =	vmul.f32 $5.000000000e-01, v34  }
0x21a: {  	s12 =	sor.u32 $0x200, s31;
	[tilespmem:$0x1FCE0] =	vst v34;
	v12 =	vsub.s32 $0x5F3759DF, v12;
	v34 =	vmul.f32 $5.000000000e-01, v20;
	v62 =	vmul.f32 v5, v5;
	v5 =	vld [tilespmem:s2+$0xC000]  }
0x21b: {  	[tilespmem:$0x1FD00] =	vst v20;
	v28 =	vld [tilespmem:s12+$0x4000];
	s11 =	sor.u32 $0x2280, s31;
	vm0 =	vgt.f32 v4, $0.0e+00;
	vm5 =	veq.f32 v4, $0.0e+00;
	v20 =	vsub.f32 v27, v4  }
0x21c: {  	v31 =	vld [tilespmem:s11+$0x4000];
	v4 =	vsel vm7, $0x3F000000, v46;
	v7 =	vmul.f32 v7, v7;
	v18 =	vsub.s32 $0x5F3759DF, v18  }
0x21d: {  	[tilespmem:$0x1FDC0] =	vst v6;
	v6 =	vld [tilespmem:s12+$0xC000];
	v52 =	vmul.f32 v18, v42;
	v9 =	vshra.s32 v19, $0x1;
	v32 =	vmul.f32 $5.000000000e-01, v19  }
0x21e: {  	s12 =	sor.u32 $0x2200, s31;
	v2 =	vsub.f32 v8, v2;
	v8 =	vsub.f32 v13, v30;
	v13 =	vsub.s32 $0x5F3759DF, v15;
	v15 =	vld [tilespmem:s11+$0xC000]  }
0x21f: {  	[tilespmem:$0x1FE00] =	vst v4;
	vm2 =	vgt.f32 v5, $0.0e+00;
	vm1 =	veq.f32 v5, $0.0e+00;
	v4 =	vsub.f32 v26, v5;
	v5 =	vld [tilespmem:s12+$0x4000]  }
0x220: {  	[tilespmem:$0x1FDD0] =	vst v2;
	v2 =	vsub.s32 $0x5F3759DF, v10;
	v10 =	vsub.s32 $0x5F3759DF, v9;
	v9 =	vmul.f32 v3, v3;
	v3 =	vld [tilespmem:s12+$0xC000]  }
0x221: {  	vm6 =	vgt.f32 v48, $0.0e+00;
	s22 =	sor.u32 $0x2280, s30;
	v39 =	vmul.f32 v12, v34;
	v52 =	vmul.f32 v18, v52  }
0x222: {  	v33 =	vld [tilespmem:s22+$0x4000];
	vm3 =	vgt.f32 v6, $0.0e+00;
	vm4 =	veq.f32 v6, $0.0e+00;
	v6 =	vsub.f32 v28, v6  }
0x223: {  	v43 =	vadd.f32 v23, v23;
	v44 =	vld [tilespmem:s22+$0xC000];
	v56 =	vmul.f32 v13, v38;
	v30 =	vmul.f32 v10, v32  }
0x224: {  	v47 =	vadd.f32 v27, v27;
	v36 =	vmul.f32 v2, v35;
	v6 =	vmul.f32 v6, v6  }
0x225: {  	v3 =	vsub.f32 v5, v3;
	v5 =	vmul.f32 v4, v4;
	v4 =	vsub.f32 v31, v15  }
0x226: {  	v24 =	vadd.f32 v29, v24;
	v15 =	vmul.f32 v2, v36;
	v31 =	vmul.f32 v11, v40  }
0x227: {  	v14 =	vadd.f32 v25, v14;
	v36 =	vmul.f32 v13, v56;
	[tilespmem:$0x1FDE0] =	vst v4;
	v4 =	vmul.f32 v8, v8  }
0x228: {  	[tilespmem:$0x1FD30] =	vst v49;
	v49 =	vsub.f32 v33, v44;
	v8 =	vmul.f32 v10, v30;
	v30 =	vmul.f32 v12, v39  }
0x229: {  	s31 =	sor.u32 $0x2200, s30;
	v39 =	vmul.f32 v16, v50;
	v15 =	vsub.f32 $1.500000000e+00, v15;
	v31 =	vsub.f32 $1.500000000e+00, v31  }
0x22a: {  	v33 =	vld [tilespmem:s31+$0x4000];
	v36 =	vsub.f32 $1.500000000e+00, v36;
	v44 =	vsub.f32 $1.500000000e+00, v8;
	v8 =	vmul.f32 v17, v51  }
0x22b: {  	v40 =	vld [tilespmem:s31+$0xC000];
	v3 =	vmul.f32 v3, v3;
	v30 =	vsub.f32 $1.500000000e+00, v30;
	v39 =	vsub.f32 $1.500000000e+00, v39  }
0x22c: {  	v11 =	vmul.f32 v11, v31;
	v31 =	vmul.f32 v13, v36;
	v50 =	vsub.f32 $1.500000000e+00, v8  }
0x22d: {  	v8 =	vmul.f32 v2, v15;
	v10 =	vmul.f32 v10, v44;
	v2 =	vsub.f32 $1.500000000e+00, v52  }
0x22e: {  	[tilespmem:$0x1FCF0] =	vst v19;
	v19 =	vsel vm6, $0x3F800000, v46;
	v30 =	vmul.f32 v12, v30;
	v12 =	vmul.f32 v16, v39  }
0x22f: {  	v48 =	vsel vm4, $0x3F000000, v46;
	v39 =	vmul.f32 v31, v38;
	v16 =	vmul.f32 v18, v2  }
0x230: {  	v52 =	vsub.f32 v33, v40;
	v33 =	vmul.f32 v17, v50;
	v13 =	vmul.f32 v8, v35  }
0x231: {  	v15 =	vmul.f32 v10, v32;
	v17 =	vsel vm5, $0x3F000000, v46;
	v18 =	vmul.f32 v30, v34  }
0x232: {  	s26 =	sadd.s32 $0x4, s26;
	v51 =	vsel vm1, $0x3F000000, v46;
	v36 =	vmul.f32 v12, v41;
	[tilespmem:$0x1FE10] =	vst v17;
	v17 =	vmul.f32 v11, v37  }
0x233: {  	p3 =	slt.u32 s26, $0x3C;
	[tilespmem:$0x1FDF0] =	vst v19;
	v44 =	vsel vm3, $0x3F800000, v46;
	v40 =	vmul.f32 v16, v42;
	v19 =	vmul.f32 v33, v45  }
.Ltmp3:
0x234: {  	v50 =	vsel vm2, $0x3F800000, v46;
	v46 =	vmovc v20;
	v20 =	vmul.f32 v13, v8;
	v15 =	vmul.f32 v15, v10;
	(pc) =	sbr.rel @p3 .LBB2_5-.Ltmp3, $4  }
0x235: {  	v56 =	vadd.f32 v28, v28;
	v18 =	vmul.f32 v18, v30;
	v29 =	vmul.f32 v36, v12  }
0x236: {  	[tilespmem:$0x1FD20] =	vst v21;
	v2 =	vadd.f32 v26, v26;
	v36 =	vmul.f32 v39, v31;
	v21 =	vmul.f32 v17, v11  }
0x237: {  	v13 =	vmul.f32 v19, v33;
	v17 =	vsub.f32 $1.500000000e+00, v20;
	v39 =	vsub.f32 $1.500000000e+00, v15  }
0x238: {  	s29 =	sadd.s32 $0x40, s29;
	s28 =	sadd.s32 $0x200, s28;
	v25 =	vmul.f32 v40, v16;
	v18 =	vsub.f32 $1.500000000e+00, v18;
	v15 =	vsub.f32 $1.500000000e+00, v21;
	v40 =	vmovc v43;
	v43 =	vld [tilespmem:$0x1FC40]  }
0x239: {  	v10 =	vmul.f32 v39, v10  }
0x23a: {  	v8 =	vmul.f32 v17, v8;
	v36 =	vsub.f32 $1.500000000e+00, v36;
	v19 =	vsub.f32 $1.500000000e+00, v29  }
0x23b: {  	v13 =	vsub.f32 $1.500000000e+00, v13;
	v0 =	vadd.f32 v0, v55;
	v2 =	vmul.f32 v2, v26  }
0x23c: {  	v17 =	vadd.f32 v58, v57;
	v18 =	vmul.f32 v18, v30;
	v11 =	vmul.f32 v15, v11  }
0x23d: {  	v39 =	vsub.f32 $1.500000000e+00, v25;
	v15 =	vmul.f32 v36, v31;
	v12 =	vmul.f32 v19, v12  }
0x23e: {  	v20 =	vadd.f32 v60, v59;
	v13 =	vmul.f32 v13, v33;
	v21 =	vmul.f32 v8, v35  }
0x23f: {  	v29 =	vadd.f32 v63, v61;
	v57 =	vmul.f32 v10, v32;
	v16 =	vmul.f32 v39, v16  }
0x240: {  	v19 =	vadd.f32 v54, v53;
	v58 =	vmul.f32 v11, v37;
	v54 =	vmul.f32 v18, v34  }
0x241: {  	v1 =	vadd.f32 v1, v62;
	v55 =	vld [tilespmem:$0x1FD10];
	v59 =	vmul.f32 v15, v38;
	v60 =	vmul.f32 v12, v41  }
0x242: {  	v4 =	vadd.f32 v4, v24;
	v24 =	vld [tilespmem:$0x1FC70];
	v21 =	vmul.f32 v21, v8;
	v62 =	vmul.f32 v13, v45  }
0x243: {  	v3 =	vadd.f32 v3, v14;
	v53 =	vld [tilespmem:$0x1FD30];
	v61 =	vmul.f32 v16, v42;
	v25 =	vmul.f32 v58, v11  }
0x244: {  	v32 =	vld [tilespmem:$0x1FC90];
	v9 =	vadd.f32 v43, v9;
	v58 =	vmul.f32 v54, v18;
	v31 =	vmul.f32 v60, v12  }
0x245: {  	v43 =	vld [tilespmem:$0x1FDB0];
	v21 =	vsub.f32 $1.500000000e+00, v21;
	v30 =	vmul.f32 v59, v15;
	v35 =	vmul.f32 v62, v13  }
0x246: {  	v45 =	vld [tilespmem:$0x1FCE0];
	v60 =	vmul.f32 v57, v10;
	v33 =	vmul.f32 v61, v16;
	v25 =	vsub.f32 $1.500000000e+00, v25  }
0x247: {  	v42 =	vld [tilespmem:$0x1FD90];
	v14 =	vsub.f32 $1.500000000e+00, v58;
	v8 =	vmul.f32 v21, v8;
	v63 =	vsub.f32 $1.500000000e+00, v31  }
0x248: {  	v34 =	vld [tilespmem:$0x1FCA0];
	v37 =	vsub.f32 $1.500000000e+00, v30;
	v38 =	vsub.f32 $1.500000000e+00, v35;
	v35 =	vmul.f32 v40, v23  }
0x249: {  	v61 =	vld [tilespmem:$0x1FD40];
	v36 =	vsub.f32 $1.500000000e+00, v33;
	v11 =	vmul.f32 v25, v11;
	v14 =	vmul.f32 v14, v18  }
0x24a: {  	v0 =	vadd.f32 v7, v0;
	v59 =	vld [tilespmem:$0x1FCD0];
	v39 =	vmul.f32 v63, v12;
	v15 =	vmul.f32 v37, v15  }
0x24b: {  	v30 =	vld [tilespmem:$0x1FD00];
	v5 =	vadd.f32 v43, v5;
	v13 =	vmul.f32 v38, v13;
	v41 =	vmul.f32 v36, v16  }
0x24c: {  	v62 =	vld [tilespmem:$0x1FCB0];
	v6 =	vadd.f32 v42, v6;
	v8 =	vmul.f32 v8, v45;
	v11 =	vmul.f32 v11, v55  }
0x24d: {  	v63 =	vld [tilespmem:$0x1FD20];
	v16 =	vsub.f32 $1.500000000e+00, v60;
	v7 =	vmul.f32 v39, v53;
	v12 =	vmul.f32 v41, v22  }
0x24e: {  	v31 =	vld [tilespmem:$0x1FCC0];
	v8 =	vadd.f32 v8, v8;
	v13 =	vmul.f32 v13, v61;
	v11 =	vadd.f32 v11, v11  }
0x24f: {  	v33 =	vld [tilespmem:$0x1FCF0];
	v39 =	vmul.f32 v52, v52;
	v7 =	vadd.f32 v7, v7;
	v12 =	vadd.f32 v12, v12  }
0x250: {  	v37 =	vld [tilespmem:$0x1FC80];
	v14 =	vmul.f32 v14, v30;
	v8 =	vsub.f32 v24, v8;
	v13 =	vadd.f32 v13, v13  }
0x251: {  	v54 =	vld [tilespmem:$0x1FE00];
	v43 =	vmul.f32 v49, v49;
	v42 =	vadd.f32 v39, v19;
	v12 =	vsub.f32 v59, v12  }
0x252: {  	v15 =	vmul.f32 v15, v63;
	v11 =	vsub.f32 v32, v11;
	v14 =	vadd.f32 v14, v14  }
0x253: {  	v10 =	vmul.f32 v16, v10;
	v41 =	vld [tilespmem:$0x1FDC0];
	v7 =	vsub.f32 v62, v7;
	v1 =	vadd.f32 v12, v1  }
0x254: {  	v49 =	vmul.f32 v47, v27;
	v38 =	vld [tilespmem:$0x1FC60];
	v13 =	vsub.f32 v31, v13;
	v25 =	vadd.f32 v15, v15  }
0x255: {  	v10 =	vmul.f32 v10, v33;
	v14 =	vsub.f32 v37, v14;
	v1 =	vadd.f32 v7, v1  }
0x256: {  	v45 =	vld [tilespmem:$0x1FD80];
	v9 =	vmul.f32 v9, v54;
	v13 =	vadd.f32 v13, v29;
	v12 =	vsub.f32 v34, v25  }
0x257: {  	v57 =	vld [tilespmem:$0x1FD60];
	v10 =	vadd.f32 v10, v10;
	v40 =	vadd.f32 v14, v17;
	v1 =	vmul.f32 $5.000000000e+00, v1  }
0x258: {  	v52 =	vld [tilespmem:$0x1FDE0];
	v14 =	vmul.f32 v41, v41;
	v11 =	vadd.f32 v11, v13;
	v12 =	vadd.f32 v12, v20  }
0x259: {  	v36 =	vmul.f32 v56, v28;
	v53 =	vld [tilespmem:$0x1FD70];
	v10 =	vsub.f32 v38, v10;
	v1 =	vadd.f32 v1, v35  }
0x25a: {  	v56 =	vld [tilespmem:$0x1FDD0];
	v0 =	vadd.f32 v14, v0;
	v11 =	vmul.f32 $5.000000000e+00, v11;
	v8 =	vadd.f32 v8, v12  }
0x25b: {  	v55 =	vld [tilespmem:$0x1FDF0];
	v5 =	vmul.f32 v5, v51;
	v10 =	vadd.f32 v10, v40;
	v1 =	vadd.f32 v1, v45  }
0x25c: {  	v58 =	vld [tilespmem:$0x1FD50];
	v7 =	vadd.f32 v43, v42;
	v2 =	vadd.f32 v11, v2;
	v8 =	vmul.f32 $5.000000000e+00, v8  }
0x25d: {  	v12 =	vmul.f32 v52, v52;
	v0 =	vadd.f32 v1, v0;
	v1 =	vmul.f32 $5.000000000e+00, v10  }
0x25e: {  	v60 =	vld [tilespmem:$0x1FDA0];
	v6 =	vmul.f32 v6, v48;
	v2 =	vadd.f32 v2, v53;
	v8 =	vadd.f32 v8, v36  }
0x25f: {  	v61 =	vld [tilespmem:$0x1FC50];
	v3 =	vadd.f32 v12, v3;
	v10 =	vmul.f32 v56, v56;
	v1 =	vadd.f32 v1, v49  }
0x260: {  	v62 =	vld [tilespmem:$0x1FE10];
	v2 =	vadd.f32 v2, v7;
	v7 =	vadd.f32 v8, v57;
	v0 =	vmul.f32 v0, v55  }
0x261: {  	v59 =	vmul.f32 v46, v46;
	v4 =	vadd.f32 v10, v4;
	v1 =	vadd.f32 v1, v58  }
0x262: {  	v2 =	vmul.f32 v2, v50;
	v3 =	vadd.f32 v7, v3;
	v0 =	vadd.f32 v0, v9  }
0x263: {  	v63 =	vimm.f32 $0.0e+00;
	v1 =	vadd.f32 v1, v4;
	v4 =	vadd.f32 v60, v59  }
0x264: {  	v2 =	vadd.f32 v2, v5;
	v3 =	vmul.f32 v3, v44;
	v0 =	vadd.f32 v0, v61  }
0x265: {  	v5 =	vsel vm0, $0x3F800000, v63;
	v4 =	vmul.f32 v4, v62  }
0x266: {  	v0 =	vadd.f32 v2, v0;
	v2 =	vadd.f32 v3, v6;
	v1 =	vmul.f32 v1, v5;
	_ =	sdelay $0x1  }
.Ltmp4:
0x267: {  	v0 =	vadd.f32 v2, v0;
	v1 =	vadd.f32 v1, v4;
	(pc) =	sbr.rel @p1 .LBB2_8-.Ltmp4, $3  }
0x268: {  	_ = 	snop  }
0x269: {  	v0 =	vadd.f32 v1, v0;
	_ =	sdelay $0x1  }
0x26a: {  	[tilespmem:$0x1FFF0] =	vst v0  }
0x26b: {  	s0 =	sshll.u32 s25, $0xF  }
0x26c: {  	s0 =	sadd.s32 s0, s10  }
.Ltmp5:
0x26d: {  	s0 =	sshrl.u32 s0, $0x3;
	(pc) =	sbr.rel .LBB2_2-.Ltmp5, $4  }
0x26e: {  	s2 =	sadd.s32 s1, s0  }
0x26f: {  	[tilespmem:s16], [sflag:$0x2] =	stream.linear.gather [hbm4b:s2+s4], $0x4000, $0x38;
	[tilespmem:$0x10080] =	vst v63  }
0x270: {  	s25 =	sadd.s32 $0x1, s25;
	s0 =	sadd.s32 s3, s0  }
0x271: {  	[tilespmem:s17], [sflag:$0x4] =	stream.linear.gather [hbm4b:s0+s4], $0x4000, $0x38;
	[tilespmem:$0x10080] =	vst v63  }
.LBB2_8:
.Ltmp6:
0x272: {  	(pc) =	sbr.rel @p0 .LBB2_12-.Ltmp6, $1  }
0x273: {  	_ =	sdelay $0x3  }
0x274: {  	s0 =	simm.s32 $0x0;
	s2 =	rddreg [dreg:$0x4]  }
0x275: {  	[tilespmem:s0], [sflag:$0x1] =	stream.linear.gather [hbm4b:s2+s0], $0x4000, $0x38;
	[tilespmem:$0x10080] =	vst v63  }
0x276: {  	s22 =	rddreg [dreg:$0x5]  }
0x277: {  	[tilespmem:s15], [sflag:$0x3] =	stream.linear.gather [hbm4b:s22+s0], $0x4000, $0x38;
	[tilespmem:$0x10080] =	vst v63  }
0x278: {  	_ =	swait.ge [sflag:s18], $0x4000  }
0x279: {  	[sflag:s18] =	ssyncset.done $0x0  }
0x27a: {  	[sflag:s18] =	ssyncadd.s32 $0xFFFFC000  }
0x27b: {  	_ =	swait.ge [sflag:s19], $0x4000  }
0x27c: {  	s25 =	sand.u32 $0x40, s0;
	s0 =	sand.u32 $0x1C00, s0;
	[sflag:s19] =	ssyncset.done $0x0  }
0x27d: {  	s25 =	sor.u32 s25, s0;
	[sflag:s19] =	ssyncadd.s32 $0xFFFFC000  }
0x27e: {  	v0 =	vld [tilespmem:s25+$0x20B0]  }
0x27f: {  	v1 =	vld [tilespmem:s25+$0x2130]  }
0x280: {  	v2 =	vld [tilespmem:s25+$0xA130]  }
0x281: {  	v3 =	vld [tilespmem:s25+$0x21B0]  }
0x282: {  	v4 =	vld [tilespmem:s25+$0xA1B0]  }
0x283: {  	v5 =	vld [tilespmem:s25+$0x2120]  }
0x284: {  	v6 =	vld [tilespmem:s25+$0xA120]  }
0x285: {  	v8 =	vld [tilespmem:s25+$0x21A0]  }
0x286: {  	v9 =	vld [tilespmem:s25+$0xA1A0]  }
0x287: {  	v11 =	vld [tilespmem:s25+$0x2110]  }
0x288: {  	v12 =	vld [tilespmem:s25+$0xA110]  }
0x289: {  	v13 =	vld [tilespmem:s25+$0x2190]  }
0x28a: {  	v14 =	vld [tilespmem:s25+$0xA190]  }
0x28b: {  	v15 =	vld [tilespmem:s25+$0x2100]  }
0x28c: {  	v16 =	vld [tilespmem:s25+$0xA100]  }
0x28d: {  	v17 =	vld [tilespmem:s25+$0x2180]  }
0x28e: {  	v18 =	vld [tilespmem:s25+$0xA180]  }
0x28f: {  	v19 =	vld [tilespmem:s25+$0x30]  }
0x290: {  	v20 =	vld [tilespmem:s25+$0x8030]  }
0x291: {  	v21 =	vld [tilespmem:s25+$0xB0]  }
0x292: {  	v22 =	vld [tilespmem:s25+$0x80B0]  }
0x293: {  	v23 =	vld [tilespmem:s25+$0x20]  }
0x294: {  	v25 =	vld [tilespmem:s25+$0x8020]  }
0x295: {  	v26 =	vld [tilespmem:s25+$0x1B0]  }
0x296: {  	v27 =	vld [tilespmem:s25+$0x81B0]  }
0x297: {  	v28 =	vld [tilespmem:s25+$0x1A0]  }
0x298: {  	v29 =	vld [tilespmem:s25+$0x81A0]  }
0x299: {  	v30 =	vld [tilespmem:s25+$0x130]  }
0x29a: {  	v31 =	vld [tilespmem:s25+$0x8130]  }
0x29b: {  	v32 =	vld [tilespmem:s25+$0x190]  }
0x29c: {  	v33 =	vld [tilespmem:s25+$0x8190]  }
0x29d: {  	v34 =	vld [tilespmem:s25+$0x120]  }
0x29e: {  	v35 =	vld [tilespmem:s25+$0x8120]  }
0x29f: {  	v36 =	vld [tilespmem:s25+$0x180];
	v7 =	vsub.f32 v1, v2;
	v2 =	vadd.f32 v27, v26  }
0x2a0: {  	v37 =	vld [tilespmem:s25+$0x8180];
	v1 =	vsub.f32 v5, v6;
	v5 =	vadd.f32 v29, v28  }
0x2a1: {  	v10 =	vsub.f32 v3, v4;
	v3 =	vsub.f32 v8, v9;
	v9 =	vld [tilespmem:s25+$0x110];
	[tilespmem:$0x1FA80] =	vst v2  }
0x2a2: {  	v2 =	vsub.f32 v11, v12;
	v11 =	vld [tilespmem:s25+$0x8110];
	[tilespmem:$0x1FA90] =	vst v5;
	v5 =	vadd.f32 v31, v30;
	_ =	sdelay $0x1  }
0x2a3: {  	v8 =	vadd.f32 v33, v32;
	[tilespmem:$0x1FAA0] =	vst v5  }
0x2a4: {  	v4 =	vsub.f32 v13, v14;
	v14 =	vld [tilespmem:s25+$0x100]  }
0x2a5: {  	v5 =	vsub.f32 v15, v16;
	v15 =	vld [tilespmem:s25+$0x8100];
	[tilespmem:$0x1FAB0] =	vst v8;
	v8 =	vadd.f32 v35, v34;
	_ =	sdelay $0x1  }
0x2a6: {  	v12 =	vadd.f32 v37, v36;
	v16 =	vld [tilespmem:s25+$0xA0B0];
	[tilespmem:$0x1FAC0] =	vst v8  }
0x2a7: {  	v6 =	vsub.f32 v17, v18;
	v17 =	vld [tilespmem:s25+$0x20A0]  }
0x2a8: {  	v18 =	vld [tilespmem:s25+$0xA0A0];
	[tilespmem:$0x1FAD0] =	vst v12;
	v12 =	vadd.f32 v11, v9;
	_ =	sdelay $0x1  }
0x2a9: {  	v29 =	vmul.f32 v29, v28;
	v13 =	vmul.f32 v27, v26;
	v8 =	vsub.f32 v19, v20;
	v19 =	vld [tilespmem:s25+$0x2090];
	[tilespmem:$0x1FAE0] =	vst v12  }
0x2aa: {  	v26 =	vmul.f32 v33, v32;
	v40 =	vmul.f32 v37, v36;
	v27 =	vld [tilespmem:s25+$0xA090]  }
0x2ab: {  	v24 =	vsub.f32 v21, v22;
	v21 =	vmul.f32 v35, v34;
	v20 =	vmul.f32 v31, v30;
	v28 =	vld [tilespmem:s25+$0x2080];
	[tilespmem:$0x1FAF0] =	vst v29  }
0x2ac: {  	v36 =	vmul.f32 $5.000000000e-01, v29;
	v45 =	vmul.f32 v11, v9;
	v11 =	vshra.s32 v29, $0x1;
	v29 =	vld [tilespmem:s25+$0xA080];
	[tilespmem:$0x1FB00] =	vst v13  }
0x2ad: {  	v25 =	vsub.f32 v23, v25;
	v33 =	vmul.f32 $5.000000000e-01, v13;
	v23 =	vld [tilespmem:s25+$0xA0];
	[tilespmem:$0x1FB10] =	vst v20  }
0x2ae: {  	v37 =	vmul.f32 $5.000000000e-01, v26;
	v39 =	vmul.f32 $5.000000000e-01, v21;
	v59 =	vshra.s32 v40, $0x1;
	[tilespmem:$0x1FB20] =	vst v26  }
0x2af: {  	v9 =	vshra.s32 v13, $0x1;
	v11 =	vsub.s32 $0x5F3759DF, v11;
	v12 =	vshra.s32 v26, $0x1;
	v26 =	vld [tilespmem:s25+$0x80A0]  }
0x2b0: {  	v30 =	vshra.s32 v21, $0x1;
	v31 =	vsub.s32 $0x5F3759DF, v9;
	v9 =	vmul.f32 v11, v36;
	v32 =	vld [tilespmem:s25+$0x10];
	[tilespmem:$0x1FB30] =	vst v21  }
0x2b1: {  	v30 =	vsub.s32 $0x5F3759DF, v30;
	v34 =	vmul.f32 $5.000000000e-01, v20;
	v38 =	vmul.f32 v31, v33;
	v42 =	vld [tilespmem:s25+$0x8010];
	[tilespmem:$0x1FB40] =	vst v40  }
0x2b2: {  	v35 =	vsub.s32 $0x5F3759DF, v59;
	v54 =	vmul.f32 v30, v39;
	v9 =	vmul.f32 v11, v9;
	v44 =	vld [tilespmem:s25+$0x90]  }
0x2b3: {  	p1 =	por $0x0, $0x0;
	s0 =	simm.s32 $0x1;
	v12 =	vsub.s32 $0x5F3759DF, v12;
	v13 =	vshra.s32 v20, $0x1;
	v38 =	vmul.f32 v31, v38;
	v47 =	vld [tilespmem:s25+$0x8090];
	[tilespmem:$0x1FB50] =	vst v45  }
0x2b4: {  	s0 =	simm.s32 @!p1 $0x0;
	v51 =	vmul.f32 v12, v37;
	v13 =	vsub.s32 $0x5F3759DF, v13;
	v9 =	vsub.f32 $1.500000000e+00, v9;
	v48 =	vld [tilespmem:s25+$0x0]  }
0x2b5: {  	s0 =	sshll.u32 s0, $0x6;
	v49 =	vmul.f32 v13, v34;
	v38 =	vsub.f32 $1.500000000e+00, v38;
	v40 =	vmul.f32 $5.000000000e-01, v40;
	v50 =	vld [tilespmem:s25+$0x8000]  }
0x2b6: {  	s0 =	sadd.s32 $0x0, s0;
	v43 =	vshra.s32 v45, $0x1;
	v45 =	vmul.f32 $5.000000000e-01, v45;
	v9 =	vmul.f32 v11, v9;
	v52 =	vld [tilespmem:s25+$0x80]  }
0x2b7: {  	s26 =	sor.u32 $0x200, s0;
	v11 =	vmul.f32 v31, v38;
	v38 =	vld [tilespmem:s25+$0x8080];
	v61 =	vmul.f32 v35, v40  }
0x2b8: {  	s11 =	sor.u32 $0x2280, s0;
	v43 =	vsub.s32 $0x5F3759DF, v43;
	v60 =	vmul.f32 v12, v51;
	v49 =	vmul.f32 v13, v49;
	v53 =	vld [tilespmem:s26+$0x8000]  }
0x2b9: {  	v51 =	vld [tilespmem:s11+$0x0];
	v58 =	vsub.f32 v23, v26;
	v23 =	vmul.f32 v35, v61;
	v26 =	vmul.f32 v43, v45  }
0x2ba: {  	s29 =	sor.u32 $0x2200, s0;
	v22 =	vmul.f32 v15, v14;
	v14 =	vadd.f32 v15, v14;
	v54 =	vmul.f32 v30, v54;
	v56 =	vld [tilespmem:s11+$0x8000]  }
0x2bb: {  	v59 =	vld [tilespmem:s29+$0x0];
	v57 =	vmul.f32 v43, v26;
	v26 =	vsub.f32 $1.500000000e+00, v49;
	v62 =	vsub.f32 $1.500000000e+00, v23  }
0x2bc: {  	s30 =	sadd.s32 $0x20, s0;
	v3 =	vmul.f32 v3, v3;
	v16 =	vsub.f32 v0, v16;
	v0 =	vmul.f32 v0, v0;
	v23 =	vld [tilespmem:s26+$0x0]  }
0x2bd: {  	s12 =	sor.u32 $0x200, s30;
	v63 =	vsub.f32 $1.500000000e+00, v54;
	s25 =	sadd.s32 $0x30, s0;
	v26 =	vmul.f32 v13, v26;
	v13 =	vmul.f32 v35, v62;
	v62 =	vld [tilespmem:s29+$0x8000];
	[tilespmem:$0x1FB60] =	vst v14  }
0x2be: {  	v46 =	vshra.s32 v22, $0x1;
	v41 =	vmul.f32 $5.000000000e-01, v22;
	v18 =	vsub.f32 v17, v18;
	s31 =	sor.u32 $0x2280, s25;
	v14 =	vld [tilespmem:s12+$0x8000]  }
0x2bf: {  	v30 =	vmul.f32 v30, v63;
	v31 =	vsub.s32 $0x5F3759DF, v46;
	v63 =	vld [tilespmem:s31+$0x0];
	[tilespmem:$0x1FB70] =	vst v0;
	v0 =	vmul.f32 v17, v17  }
0x2c0: {  	v55 =	vmul.f32 v31, v41;
	v17 =	vsub.f32 v19, v27;
	v19 =	vmul.f32 v19, v19  }
0x2c1: {  	v16 =	vmul.f32 v16, v16;
	v20 =	vmul.f32 v2, v2;
	v46 =	vsub.f32 $1.500000000e+00, v60;
	[tilespmem:$0x1FB80] =	vst v0  }
0x2c2: {  	v21 =	vimm.f32 $0.0e+00;
	v55 =	vmul.f32 v31, v55;
	v0 =	vld [tilespmem:s31+$0x8000];
	[tilespmem:$0x1FB90] =	vst v19;
	v19 =	vmul.f32 v28, v28  }
0x2c3: {  	v18 =	vmul.f32 v18, v18;
	s0 =	sadd.s32 $0x10, s0;
	v12 =	vmul.f32 v12, v46;
	v32 =	vsub.f32 v32, v42  }
0x2c4: {  	s22 =	sor.u32 $0x200, s0;
	v42 =	vmul.f32 v7, v7;
	v60 =	vsub.f32 $1.500000000e+00, v55;
	v55 =	vmul.f32 v4, v4;
	[tilespmem:$0x1FBA0] =	vst v19  }
0x2c5: {  	v7 =	vsub.f32 v52, v38;
	v38 =	vmul.f32 v1, v1;
	v17 =	vmul.f32 v17, v17;
	v19 =	vld [tilespmem:s22+$0x8000];
	[tilespmem:$0x1FBB0] =	vst v18  }
0x2c6: {  	s26 =	sor.u32 $0x2200, s25;
	v1 =	vmul.f32 v24, v24;
	v61 =	vsub.f32 $1.500000000e+00, v57;
	v15 =	vmul.f32 v31, v60;
	[tilespmem:$0x1FBC0] =	vst v16  }
0x2c7: {  	v29 =	vsub.f32 v28, v29;
	v57 =	vmul.f32 v6, v6;
	v60 =	vmul.f32 v58, v58;
	v16 =	vld [tilespmem:s26+$0x0];
	[tilespmem:$0x1FBD0] =	vst v17  }
0x2c8: {  	vm1 =	vgt.f32 v53, $0.0e+00;
	v2 =	vmul.f32 v7, v7;
	v31 =	vmul.f32 v43, v61;
	v28 =	vld [tilespmem:s12+$0x0]  }
0x2c9: {  	vm2 =	veq.f32 v53, $0.0e+00;
	v43 =	vmul.f32 v10, v10;
	v58 =	vmul.f32 v15, v41;
	v27 =	vld [tilespmem:s22+$0x0]  }
0x2ca: {  	s29 =	sor.u32 $0x2280, s30;
	v61 =	vmul.f32 v32, v32;
	v54 =	vmul.f32 v31, v45;
	v10 =	vld [tilespmem:s26+$0x8000];
	v0 =	vsub.f32 v63, v0  }
0x2cb: {  	s2 =	sor.u32 $0x2200, s30;
	v32 =	vmul.f32 v58, v15;
	vm5 =	vgt.f32 v14, $0.0e+00;
	vm6 =	veq.f32 v14, $0.0e+00;
	v4 =	vld [tilespmem:s29+$0x0]  }
0x2cc: {  	v18 =	vsub.f32 v44, v47;
	v47 =	vsub.f32 v51, v56;
	v56 =	vmul.f32 v5, v5;
	v5 =	vld [tilespmem:s2+$0x0];
	[tilespmem:$0x1FBE0] =	vst v0  }
0x2cd: {  	v44 =	vmul.f32 v29, v29;
	v29 =	vsub.f32 v59, v62;
	v17 =	vsub.f32 v48, v50;
	v6 =	vld [tilespmem:s2+$0x8000]  }
0x2ce: {  	s30 =	sor.u32 $0x2280, s0;
	v59 =	vmul.f32 v25, v25;
	v46 =	vsel vm5, $0x3F800000, v21;
	v63 =	vmul.f32 v18, v18;
	v24 =	vld [tilespmem:s29+$0x8000]  }
0x2cf: {  	v49 =	vsel vm6, $0x3F000000, v21;
	v62 =	vmul.f32 v17, v17;
	v0 =	vmul.f32 v8, v8;
	v18 =	vld [tilespmem:s30+$0x0]  }
0x2d0: {  	s0 =	sor.u32 $0x2200, s0;
	v8 =	vsub.f32 v23, v53;
	v17 =	vld [tilespmem:s30+$0x8000];
	vm3 =	vgt.f32 v19, $0.0e+00;
	vm4 =	veq.f32 v19, $0.0e+00  }
0x2d1: {  	v25 =	vld [tilespmem:s0+$0x0];
	v51 =	vsel vm3, $0x3F800000, v21;
	v7 =	vsub.f32 v28, v14;
	v14 =	vsub.f32 v27, v19  }
0x2d2: {  	v19 =	vld [tilespmem:s0+$0x8000];
	v16 =	vsub.f32 v16, v10;
	v10 =	vmul.f32 v8, v8;
	v8 =	vmul.f32 v29, v29  }
0x2d3: {  	v7 =	vmul.f32 v7, v7;
	v29 =	vsub.f32 v5, v6;
	v6 =	vmul.f32 v14, v14  }
0x2d4: {  	v58 =	vadd.f32 v28, v28;
	v5 =	vmul.f32 v16, v16;
	v16 =	vmul.f32 v9, v36  }
0x2d5: {  	s31 =	sor.u32 $0x200, s25;
	v50 =	vsub.f32 v4, v24;
	v4 =	vsub.f32 v18, v17;
	v17 =	vmul.f32 v11, v33  }
0x2d6: {  	v14 =	vld [tilespmem:s31+$0x8000];
	v24 =	vadd.f32 v3, v38;
	v18 =	vmul.f32 v16, v9;
	v16 =	vmul.f32 v12, v37  }
0x2d7: {  	[tilespmem:$0x1FBF0] =	vst v4;
	v53 =	vsub.f32 v25, v19;
	v19 =	vmul.f32 v17, v11;
	v17 =	vmul.f32 v26, v34  }
0x2d8: {  	v4 =	vmul.f32 v29, v29;
	v25 =	vadd.f32 v43, v42;
	v29 =	vld [tilespmem:s31+$0x0];
	v3 =	vmul.f32 v16, v12  }
0x2d9: {  	v42 =	vadd.f32 v23, v23;
	v16 =	vmul.f32 v13, v40;
	v52 =	vmul.f32 v17, v26  }
0x2da: {  	v17 =	vmul.f32 v30, v39;
	v38 =	vsub.f32 $1.500000000e+00, v3;
	v3 =	vimm.f32 $0.0e+00  }
0x2db: {  	v19 =	vsub.f32 $1.500000000e+00, v19;
	vm0 =	vgt.f32 v14, $0.0e+00;
	[tilespmem:$0x1FC00] =	vst v3;
	v3 =	vsel vm1, $0x3F800000, v21  }
0x2dc: {  	vm7 =	veq.f32 v14, $0.0e+00;
	v35 =	vmul.f32 v16, v13;
	[tilespmem:$0x1FC10] =	vst v3;
	v3 =	vsel vm2, $0x3F000000, v21  }
0x2dd: {  	v16 =	vmul.f32 v17, v30;
	v17 =	vsub.f32 $1.500000000e+00, v18;
	[tilespmem:$0x1FC20] =	vst v3;
	v3 =	vadd.f32 v29, v29  }
0x2de: {  	v18 =	vsub.f32 $1.500000000e+00, v52;
	v48 =	vsel vm7, $0x3F000000, v21;
	v52 =	vsel vm4, $0x3F000000, v21  }
0x2df: {  	s28 =	simm.s32 $0x40;
	s25 =	simm.s32 $0x0;
	s26 =	simm.s32 $0x200;
	v43 =	vsub.f32 v29, v14;
	v14 =	vmul.f32 v54, v31;
	[tilespmem:$0x1FC30] =	vst v3;
	v3 =	vadd.f32 v27, v27  }
.LBB2_10:
0x2e0: {  	_ = 	snop  }
0x2e1: {  	v14 =	vsub.f32 $1.500000000e+00, v14;
	_ =	sdelay $0x1  }
0x2e2: {  	v14 =	vmul.f32 v14, v31;
	_ =	sdelay $0x1  }
0x2e3: {  	v45 =	vmul.f32 v14, v45;
	_ =	sdelay $0x1  }
0x2e4: {  	v35 =	vsub.f32 $1.500000000e+00, v35;
	v45 =	vmul.f32 v45, v14  }
0x2e5: {  	v16 =	vsub.f32 $1.500000000e+00, v16;
	v18 =	vmul.f32 v18, v26;
	v26 =	vsub.f32 $1.500000000e+00, v32  }
0x2e6: {  	v17 =	vmul.f32 v17, v9;
	v32 =	vmul.f32 v38, v12;
	v45 =	vsub.f32 $1.500000000e+00, v45  }
0x2e7: {  	v38 =	vmul.f32 v35, v13;
	v35 =	vadd.f32 v55, v20;
	v55 =	vmul.f32 v26, v15  }
0x2e8: {  	v15 =	vadd.f32 v57, v56;
	v56 =	vadd.f32 v63, v61;
	v63 =	vmul.f32 v45, v14;
	v14 =	vld [tilespmem:$0x1FBD0]  }
0x2e9: {  	s0 =	sand.u32 $0x40, s28;
	s2 =	sand.u32 $0x1C00, s26  }
0x2ea: {  	v21 =	vld [tilespmem:$0x1FB30];
	s29 =	sor.u32 s0, s2;
	v16 =	vmul.f32 v16, v30;
	v30 =	vmul.f32 v17, v36  }
0x2eb: {  	v9 =	vld [tilespmem:s29+$0x20B0]  }
0x2ec: {  	v19 =	vmul.f32 v19, v11;
	v11 =	vld [tilespmem:s29+$0xA0B0];
	v30 =	vmul.f32 v30, v17  }
0x2ed: {  	v31 =	vmul.f32 v18, v34;
	v45 =	vadd.f32 v14, v6;
	v14 =	vld [tilespmem:$0x1FAF0]  }
0x2ee: {  	v54 =	vld [tilespmem:s29+$0x20A0];
	v34 =	vmul.f32 v32, v37;
	v37 =	vadd.f32 v60, v59;
	v59 =	vsub.f32 $1.500000000e+00, v30  }
0x2ef: {  	v12 =	vld [tilespmem:s29+$0xA0A0];
	v26 =	vmul.f32 v19, v33  }
0x2f0: {  	v25 =	vadd.f32 v5, v25;
	v5 =	vld [tilespmem:s29+$0xA110];
	v17 =	vmul.f32 v59, v17  }
0x2f1: {  	v28 =	vmul.f32 v58, v28;
	v58 =	vld [tilespmem:s29+$0x8020];
	v26 =	vmul.f32 v26, v19  }
0x2f2: {  	v14 =	vmul.f32 v17, v14;
	v17 =	vld [tilespmem:$0x1FB00]  }
0x2f3: {  	v36 =	vadd.f32 v1, v0;
	v0 =	vld [tilespmem:s29+$0x2090];
	v60 =	vsub.f32 $1.500000000e+00, v26  }
0x2f4: {  	v13 =	vld [tilespmem:s29+$0xA090]  }
0x2f5: {  	v1 =	vld [tilespmem:s29+$0x2080];
	v19 =	vmul.f32 v60, v19  }
0x2f6: {  	v57 =	vadd.f32 v2, v62;
	v2 =	vld [tilespmem:s29+$0xA080];
	v34 =	vmul.f32 v34, v32  }
0x2f7: {  	v41 =	vmul.f32 v55, v41;
	v17 =	vmul.f32 v19, v17;
	v19 =	vld [tilespmem:$0x1FB20]  }
0x2f8: {  	v53 =	vmul.f32 v53, v53;
	v20 =	vld [tilespmem:$0x1FBB0];
	v39 =	vmul.f32 v16, v39;
	v34 =	vsub.f32 $1.500000000e+00, v34  }
0x2f9: {  	v33 =	vadd.f32 v44, v10;
	v10 =	vld [tilespmem:s29+$0x2130];
	v40 =	vmul.f32 v38, v40;
	v41 =	vmul.f32 v41, v55  }
0x2fa: {  	v42 =	vmul.f32 v42, v23;
	v23 =	vld [tilespmem:$0x1FAE0];
	v44 =	vadd.f32 v8, v15;
	v34 =	vmul.f32 v34, v32  }
0x2fb: {  	v8 =	vld [tilespmem:s29+$0xA130];
	v39 =	vmul.f32 v39, v16;
	v40 =	vmul.f32 v40, v38;
	v41 =	vsub.f32 $1.500000000e+00, v41  }
0x2fc: {  	v19 =	vmul.f32 v34, v19;
	v34 =	vadd.f32 v4, v24;
	v24 =	vadd.f32 v17, v17;
	v17 =	vld [tilespmem:$0x1FB40]  }
0x2fd: {  	v15 =	vld [tilespmem:s29+$0x21B0];
	v40 =	vsub.f32 $1.500000000e+00, v40;
	v39 =	vsub.f32 $1.500000000e+00, v39  }
0x2fe: {  	v31 =	vmul.f32 v31, v18;
	v35 =	vadd.f32 v53, v35;
	v53 =	vld [tilespmem:$0x1FC30];
	v62 =	vmul.f32 v41, v55  }
0x2ff: {  	v38 =	vmul.f32 v40, v38;
	v16 =	vmul.f32 v39, v16;
	v4 =	vld [tilespmem:$0x1FB10]  }
0x300: {  	v61 =	vsub.f32 $1.500000000e+00, v31;
	v26 =	vld [tilespmem:s29+$0xA1B0];
	v39 =	vadd.f32 v20, v7;
	v20 =	vmul.f32 v62, v22  }
0x301: {  	v22 =	vmul.f32 v16, v21;
	v21 =	vmul.f32 v38, v17;
	v17 =	vld [tilespmem:$0x1FB50]  }
0x302: {  	v30 =	vld [tilespmem:s29+$0x2120];
	v18 =	vmul.f32 v61, v18  }
0x303: {  	p1 =	por !p1, !p1;
	s0 =	simm.s32 $0x1;
	v31 =	vld [tilespmem:s29+$0xA120];
	v12 =	vsub.f32 v54, v12  }
0x304: {  	s0 =	simm.s32 @!p1 $0x0;
	v32 =	vld [tilespmem:s29+$0x21A0];
	v18 =	vmul.f32 v18, v4  }
0x305: {  	s0 =	sshll.u32 s0, $0x6;
	v12 =	vmul.f32 v12, v12;
	v29 =	vmul.f32 v53, v29;
	v53 =	vld [tilespmem:s29+$0x130]  }
0x306: {  	s31 =	sadd.s32 s0, s26;
	v7 =	vld [tilespmem:s29+$0xA1A0];
	v40 =	vadd.f32 v18, v18;
	v18 =	vadd.f32 v20, v20;
	v20 =	vmul.f32 v63, v17  }
0x307: {  	s30 =	sor.u32 $0x2200, s31;
	v6 =	vld [tilespmem:s29+$0x2110]  }
0x308: {  	[tilespmem:$0x1FBB0] =	vst v12;
	v12 =	vld [tilespmem:s30+$0x8000];
	v20 =	vadd.f32 v20, v20  }
0x309: {  	v16 =	vld [tilespmem:s29+$0xA190]  }
0x30a: {  	v60 =	vsub.f32 v23, v20;
	v23 =	vld [tilespmem:$0x1FAB0]  }
0x30b: {  	v62 =	vld [tilespmem:$0x1FA80]  }
0x30c: {  	v5 =	vsub.f32 v6, v5;
	v6 =	vld [tilespmem:s29+$0x0]  }
0x30d: {  	v41 =	vadd.f32 v19, v19;
	v55 =	vadd.f32 v21, v21;
	v21 =	vld [tilespmem:$0x1FB60]  }
0x30e: {  	v19 =	vld [tilespmem:s29+$0x2180]  }
0x30f: {  	v41 =	vsub.f32 v23, v41;
	v23 =	vld [tilespmem:$0x1FBF0]  }
0x310: {  	v4 =	vld [tilespmem:s29+$0x2190]  }
0x311: {  	v38 =	vadd.f32 v14, v14;
	v14 =	vld [tilespmem:s29+$0x2100]  }
0x312: {  	v59 =	vmul.f32 v47, v47;
	v17 =	vld [tilespmem:s29+$0xA100];
	v47 =	vsub.f32 v21, v18  }
0x313: {  	v63 =	vsub.f32 v62, v24;
	v24 =	vld [tilespmem:s29+$0xA0]  }
0x314: {  	v57 =	vadd.f32 v47, v57;
	v47 =	vmul.f32 v50, v50;
	v50 =	vmul.f32 v23, v23;
	v23 =	vld [tilespmem:$0x1FAC0]  }
0x315: {  	v18 =	vld [tilespmem:$0x1FAD0]  }
0x316: {  	v21 =	vld [tilespmem:s29+$0xA180]  }
0x317: {  	v22 =	vadd.f32 v22, v22;
	v20 =	vld [tilespmem:s29+$0x8030]  }
0x318: {  	v56 =	vadd.f32 v60, v56;
	v60 =	vadd.f32 v59, v44;
	v44 =	vld [tilespmem:s29+$0x8090]  }
0x319: {  	v59 =	vld [tilespmem:$0x1FC20];
	v22 =	vsub.f32 v23, v22  }
0x31a: {  	v55 =	vsub.f32 v18, v55;
	v18 =	vld [tilespmem:$0x1FA90]  }
0x31b: {  	v11 =	vsub.f32 v9, v11;
	v9 =	vmul.f32 v9, v9;
	v37 =	vadd.f32 v22, v37;
	v22 =	vld [tilespmem:$0x1FAA0]  }
0x31c: {  	v34 =	vadd.f32 v47, v34;
	v47 =	vld [tilespmem:$0x1FB70]  }
0x31d: {  	[tilespmem:$0x1FB70] =	vst v9;
	v9 =	vld [tilespmem:s29+$0x8100]  }
0x31e: {  	v55 =	vadd.f32 v55, v57;
	v57 =	vld [tilespmem:s29+$0x80B0]  }
0x31f: {  	v41 =	vadd.f32 v41, v56;
	v56 =	vld [tilespmem:$0x1FBE0]  }
0x320: {  	v38 =	vsub.f32 v18, v38;
	v18 =	vld [tilespmem:s29+$0x30];
	v40 =	vsub.f32 v22, v40  }
0x321: {  	v55 =	vmul.f32 $5.000000000e+00, v55;
	v35 =	vadd.f32 v50, v35;
	v50 =	vld [tilespmem:s29+$0x1A0]  }
0x322: {  	v27 =	vmul.f32 v3, v27;
	v23 =	vld [tilespmem:s29+$0xB0];
	v36 =	vadd.f32 v40, v36  }
0x323: {  	v3 =	vadd.f32 v38, v37;
	v37 =	vadd.f32 v55, v42;
	v55 =	vmul.f32 $5.000000000e+00, v41;
	v38 =	vld [tilespmem:s29+$0x8010]  }
0x324: {  	v36 =	vadd.f32 v63, v36;
	v63 =	vld [tilespmem:$0x1FBA0]  }
0x325: {  	v2 =	vsub.f32 v1, v2;
	v27 =	vadd.f32 v55, v27;
	v55 =	vld [tilespmem:$0x1FB90]  }
0x326: {  	v13 =	vsub.f32 v0, v13;
	v0 =	vmul.f32 v0, v0;
	v1 =	vmul.f32 v1, v1;
	v42 =	vld [tilespmem:s29+$0x90]  }
0x327: {  	v61 =	vmul.f32 v43, v43;
	v41 =	vmul.f32 v56, v56;
	v56 =	vld [tilespmem:s29+$0x8130]  }
0x328: {  	v8 =	vsub.f32 v10, v8;
	v15 =	vsub.f32 v15, v26;
	v62 =	vmul.f32 $5.000000000e+00, v3;
	v3 =	vld [tilespmem:s29+$0x10]  }
0x329: {  	v7 =	vsub.f32 v32, v7;
	v22 =	vld [tilespmem:s29+$0x20];
	v36 =	vmul.f32 $5.000000000e+00, v36;
	v37 =	vadd.f32 v37, v63  }
0x32a: {  	v2 =	vmul.f32 v2, v2;
	v28 =	vadd.f32 v62, v28;
	v62 =	vld [tilespmem:$0x1FB80];
	v27 =	vadd.f32 v27, v55  }
0x32b: {  	v11 =	vmul.f32 v11, v11;
	v29 =	vadd.f32 v36, v29;
	v37 =	vadd.f32 v37, v60;
	v60 =	vld [tilespmem:$0x1FC10]  }
0x32c: {  	[tilespmem:$0x1FA70] =	vst v2;
	v2 =	vmul.f32 v13, v13;
	v4 =	vsub.f32 v4, v16;
	v40 =	vld [tilespmem:s29+$0x80A0];
	v27 =	vadd.f32 v27, v35  }
0x32d: {  	v45 =	vmul.f32 v45, v52;
	v25 =	vadd.f32 v41, v25;
	v55 =	vld [tilespmem:$0x1FC00];
	v29 =	vadd.f32 v29, v47  }
0x32e: {  	v14 =	vsub.f32 v14, v17;
	v17 =	vsub.f32 v19, v21;
	v27 =	vmul.f32 v27, v51;
	v51 =	vld [tilespmem:s29+$0x81A0]  }
0x32f: {  	v52 =	vmul.f32 v39, v49;
	v28 =	vadd.f32 v28, v62;
	v25 =	vadd.f32 v29, v25;
	v29 =	vld [tilespmem:$0x1FBC0]  }
0x330: {  	v33 =	vmul.f32 v33, v59;
	[tilespmem:$0x1FB90] =	vst v0;
	v0 =	vsub.f32 v18, v20;
	v36 =	vld [tilespmem:s29+$0x1B0];
	v37 =	vmul.f32 v37, v60  }
0x331: {  	v32 =	vmul.f32 v5, v5;
	v18 =	vsub.f32 v23, v57;
	v28 =	vadd.f32 v28, v34;
	v63 =	vld [tilespmem:s29+$0x81B0]  }
0x332: {  	v49 =	vsub.f32 v24, v40;
	v24 =	vmul.f32 v7, v7;
	[tilespmem:$0x1FBC0] =	vst v11;
	v11 =	vld [tilespmem:s30+$0x0];
	s30 =	sadd.s32 $0x20, s31;
	v33 =	vadd.f32 v37, v33  }
0x333: {  	v62 =	vld [tilespmem:s29+$0x120];
	v27 =	vadd.f32 v27, v45;
	v28 =	vmul.f32 v28, v46;
	v16 =	vadd.f32 v51, v50;
	s12 =	sor.u32 $0x200, s30  }
0x334: {  	v47 =	vimm.f32 $0.0e+00;
	v7 =	vld [tilespmem:s12+$0x8000];
	v29 =	vadd.f32 v29, v61;
	v33 =	vadd.f32 v33, v55  }
0x335: {  	v59 =	vsel vm0, $0x3F800000, v47;
	v28 =	vadd.f32 v28, v52;
	[tilespmem:$0x1FA90] =	vst v16;
	v16 =	vadd.f32 v56, v53;
	v60 =	vld [tilespmem:s29+$0x190]  }
0x336: {  	v25 =	vmul.f32 v25, v59;
	v61 =	vld [tilespmem:s29+$0x8190];
	v29 =	vmul.f32 v29, v48;
	v27 =	vadd.f32 v27, v33  }
0x337: {  	v57 =	vmul.f32 v17, v17;
	v21 =	vmul.f32 v56, v53;
	v26 =	vadd.f32 v63, v36;
	[tilespmem:$0x1FAA0] =	vst v16;
	v16 =	vld [tilespmem:s29+$0x100]  }
0x338: {  	v0 =	vmul.f32 v0, v0;
	v25 =	vadd.f32 v25, v29;
	v27 =	vadd.f32 v28, v27;
	v28 =	vld [tilespmem:s29+$0x8120]  }
0x339: {  	v3 =	vsub.f32 v3, v38;
	v13 =	vshra.s32 v21, $0x1;
	v34 =	vmul.f32 $5.000000000e-01, v21;
	[tilespmem:$0x1FA80] =	vst v26;
	v26 =	vld [tilespmem:s29+$0x8110]  }
0x33a: {  	v13 =	vsub.s32 $0x5F3759DF, v13;
	v35 =	vmul.f32 v15, v15;
	v29 =	vld [tilespmem:s29+$0x180];
	v10 =	vadd.f32 v25, v27  }
0x33b: {  	v38 =	vmul.f32 v13, v34;
	v19 =	vadd.f32 v61, v60;
	v27 =	vsub.f32 v30, v31;
	v25 =	vld [tilespmem:s29+$0x110]  }
0x33c: {  	s0 =	sor.u32 $0x200, s31;
	v46 =	vmul.f32 v51, v50;
	v31 =	vsub.f32 v22, v58;
	v22 =	vadd.f32 v9, v16;
	[tilespmem:$0x1FC00] =	vst v10;
	v10 =	vld [tilespmem:s29+$0x8180]  }
0x33d: {  	v23 =	vld [tilespmem:s0+$0x0];
	v56 =	vmul.f32 v14, v14;
	v55 =	vmul.f32 v4, v4;
	[tilespmem:$0x1FAB0] =	vst v19;
	v19 =	vadd.f32 v28, v62  }
0x33e: {  	s11 =	sor.u32 $0x2280, s31;
	vm3 =	vgt.f32 v7, $0.0e+00;
	v48 =	vmul.f32 v61, v60;
	v60 =	vmul.f32 v49, v49;
	v30 =	vld [tilespmem:s29+$0x80];
	[tilespmem:$0x1FB60] =	vst v22  }
0x33f: {  	vm4 =	veq.f32 v7, $0.0e+00;
	v22 =	vmul.f32 v9, v16;
	v9 =	vld [tilespmem:s11+$0x8000];
	[tilespmem:$0x1FAC0] =	vst v19;
	v19 =	vmul.f32 v54, v54  }
0x340: {  	[tilespmem:$0x1FBA0] =	vst v1;
	v61 =	vmul.f32 v3, v3;
	v51 =	vmul.f32 v28, v62;
	v28 =	vld [tilespmem:s12+$0x0];
	v1 =	vadd.f32 v26, v25  }
0x341: {  	v37 =	vmul.f32 $5.000000000e-01, v48;
	v59 =	vmul.f32 v31, v31;
	[tilespmem:$0x1FB80] =	vst v19;
	v19 =	vld [tilespmem:s29+$0x8000];
	v20 =	vadd.f32 v10, v29  }
0x342: {  	v16 =	vsub.f32 v42, v44;
	v41 =	vmul.f32 $5.000000000e-01, v22;
	v26 =	vmul.f32 v26, v25;
	[tilespmem:$0x1FAE0] =	vst v1;
	v1 =	vld [tilespmem:s29+$0x8080]  }
0x343: {  	v25 =	vmul.f32 v8, v8;
	v8 =	vsub.f32 v11, v12;
	[tilespmem:$0x1FAD0] =	vst v20;
	v20 =	vmul.f32 v63, v36;
	v63 =	vld [tilespmem:s0+$0x8000];
	s0 =	sadd.s32 $0x30, s31  }
0x344: {  	v11 =	vshra.s32 v46, $0x1;
	v12 =	vshra.s32 v48, $0x1;
	v50 =	vmul.f32 v10, v29;
	v10 =	vld [tilespmem:s11+$0x0];
	s11 =	sor.u32 $0x200, s0  }
0x345: {  	v39 =	vmul.f32 $5.000000000e-01, v51;
	v12 =	vsub.s32 $0x5F3759DF, v12;
	v45 =	vmul.f32 $5.000000000e-01, v26;
	s22 =	sor.u32 $0x2280, s0;
	v5 =	vld [tilespmem:s11+$0x8000]  }
0x346: {  	v17 =	vshra.s32 v26, $0x1;
	v8 =	vmul.f32 v8, v8;
	v43 =	vmul.f32 v12, v37;
	v3 =	vld [tilespmem:s22+$0x8000]  }
0x347: {  	v7 =	vsub.f32 v28, v7;
	v17 =	vsub.s32 $0x5F3759DF, v17;
	v36 =	vmul.f32 $5.000000000e-01, v46;
	s0 =	sor.u32 $0x2200, s0;
	v29 =	vld [tilespmem:s11+$0x0]  }
0x348: {  	v15 =	vshra.s32 v51, $0x1;
	s31 =	sadd.s32 $0x10, s31;
	v40 =	vmul.f32 $5.000000000e-01, v50;
	v52 =	vmul.f32 v17, v45;
	v14 =	vld [tilespmem:s0+$0x0]  }
0x349: {  	s2 =	sor.u32 $0x200, s31;
	v7 =	vmul.f32 v7, v7;
	v33 =	vmul.f32 $5.000000000e-01, v20;
	v44 =	vsub.f32 v10, v9;
	v9 =	vld [tilespmem:s22+$0x0]  }
0x34a: {  	[tilespmem:$0x1FBD0] =	vst v2;
	v6 =	vsub.f32 v6, v19;
	v2 =	vsub.f32 v30, v1;
	v1 =	vmul.f32 v27, v27;
	v27 =	vld [tilespmem:s2+$0x0]  }
0x34b: {  	v10 =	vadd.f32 v23, v23;
	v19 =	vld [tilespmem:s0+$0x8000];
	vm6 =	vgt.f32 v63, $0.0e+00;
	vm7 =	veq.f32 v63, $0.0e+00  }
0x34c: {  	[tilespmem:$0x1FA50] =	vst v1;
	v4 =	vsub.f32 v23, v63;
	v1 =	vmul.f32 v18, v18;
	v62 =	vmul.f32 v6, v6;
	v6 =	vld [tilespmem:s2+$0x8000]  }
0x34d: {  	s12 =	sor.u32 $0x2280, s30;
	[tilespmem:$0x1FA60] =	vst v10;
	v63 =	vmul.f32 v16, v16;
	v10 =	vshra.s32 v20, $0x1;
	v18 =	vshra.s32 v22, $0x1  }
0x34e: {  	[tilespmem:$0x1FB50] =	vst v26;
	v26 =	vld [tilespmem:s12+$0x0];
	s22 =	sor.u32 $0x2200, s30;
	s30 =	sor.u32 $0x2280, s31;
	v16 =	vshra.s32 v50, $0x1;
	v18 =	vsub.s32 $0x5F3759DF, v18;
	vm0 =	vgt.f32 v5, $0.0e+00  }
0x34f: {  	v30 =	vld [tilespmem:s30+$0x0];
	vm5 =	veq.f32 v5, $0.0e+00;
	v54 =	vsub.f32 v29, v5;
	v5 =	vsel vm7, $0x3F000000, v47  }
0x350: {  	v3 =	vsub.f32 v9, v3;
	v9 =	vsub.f32 v14, v19;
	v14 =	vsub.s32 $0x5F3759DF, v15;
	v15 =	vld [tilespmem:s12+$0x8000]  }
0x351: {  	[tilespmem:$0x1FC20] =	vst v5;
	vm2 =	vgt.f32 v6, $0.0e+00;
	vm1 =	veq.f32 v6, $0.0e+00;
	v5 =	vsub.f32 v27, v6;
	v6 =	vld [tilespmem:s22+$0x0]  }
0x352: {  	[tilespmem:$0x1FBE0] =	vst v3;
	v3 =	vsub.s32 $0x5F3759DF, v11;
	v11 =	vsub.s32 $0x5F3759DF, v10;
	v10 =	vmul.f32 v4, v4;
	v4 =	vld [tilespmem:s22+$0x8000]  }
0x353: {  	[tilespmem:$0x1FAF0] =	vst v46;
	v46 =	vld [tilespmem:s30+$0x8000];
	v2 =	vmul.f32 v2, v2;
	v16 =	vsub.s32 $0x5F3759DF, v16;
	v53 =	vmul.f32 v18, v41  }
0x354: {  	v25 =	vadd.f32 v35, v25;
	v42 =	vmul.f32 v16, v40;
	v58 =	vmul.f32 v14, v39  }
0x355: {  	[tilespmem:$0x1FB00] =	vst v20;
	v20 =	vsel vm6, $0x3F800000, v47;
	v49 =	vmul.f32 v18, v53;
	v19 =	vmul.f32 v11, v33  }
0x356: {  	[tilespmem:$0x1FB40] =	vst v50;
	v31 =	vmul.f32 v3, v36;
	v50 =	vsub.f32 v26, v15;
	v15 =	vadd.f32 v29, v29  }
0x357: {  	s31 =	sor.u32 $0x2200, s31;
	v26 =	vmul.f32 v12, v43;
	v4 =	vsub.f32 v6, v4;
	v6 =	vmul.f32 v5, v5  }
0x358: {  	v43 =	vld [tilespmem:s31+$0x8000];
	v5 =	vmul.f32 v9, v9;
	v9 =	vmul.f32 v11, v19;
	[tilespmem:$0x1FC30] =	vst v15;
	v15 =	vsub.f32 v30, v46  }
0x359: {  	v19 =	vmul.f32 v13, v38;
	v30 =	vld [tilespmem:s31+$0x0];
	v38 =	vmul.f32 v16, v42;
	v26 =	vsub.f32 $1.500000000e+00, v26  }
0x35a: {  	[tilespmem:$0x1FBF0] =	vst v15;
	v15 =	vmul.f32 v3, v31;
	v31 =	vmul.f32 v14, v58;
	v46 =	vsub.f32 $1.500000000e+00, v9  }
0x35b: {  	v9 =	vmul.f32 v17, v52;
	v19 =	vsub.f32 $1.500000000e+00, v19;
	v38 =	vsub.f32 $1.500000000e+00, v38  }
0x35c: {  	v12 =	vmul.f32 v12, v26;
	v15 =	vsub.f32 $1.500000000e+00, v15;
	v31 =	vsub.f32 $1.500000000e+00, v31  }
0x35d: {  	v42 =	vsub.f32 $1.500000000e+00, v9;
	v11 =	vmul.f32 v11, v46;
	v26 =	vmul.f32 v13, v19  }
0x35e: {  	v13 =	vmul.f32 v16, v38;
	v53 =	vsub.f32 v30, v43;
	v9 =	vmul.f32 v3, v15  }
0x35f: {  	v3 =	vsub.f32 $1.500000000e+00, v49;
	v30 =	vmul.f32 v14, v31;
	v31 =	vmul.f32 v17, v42  }
0x360: {  	[tilespmem:$0x1FB20] =	vst v48;
	v48 =	vsel vm5, $0x3F000000, v47;
	v16 =	vmul.f32 v11, v33;
	v17 =	vmul.f32 v12, v37  }
0x361: {  	[tilespmem:$0x1FB30] =	vst v51;
	v51 =	vsel vm2, $0x3F800000, v47;
	v19 =	vmul.f32 v13, v40;
	v15 =	vmul.f32 v18, v3  }
0x362: {  	v58 =	vadd.f32 v28, v28;
	v14 =	vmul.f32 v9, v36;
	v18 =	vmul.f32 v26, v34  }
0x363: {  	s25 =	sadd.s32 $0x4, s25;
	[tilespmem:$0x1FC10] =	vst v20;
	v52 =	vsel vm1, $0x3F000000, v47;
	v38 =	vmul.f32 v30, v39;
	v20 =	vmul.f32 v31, v45  }
0x364: {  	p2 =	slt.u32 s25, $0x3C;
	[tilespmem:$0x1FB10] =	vst v21;
	v46 =	vsel vm3, $0x3F800000, v47;
	v43 =	vmul.f32 v16, v11;
	v21 =	vmul.f32 v14, v9;
	v14 =	vld [tilespmem:$0x1FA50]  }
.Ltmp7:
0x365: {  	v49 =	vsel vm4, $0x3F000000, v47;
	v47 =	vmovc v44;
	v44 =	vmul.f32 v17, v12;
	v35 =	vmul.f32 v19, v13;
	(pc) =	sbr.rel @p2 .LBB2_10-.Ltmp7, $4  }
0x366: {  	v3 =	vadd.f32 v27, v27;
	v42 =	vmul.f32 v15, v41;
	v18 =	vmul.f32 v18, v26  }
0x367: {  	v16 =	vmul.f32 v38, v30;
	v19 =	vsub.f32 $1.500000000e+00, v43;
	v38 =	vsub.f32 $1.500000000e+00, v44  }
0x368: {  	v4 =	vmul.f32 v4, v4;
	v44 =	vld [tilespmem:$0x1FA70];
	v17 =	vsub.f32 $1.500000000e+00, v21;
	v43 =	vmovc v54;
	v18 =	vsub.f32 $1.500000000e+00, v18  }
0x369: {  	s28 =	sadd.s32 $0x40, s28;
	s26 =	sadd.s32 $0x200, s26;
	v24 =	vadd.f32 v24, v14;
	v14 =	vmul.f32 v20, v31;
	v20 =	vmovc v32;
	v32 =	vmul.f32 v42, v15;
	v42 =	vld [tilespmem:$0x1FA60]  }
0x36a: {  	v9 =	vmul.f32 v17, v9;
	v16 =	vsub.f32 $1.500000000e+00, v16  }
0x36b: {  	v17 =	vmul.f32 v18, v26;
	v35 =	vsub.f32 $1.500000000e+00, v35;
	v18 =	vadd.f32 v55, v20  }
0x36c: {  	v11 =	vmul.f32 v19, v11;
	v57 =	vadd.f32 v57, v56;
	v0 =	vadd.f32 v1, v0  }
0x36d: {  	v12 =	vmul.f32 v38, v12;
	v1 =	vadd.f32 v60, v59;
	v26 =	vadd.f32 v63, v61  }
0x36e: {  	v50 =	vmul.f32 v50, v50;
	v14 =	vsub.f32 $1.500000000e+00, v14;
	v16 =	vmul.f32 v16, v30  }
0x36f: {  	v54 =	vsub.f32 $1.500000000e+00, v32;
	v13 =	vmul.f32 v35, v13;
	v60 =	vmul.f32 v9, v36  }
0x370: {  	v21 =	vmul.f32 v12, v37;
	v8 =	vadd.f32 v8, v57;
	v57 =	vmul.f32 v17, v34  }
0x371: {  	v2 =	vadd.f32 v2, v62;
	v14 =	vmul.f32 v14, v31;
	v15 =	vmul.f32 v54, v15  }
0x372: {  	v5 =	vadd.f32 v5, v25;
	v30 =	vmul.f32 v16, v39;
	v36 =	vmul.f32 v13, v40  }
0x373: {  	v55 =	vld [tilespmem:$0x1FAF0];
	v4 =	vadd.f32 v4, v24;
	v20 =	vmul.f32 v60, v9;
	v21 =	vmul.f32 v21, v12  }
0x374: {  	v10 =	vadd.f32 v44, v10;
	v54 =	vld [tilespmem:$0x1FBD0];
	v60 =	vmul.f32 v11, v33;
	v19 =	vmul.f32 v57, v17  }
0x375: {  	v56 =	vld [tilespmem:$0x1FB40];
	v4 =	vadd.f32 v50, v4;
	v37 =	vmul.f32 v15, v41;
	v38 =	vmul.f32 v14, v45  }
0x376: {  	v59 =	vld [tilespmem:$0x1FB20];
	v31 =	vmul.f32 v36, v13;
	v20 =	vsub.f32 $1.500000000e+00, v20;
	v30 =	vmul.f32 v30, v16  }
0x377: {  	v45 =	vld [tilespmem:$0x1FBB0];
	v21 =	vsub.f32 $1.500000000e+00, v21;
	v19 =	vsub.f32 $1.500000000e+00, v19;
	v32 =	vmul.f32 v37, v15  }
0x378: {  	v61 =	vld [tilespmem:$0x1FB60];
	v35 =	vmul.f32 v38, v14;
	v9 =	vmul.f32 v20, v9;
	v39 =	vsub.f32 $1.500000000e+00, v31  }
0x379: {  	v62 =	vld [tilespmem:$0x1FB50];
	v12 =	vmul.f32 v21, v12;
	v41 =	vsub.f32 $1.500000000e+00, v30;
	v6 =	vadd.f32 v54, v6  }
0x37a: {  	v24 =	vld [tilespmem:$0x1FB30];
	v20 =	vmul.f32 v60, v11;
	v17 =	vmul.f32 v19, v17;
	v40 =	vsub.f32 $1.500000000e+00, v32  }
0x37b: {  	v25 =	vld [tilespmem:$0x1FA90];
	v44 =	vsub.f32 $1.500000000e+00, v35;
	v13 =	vmul.f32 v39, v13;
	v16 =	vmul.f32 v41, v16  }
0x37c: {  	v33 =	vld [tilespmem:$0x1FAB0];
	v7 =	vadd.f32 v45, v7;
	v9 =	vmul.f32 v9, v55;
	v12 =	vmul.f32 v12, v59  }
0x37d: {  	v31 =	vld [tilespmem:$0x1FB10];
	v20 =	vsub.f32 $1.500000000e+00, v20;
	v41 =	vmul.f32 v47, v47;
	v15 =	vmul.f32 v40, v15  }
0x37e: {  	v63 =	vld [tilespmem:$0x1FAD0];
	v14 =	vmul.f32 v44, v14;
	v13 =	vmul.f32 v13, v56;
	v9 =	vadd.f32 v9, v9  }
0x37f: {  	v34 =	vld [tilespmem:$0x1FB00];
	v16 =	vmul.f32 v16, v24;
	v12 =	vadd.f32 v12, v12;
	v15 =	vmul.f32 v15, v22  }
0x380: {  	v32 =	vld [tilespmem:$0x1FAE0];
	v11 =	vmul.f32 v20, v11;
	v8 =	vadd.f32 v41, v8;
	v13 =	vadd.f32 v13, v13  }
0x381: {  	v35 =	vld [tilespmem:$0x1FAC0];
	v14 =	vmul.f32 v14, v62;
	v9 =	vsub.f32 v25, v9;
	v15 =	vadd.f32 v15, v15  }
0x382: {  	v30 =	vadd.f32 v16, v16;
	v16 =	vmul.f32 v17, v31;
	v12 =	vsub.f32 v33, v12  }
0x383: {  	v38 =	vld [tilespmem:$0x1FAA0];
	v14 =	vadd.f32 v14, v14;
	v15 =	vsub.f32 v61, v15  }
0x384: {  	v39 =	vld [tilespmem:$0x1FA80];
	v11 =	vmul.f32 v11, v34;
	v13 =	vsub.f32 v63, v13;
	v16 =	vadd.f32 v16, v16  }
0x385: {  	v3 =	vmul.f32 v3, v27;
	v57 =	vld [tilespmem:$0x1FB80];
	v14 =	vsub.f32 v32, v14;
	v2 =	vadd.f32 v15, v2  }
0x386: {  	v36 =	vmul.f32 v42, v23;
	v45 =	vld [tilespmem:$0x1FBA0];
	v11 =	vadd.f32 v11, v11;
	v15 =	vsub.f32 v35, v30  }
0x387: {  	v37 =	vmul.f32 v58, v28;
	v44 =	vld [tilespmem:$0x1FBF0];
	v14 =	vadd.f32 v14, v26;
	v2 =	vadd.f32 v13, v2  }
0x388: {  	v47 =	vld [tilespmem:$0x1FC30];
	v40 =	vmul.f32 v53, v53;
	v1 =	vadd.f32 v15, v1;
	v15 =	vsub.f32 v38, v16  }
0x389: {  	v54 =	vld [tilespmem:$0x1FC20];
	v11 =	vsub.f32 v39, v11;
	v12 =	vadd.f32 v12, v14;
	v2 =	vmul.f32 $5.000000000e+00, v2  }
0x38a: {  	v6 =	vmul.f32 v6, v52;
	v53 =	vld [tilespmem:$0x1FB90];
	v1 =	vadd.f32 v9, v1;
	v0 =	vadd.f32 v15, v0  }
0x38b: {  	v56 =	vld [tilespmem:$0x1FBE0];
	v42 =	vadd.f32 v40, v18;
	v12 =	vmul.f32 $5.000000000e+00, v12;
	v2 =	vadd.f32 v2, v36  }
0x38c: {  	v55 =	vld [tilespmem:$0x1FC10];
	v9 =	vmul.f32 v44, v44;
	v0 =	vadd.f32 v11, v0;
	v1 =	vmul.f32 $5.000000000e+00, v1  }
0x38d: {  	v58 =	vld [tilespmem:$0x1FB70];
	v3 =	vadd.f32 v12, v3;
	v11 =	vmul.f32 v47, v29;
	v2 =	vadd.f32 v2, v45  }
0x38e: {  	v9 =	vadd.f32 v9, v42;
	v1 =	vadd.f32 v1, v37;
	v0 =	vmul.f32 $5.000000000e+00, v0  }
0x38f: {  	v59 =	vmul.f32 v43, v43;
	v61 =	vld [tilespmem:$0x1FBC0];
	v3 =	vadd.f32 v3, v53;
	v2 =	vadd.f32 v2, v8  }
0x390: {  	v62 =	vld [tilespmem:$0x1FC00];
	v8 =	vmul.f32 v10, v54;
	v0 =	vadd.f32 v0, v11;
	v10 =	vmul.f32 v56, v56  }
0x391: {  	v3 =	vadd.f32 v3, v9;
	v1 =	vadd.f32 v1, v57;
	v2 =	vmul.f32 v2, v55  }
0x392: {  	v60 =	vmul.f32 v7, v49;
	v5 =	vadd.f32 v10, v5;
	v0 =	vadd.f32 v0, v58  }
0x393: {  	v3 =	vmul.f32 v3, v51;
	v1 =	vadd.f32 v1, v4;
	v2 =	vadd.f32 v2, v8  }
0x394: {  	v63 =	vimm.f32 $0.0e+00;
	v0 =	vadd.f32 v0, v5;
	v5 =	vadd.f32 v61, v59  }
0x395: {  	v3 =	vadd.f32 v3, v6;
	v1 =	vmul.f32 v1, v46;
	v2 =	vadd.f32 v2, v62  }
0x396: {  	v6 =	vsel vm0, $0x3F800000, v63;
	v5 =	vmul.f32 v5, v48  }
0x397: {  	v1 =	vadd.f32 v1, v60;
	v0 =	vmul.f32 v0, v6;
	v2 =	vadd.f32 v3, v2;
	_ =	sdelay $0x1  }
0x398: {  	v0 =	vadd.f32 v0, v5;
	v1 =	vadd.f32 v1, v2;
	_ =	sdelay $0x1  }
0x399: {  	v0 =	vadd.f32 v0, v1;
	v1 =	vld [tilespmem:$0x1FFF0];
	_ =	sdelay $0x1  }
.Ltmp8:
0x39a: {  	_ = 	snop;
	(pc) =	sbr.rel .LBB2_12-.Ltmp8, $2  }
0x39b: {  	_ =	sdelay $0x1  }
0x39c: {  	v0 =	vadd.f32 v0, v1;
	_ =	sdelay $0x1  }
.LBB2_13:
0x39d: {  	_ =	sfence.sel $0x180000  }
0x39e: {  	[bflag:$0x0] =	sbarrier.arrive $0xFFFF  }
0x39f: {  	_ =	strace $0x90000047  }
0x3a0: {  	s0 =	stileid.u32;
	[bflag:$0x2] =	sbarrier.arrive $0xFFFF  }
0x3a1: {  	p0 =	sne.s32 s0, $0x0;
	s0 =	rddreg [dreg:$0x3]  }
0x3a2: {  	s0 =	sadd.s32 @!p0 $0x100000, s0  }
0x3a3: {  	[sflag:s0] =	ssyncadd.tile.s32 @!p0 $0x1;
	_ =	shalt  }
.Lfunc_end2:
_tile_overlayer_lowered:
.L_overlay_start_2:
0x3a4: {  	(tag) =	ssettag $0x2  }
0x3a5: {  	s0 =	rddreg [dreg:$0x0];
	s2 =	stileid.u32  }
0x3a6: {  	s1 =	rddreg [dreg:$0x1];
	p0 =	sne.s32 s2, $0x0  }
0x3a7: {  	s3 =	rddreg [dreg:$0x2];
	[bflag:$0x3] =	sbarrier.arrive $0xFFFF;
	s2 =	simm.s32 @!p0 $0x1C05  }
0x3a8: {  	[timem:s3], [sflag:s2] =	dma.local @!p0 [hbm:s0], s1  }
0x3a9: {  	s0 =	simm.s32 @!p0 $0x5  }
0x3aa: {  	_ =	swait.ge @!p0 [sflag:s0], s1  }
0x3ab: {  	s1 =	ssub.s32 @!p0 $0x0, s1;
	[sflag:s0] =	ssyncset.done @!p0 $0x0  }
0x3ac: {  	[sflag:s0] =	ssyncadd.s32 @!p0 s1  }
0x3ad: {  	[bflag:$0x3] =	sbarrier.arrive $0xFFFF  }
0x3ae: {  	_ =	shalt  }

</sc_bundles>
